<compile_context>
chip_gen: v7x
topology: tpu7x:2x2x1
jax: 0.10.2.dev20260603
libtpu: 0.0.44.dev20260713+nightly
codegen_flags: <defaults>
</compile_context>

<pallas_src>
import jax
import jax.numpy as jnp
from jax import lax
from jax.experimental import pallas as pl
from jax.experimental.pallas import tpu as pltpu
from jax.experimental.pallas import tpu_sc as plsc

N_NODES = 10000
N_EDGES = 320000
D = 128
NC = 2
NS = 16
NW = NC * NS
CH = 80
EPS = N_EDGES // NW
TPS = EPS // CH
HALF = (TPS + 1) // 2
RPT = 624
RTAIL_BASE = NS * RPT
RTAIL = N_NODES - RTAIL_BASE

_MESH = plsc.VectorSubcoreMesh(core_axis_name="c", subcore_axis_name="s")


def _zero_rows(ref, nrows, width):
    def body(i, carry):
        for k in range(width // 16):
            ref[i, pl.ds(k * 16, 16)] = jnp.zeros((16,), jnp.float32)
        return carry
    lax.fori_loop(0, nrows, body, 0)


def _fill_ones_w(ref, nrows, width):
    def body(i, carry):
        for k in range(width // 16):
            ref[i, pl.ds(k * 16, 16)] = jnp.full((16,), 1.0, jnp.float32)
        return carry
    lax.fori_loop(0, nrows, body, 0)


def _copy_zero_region(zbuf, dst, base, total, bufrows):
    nfull = total // bufrows
    rem = total % bufrows
    for r in range(nfull):
        pltpu.sync_copy(zbuf, dst.at[pl.ds(base + r * bufrows, bufrows)])
    if rem:
        pltpu.sync_copy(zbuf.at[pl.ds(0, rem)],
                        dst.at[pl.ds(base + nfull * bufrows, rem)])


def _deg_body(dsti, d_out, ixd, ones, acc):
    c = lax.axis_index("c")
    s = lax.axis_index("s")
    w = s * NC + c
    ebase = w * EPS
    base = s * RPT
    pltpu.sync_copy(dsti.at[pl.ds(ebase, EPS)], ixd)
    _zero_rows(ones, CH, D)
    _copy_zero_region(ones, acc, base, RPT, CH)

    @pl.when(s == NS - 1)
    def _():
        pltpu.sync_copy(ones.at[pl.ds(0, RTAIL)],
                        acc.at[pl.ds(RTAIL_BASE, RTAIL)])

    _fill_ones_w(ones, CH, D)
    plsc.subcore_barrier()

    def step(t, carry):
        pltpu.sync_copy(ones, acc.at[ixd.at[pl.ds(t * CH, CH)]], add=True)
        return carry

    lax.fori_loop(0, TPS, step, 0)
    plsc.subcore_barrier()
    pltpu.sync_copy(acc.at[pl.ds(base, RPT)], d_out.at[c, pl.ds(base, RPT)])

    @pl.when(s == NS - 1)
    def _():
        pltpu.sync_copy(acc.at[pl.ds(RTAIL_BASE, RTAIL)],
                        d_out.at[c, pl.ds(RTAIL_BASE, RTAIL)])


def _seg_body(tbl, srci, dsti, g_out,
              ixs, ixd, rb0, rb1, acc, sg0, sg1):
    c = lax.axis_index("c")
    s = lax.axis_index("s")
    w = s * NC + c
    ebase = w * EPS
    base = s * RPT
    pltpu.sync_copy(srci.at[pl.ds(ebase, EPS)], ixs)
    pltpu.sync_copy(dsti.at[pl.ds(ebase, EPS)], ixd)
    _zero_rows(rb0, CH, D)
    _copy_zero_region(rb0, acc, base, RPT, CH)

    @pl.when(s == NS - 1)
    def _():
        pltpu.sync_copy(rb0.at[pl.ds(0, RTAIL)],
                        acc.at[pl.ds(RTAIL_BASE, RTAIL)])

    plsc.subcore_barrier()

    rbufs = (rb0, rb1)
    sems = (sg0, sg1)

    def issue(chunk, slot):
        pltpu.async_copy(tbl.at[ixs.at[pl.ds(chunk * CH, CH)]],
                         rbufs[slot], sems[slot])

    def drain(slot):
        pltpu.make_async_copy(tbl.at[pl.ds(0, CH)], rbufs[slot],
                              sems[slot]).wait()

    def scat(chunk, slot):
        pltpu.sync_copy(rbufs[slot],
                        acc.at[ixd.at[pl.ds(chunk * CH, CH)]], add=True)

    issue(0, 0)

    def body(i, carry):
        c0 = 2 * i

        @pl.when(c0 + 1 < TPS)
        def _():
            issue(c0 + 1, 1)

        drain(0)
        scat(c0, 0)

        @pl.when(c0 + 1 < TPS)
        def _():
            @pl.when(c0 + 2 < TPS)
            def _():
                issue(c0 + 2, 0)

            drain(1)
            scat(c0 + 1, 1)

        return carry

    lax.fori_loop(0, HALF, body, 0)
    plsc.subcore_barrier()
    pltpu.sync_copy(acc.at[pl.ds(base, RPT)], g_out.at[c, pl.ds(base, RPT)])

    @pl.when(s == NS - 1)
    def _():
        pltpu.sync_copy(acc.at[pl.ds(RTAIL_BASE, RTAIL)],
                        g_out.at[c, pl.ds(RTAIL_BASE, RTAIL)])


_deg_kernel = pl.kernel(
    _deg_body,
    out_type=[jax.ShapeDtypeStruct((NC, N_NODES, D), jnp.float32)],
    mesh=_MESH,
    scratch_types=[
        pltpu.VMEM((EPS,), jnp.int32),
        pltpu.VMEM((CH, D), jnp.float32),
        pltpu.VMEM_SHARED((N_NODES, D), jnp.float32),
    ],
    name="deg_count",
)

_seg_sum = pl.kernel(
    _seg_body,
    out_type=[jax.ShapeDtypeStruct((NC, N_NODES, D), jnp.float32)],
    mesh=_MESH,
    scratch_types=[
        pltpu.VMEM((EPS,), jnp.int32),
        pltpu.VMEM((EPS,), jnp.int32),
        pltpu.VMEM((CH, D), jnp.float32),
        pltpu.VMEM((CH, D), jnp.float32),
        pltpu.VMEM_SHARED((N_NODES, D), jnp.float32),
        pltpu.SemaphoreType.DMA,
        pltpu.SemaphoreType.DMA,
    ],
    name="seg_sum",
)


def _edge_body(ts, td, srci, dsti, a_out, b_out,
               ixs, ixd, ab0, ab1, bb0, bb1, sg0, sg1):
    c = lax.axis_index("c")
    s = lax.axis_index("s")
    w = s * NC + c
    ebase = w * EPS
    pltpu.sync_copy(srci.at[pl.ds(ebase, EPS)], ixs)
    pltpu.sync_copy(dsti.at[pl.ds(ebase, EPS)], ixd)

    abufs = (ab0, ab1)
    bbufs = (bb0, bb1)
    sems = (sg0, sg1)

    def issue(chunk, slot):
        isl = pl.ds(chunk * CH, CH)
        pltpu.async_copy(ts.at[ixs.at[isl]], abufs[slot], sems[slot])
        pltpu.async_copy(td.at[ixd.at[isl]], bbufs[slot], sems[slot])

    def drain(slot):
        pltpu.make_async_copy(ts.at[pl.ds(0, CH)], abufs[slot],
                              sems[slot]).wait()
        pltpu.make_async_copy(td.at[pl.ds(0, CH)], bbufs[slot],
                              sems[slot]).wait()

    def write(chunk, slot):
        osl = pl.ds(ebase + chunk * CH, CH)
        pltpu.sync_copy(abufs[slot], a_out.at[osl])
        pltpu.sync_copy(bbufs[slot], b_out.at[osl])

    issue(0, 0)

    def body(i, carry):
        c0 = 2 * i

        @pl.when(c0 + 1 < TPS)
        def _():
            issue(c0 + 1, 1)

        drain(0)
        write(c0, 0)

        @pl.when(c0 + 1 < TPS)
        def _():
            @pl.when(c0 + 2 < TPS)
            def _():
                issue(c0 + 2, 0)

            drain(1)
            write(c0 + 1, 1)

        return carry

    lax.fori_loop(0, HALF, body, 0)


_edge_gather = pl.kernel(
    _edge_body,
    out_type=[
        jax.ShapeDtypeStruct((N_EDGES, D), jnp.int32),
        jax.ShapeDtypeStruct((N_EDGES, D), jnp.int32),
    ],
    mesh=_MESH,
    scratch_types=[
        pltpu.VMEM((EPS,), jnp.int32),
        pltpu.VMEM((EPS,), jnp.int32),
        pltpu.VMEM((CH, D), jnp.int32),
        pltpu.VMEM((CH, D), jnp.int32),
        pltpu.VMEM((CH, D), jnp.int32),
        pltpu.VMEM((CH, D), jnp.int32),
        pltpu.SemaphoreType.DMA,
        pltpu.SemaphoreType.DMA,
    ],
    name="edge_gather",
)



_RN = 400
_NGRID = N_NODES // _RN
_EB = 512
_EGRID = N_EDGES // _EB


def _tc1_body(x_ref, g_ref, d_ref, ws_ref, wn_ref, b_ref, o_ref):
    g = g_ref[0] + g_ref[1]
    deg = jnp.maximum(d_ref[0, :, :1] + d_ref[1, :, :1], 1.0)
    neigh = g / deg
    h = (jnp.dot(x_ref[...], ws_ref[...], preferred_element_type=jnp.float32)
         + jnp.dot(neigh, wn_ref[...], preferred_element_type=jnp.float32)
         + b_ref[...])
    o_ref[...] = jnp.maximum(h, 0.0)


def _tc1(x, gp, dp, ws, wn, b):
    return pl.pallas_call(
        _tc1_body,
        grid=(_NGRID,),
        in_specs=[
            pl.BlockSpec((_RN, D), lambda i: (i, 0)),
            pl.BlockSpec((NC, _RN, D), lambda i: (0, i, 0)),
            pl.BlockSpec((NC, _RN, D), lambda i: (0, i, 0)),
            pl.BlockSpec((D, D), lambda i: (0, 0)),
            pl.BlockSpec((D, D), lambda i: (0, 0)),
            pl.BlockSpec((1, D), lambda i: (0, 0)),
        ],
        out_specs=pl.BlockSpec((_RN, D), lambda i: (i, 0)),
        out_shape=jax.ShapeDtypeStruct((N_NODES, D), jnp.float32),
    )(x, gp, dp, ws, wn, b)


def _bf16_bits(v):
    b = jax.lax.bitcast_convert_type(v, jnp.int32)
    return ((b + 0x7FFF + ((b >> 16) & 1)) >> 16) & 0xFFFF


def _pack_pair(lo, hi):
    return _bf16_bits(lo) | (_bf16_bits(hi) << 16)


def _tc2_body(x_ref, h1_ref, g_ref, d_ref, ws_ref, wn_ref, b_ref,
              wni_ref, wnj_ref, wq1_ref, wq2_ref,
              ts_ref, td_ref):
    g = g_ref[0] + g_ref[1]
    deg = jnp.maximum(d_ref[0, :, :1] + d_ref[1, :, :1], 1.0)
    neigh = g / deg
    h = (jnp.dot(h1_ref[...], ws_ref[...], preferred_element_type=jnp.float32)
         + jnp.dot(neigh, wn_ref[...], preferred_element_type=jnp.float32)
         + b_ref[...])
    x = x_ref[...]
    fni = jnp.dot(x, wni_ref[...], preferred_element_type=jnp.float32)
    fnj = jnp.dot(x, wnj_ref[...], preferred_element_type=jnp.float32)
    p1 = jnp.dot(h, wq1_ref[...], preferred_element_type=jnp.float32)
    p2 = jnp.dot(h, wq2_ref[...], preferred_element_type=jnp.float32)
    ts_ref[...] = _pack_pair(fni, p1)
    td_ref[...] = _pack_pair(fnj, p2)


def _tc2(x, h1, gp2, dp, ws2, wn2, b2, wni, wnj, wq1, wq2):
    return pl.pallas_call(
        _tc2_body,
        grid=(_NGRID,),
        in_specs=[
            pl.BlockSpec((_RN, D), lambda i: (i, 0)),
            pl.BlockSpec((_RN, D), lambda i: (i, 0)),
            pl.BlockSpec((NC, _RN, D), lambda i: (0, i, 0)),
            pl.BlockSpec((NC, _RN, D), lambda i: (0, i, 0)),
            pl.BlockSpec((D, D), lambda i: (0, 0)),
            pl.BlockSpec((D, D), lambda i: (0, 0)),
            pl.BlockSpec((1, D), lambda i: (0, 0)),
            pl.BlockSpec((D, D), lambda i: (0, 0)),
            pl.BlockSpec((D, D), lambda i: (0, 0)),
            pl.BlockSpec((D, D), lambda i: (0, 0)),
            pl.BlockSpec((D, D), lambda i: (0, 0)),
        ],
        out_specs=[
            pl.BlockSpec((_RN, D), lambda i: (i, 0)),
            pl.BlockSpec((_RN, D), lambda i: (i, 0)),
        ],
        out_shape=[
            jax.ShapeDtypeStruct((N_NODES, D), jnp.int32),
            jax.ShapeDtypeStruct((N_NODES, D), jnp.int32),
        ],
    )(x, h1, gp2, dp, ws2, wn2, b2, wni, wnj, wq1, wq2)


def _unpack_lo(v):
    return jax.lax.bitcast_convert_type(v << 16, jnp.float32)


def _unpack_hi(v):
    return jax.lax.bitcast_convert_type(v & jnp.int32(-65536), jnp.float32)


def _tc3_body(e_ref, a_ref, b_ref, wf_ref, bias_ref, wp3_ref, bp_ref, o_ref):
    ai = a_ref[...]
    bi = b_ref[...]
    s_e = _unpack_lo(ai) + _unpack_lo(bi)
    q_e = _unpack_hi(ai)[:, :16] + _unpack_hi(bi)[:, :16]
    z = (jnp.dot(e_ref[...], wf_ref[...], preferred_element_type=jnp.float32)
         + s_e + bias_ref[...])
    f = jnp.maximum(z, 0.01 * z)
    o_ref[...] = (jnp.dot(f, wp3_ref[...], preferred_element_type=jnp.float32)
                  + q_e + bp_ref[...])


def _tc3(e, a_e, b_e, wf, bias, wp3, bp):
    return pl.pallas_call(
        _tc3_body,
        grid=(_EGRID,),
        in_specs=[
            pl.BlockSpec((_EB, D), lambda i: (i, 0)),
            pl.BlockSpec((_EB, D), lambda i: (i, 0)),
            pl.BlockSpec((_EB, D), lambda i: (i, 0)),
            pl.BlockSpec((D, D), lambda i: (0, 0)),
            pl.BlockSpec((1, D), lambda i: (0, 0)),
            pl.BlockSpec((D, 16), lambda i: (0, 0)),
            pl.BlockSpec((1, 16), lambda i: (0, 0)),
        ],
        out_specs=pl.BlockSpec((_EB, 16), lambda i: (i, 0)),
        out_shape=jax.ShapeDtypeStruct((N_EDGES, 16), jnp.float32),
    )(e, a_e, b_e, wf, bias, wp3, bp)


def kernel(x, e, edge_index, W_self1, W_neigh1, b1, W_self2, W_neigh2, b2,
           W_node_src, W_ni, W_fij, W_nj, egat_bias, attn, W_pred, b_pred):
    src = edge_index[0]
    dst = edge_index[1]
    (dp,) = _deg_kernel(dst)
    (gp,) = _seg_sum(x, src, dst)
    h1 = _tc1(x, gp, dp, W_self1, W_neigh1, b1.reshape(1, D))
    (gp2,) = _seg_sum(h1, src, dst)
    wq1 = jnp.pad(W_pred[0:D], ((0, 0), (0, D - 3)))
    wq2 = jnp.pad(W_pred[D:2 * D], ((0, 0), (0, D - 3)))
    wp3 = jnp.pad(W_pred[2 * D:3 * D], ((0, 0), (0, 13)))
    ts, td = _tc2(x, h1, gp2, dp, W_self2, W_neigh2,
                  b2.reshape(1, D), W_ni, W_nj, wq1, wq2)
    a_e, b_e = _edge_gather(ts, td, src, dst)
    out16 = _tc3(e, a_e, b_e, W_fij, egat_bias.reshape(1, D), wp3,
                 jnp.pad(b_pred, (0, 13)).reshape(1, 16))
    return out16[:, :3]

# --- scband reference (transcript-rebuilt; emitter-appended) ---
"""Pipeline reference for scband-distance-model-86320252715188 (READ-ONLY COPY).

The authoritative reference and input builder live on the scoring server;
editing this copy changes nothing except your own understanding.
"""

import jax, jax.numpy as jnp
import numpy as np

N_NODES = 10000
N_EDGES = 320000
D_IN = 128
D_HID = 128
D_OUT = 128
N_CLS = 3


def _init(key, shape, fan_in):
    return jax.random.normal(key, shape, dtype=jnp.float32) / np.sqrt(fan_in)


def setup_inputs(seed: int = 0):
    key = jax.random.key(seed)
    ks = jax.random.split(key, 20)
    inp = {}
    inp['x'] = jax.random.normal(ks[0], (N_NODES, D_IN), dtype=jnp.float32)
    inp['e'] = jax.random.normal(ks[1], (N_EDGES, D_IN), dtype=jnp.float32)
    inp['edge_index'] = jax.random.randint(ks[2], (2, N_EDGES), 0, N_NODES, dtype=jnp.int32)
    inp['W_self1'] = _init(ks[3], (D_IN, D_HID), D_IN)
    inp['W_neigh1'] = _init(ks[4], (D_IN, D_HID), D_IN)
    inp['b1'] = jnp.zeros((D_HID,), dtype=jnp.float32)
    inp['W_self2'] = _init(ks[5], (D_HID, D_OUT), D_HID)
    inp['W_neigh2'] = _init(ks[6], (D_HID, D_OUT), D_HID)
    inp['b2'] = jnp.zeros((D_OUT,), dtype=jnp.float32)
    inp['W_node_src'] = _init(ks[7], (D_IN, D_OUT), D_IN)
    inp['W_ni'] = _init(ks[8], (D_IN, D_OUT), D_IN)
    inp['W_fij'] = _init(ks[9], (D_IN, D_OUT), D_IN)
    inp['W_nj'] = _init(ks[10], (D_IN, D_OUT), D_IN)
    inp['egat_bias'] = jnp.zeros((D_OUT,), dtype=jnp.float32)
    inp['attn'] = _init(ks[11], (D_OUT,), D_OUT)
    inp['W_pred'] = _init(ks[12], (3 * D_OUT, N_CLS), 3 * D_OUT)
    inp['b_pred'] = jnp.zeros((N_CLS,), dtype=jnp.float32)
    return inp


def _forward(x, e, W_self1, W_neigh1, b1, W_self2, W_neigh2, b2, W_node_src, W_ni, W_fij, W_nj, egat_bias, attn, W_pred, b_pred, src, dst):
    N = x.shape[0]
    deg = jax.ops.segment_sum(jnp.ones((src.shape[0],), dtype=x.dtype), dst, num_segments=N)
    deg = jnp.maximum(deg, 1.0)[:, None]
    # SAGEConv layer 1 (mean aggregator): fc_self(h) + fc_neigh(mean_neigh) + bias, then ReLU
    neigh1 = jax.ops.segment_sum(x[src], dst, num_segments=N) / deg
    h = x @ W_self1 + neigh1 @ W_neigh1 + b1
    h = jax.nn.relu(h)
    # SAGEConv layer 2
    neigh2 = jax.ops.segment_sum(h[src], dst, num_segments=N) / deg
    h = h @ W_self2 + neigh2 @ W_neigh2 + b2
    # EGATConv, num_heads=1
    f_ni = x @ W_ni
    f_nj = x @ W_nj
    f_fij = e @ W_fij
    f_out = jax.nn.leaky_relu(f_ni[src] + f_nj[dst] + f_fij + egat_bias, negative_slope=0.01)
    logits = (f_out * attn).sum(axis=-1)
    # edge softmax over incoming edges per destination node
    m = jax.ops.segment_max(logits, dst, num_segments=N)
    m = jnp.where(jnp.isfinite(m), m, 0.0)
    m = jax.lax.stop_gradient(m)
    ex = jnp.exp(logits - m[dst])
    denom = jax.ops.segment_sum(ex, dst, num_segments=N)
    a = ex / jnp.maximum(denom[dst], 1e-9)
    # new node feats (computed by DistanceModel but discarded downstream)
    new_node = jax.ops.segment_sum((x @ W_node_src)[src] * a[:, None], dst, num_segments=N)
    h2 = f_out  # == f_out[:, 0, :] for num_heads=1
    # MLPPredictor: score per edge from [h_src || h_dst || edge_feat]
    score = jnp.concatenate([h[src], h[dst], h2], axis=1) @ W_pred + b_pred
    return score


def reference(x, e, edge_index, W_self1, W_neigh1, b1, W_self2, W_neigh2, b2, W_node_src, W_ni, W_fij, W_nj, egat_bias, attn, W_pred, b_pred):
    src = edge_index[0]
    dst = edge_index[1]
    return _forward(x, e, W_self1, W_neigh1, b1, W_self2, W_neigh2, b2, W_node_src, W_ni, W_fij, W_nj, egat_bias, attn, W_pred, b_pred, src, dst)

if __name__ == "__main__":
    import jax
    _d = setup_inputs()
    print(jax.jit(kernel)(*tuple(_d.values())))

</pallas_src>

<mosaic_0001>
#map = affine_map<(d0, d1) -> (0)>
#map1 = affine_map<(d0, d1) -> (0, 0, 0)>
module attributes {stable_mosaic.version = 14 : i64} {
  func.func @deg_count(%arg0: i32, %arg1: i32, %arg2: memref<320000xi32, #tpu.memory_space<hbm>>, %arg3: memref<2x10000x128xf32, #tpu.memory_space<hbm>>, %arg4: memref<10000xi32, #tpu.memory_space<vmem>>, %arg5: memref<80x128xf32, #tpu.memory_space<vmem>>, %arg6: memref<10000x128xf32, #tpu.memory_space<vmem_shared>>) attributes {dimension_semantics = [#tpu.dimension_semantics<core_parallel>, #tpu.dimension_semantics<subcore_parallel>], iteration_bounds = array<i64: 2, 16>, scalar_prefetch = 0 : i64, scratch_operands = 3 : i64, tpu.core_type = #tpu.core_type<sc_vector_subcore>, window_params = [{transform_indices = #map}, {transform_indices = #map1}]} {
    %mul3A = arith.constant 2 : i32
    %mul3A_0 = arith.muli %arg1, %mul3A : i32
    %add3A = arith.addi %mul3A_0, %arg0 : i32
    %mul3A_1 = arith.constant 10000 : i32
    %mul3A_2 = arith.muli %add3A, %mul3A_1 : i32
    %mul3A_3 = arith.constant 624 : i32
    %mul3A_4 = arith.muli %arg1, %mul3A_3 : i32
    "tpu.region"() ({
      %run_scoped3A = tpu.sem_alloc : memref<!tpu.dma_semaphore, #tpu.memory_space<semaphore_mem>>
      %dma_start3A = tpu.memref_slice %arg2[%mul3A_2] : memref<320000xi32, #tpu.memory_space<hbm>> -> memref<10000xi32, #tpu.memory_space<hbm>>
      %dma_start3A_46 = tpu.memref_slice %arg2[%mul3A_2] : memref<320000xi32, #tpu.memory_space<hbm>> -> memref<10000xi32, #tpu.memory_space<hbm>>
      tpu.enqueue_dma source(%dma_start3A_46 : memref<10000xi32, #tpu.memory_space<hbm>>) target(%arg4 : memref<10000xi32, #tpu.memory_space<vmem>>) target_semaphore(%run_scoped3A : memref<!tpu.dma_semaphore, #tpu.memory_space<semaphore_mem>>)
      %dma_wait3A = tpu.memref_slice %arg2[%mul3A_2] : memref<320000xi32, #tpu.memory_space<hbm>> -> memref<10000xi32, #tpu.memory_space<hbm>>
      %dma_wait3A_47 = tpu.memref_slice %arg2[%mul3A_2] : memref<320000xi32, #tpu.memory_space<hbm>> -> memref<10000xi32, #tpu.memory_space<hbm>>
      tpu.wait_dma2 semaphore(%run_scoped3A : memref<!tpu.dma_semaphore, #tpu.memory_space<semaphore_mem>>) src(%dma_wait3A_47 : memref<10000xi32, #tpu.memory_space<hbm>>) dst(%arg4 : memref<10000xi32, #tpu.memory_space<vmem>>)
      tpu.yield
    }) : () -> ()
    %scan3A = arith.constant 0 : i32
    %scan3A_5 = arith.constant 0 : i32
    %scan3A_6 = arith.constant 80 : i32
    %scan3A_7 = arith.addi %scan3A_5, %scan3A_6 : i32
    %scan3A_8 = arith.constant 1 : i32
    scf.for %scan3A_46 = %scan3A_5 to %scan3A_7 step %scan3A_8  : i32 {
      %broadcast_in_dim3A = arith.constant 0.000000e+00 : f32
      %broadcast_in_dim3A_47 = vector.broadcast %broadcast_in_dim3A : f32 to vector<16xf32>
      %swap3A = arith.index_cast %scan3A_46 : i32 to index
      %swap3A_48 = arith.constant 0 : index
      %swap3A_49 = tpu.vector_load %arg5[%swap3A, %swap3A_48] {strides = array<i32>} : memref<80x128xf32, #tpu.memory_space<vmem>>, vector<1x16xf32>,
      %swap3A_50 = vector.shape_cast %swap3A_49 : vector<1x16xf32> to vector<16xf32>
      %swap3A_51 = vector.shape_cast %broadcast_in_dim3A_47 : vector<16xf32> to vector<1x16xf32>
      tpu.vector_store %arg5[%swap3A, %swap3A_48], %swap3A_51 {strides = array<i32>} : memref<80x128xf32, #tpu.memory_space<vmem>>, vector<1x16xf32>,
      %broadcast_in_dim3A_52 = arith.constant 0.000000e+00 : f32
      %broadcast_in_dim3A_53 = vector.broadcast %broadcast_in_dim3A_52 : f32 to vector<16xf32>
      %swap3A_54 = arith.index_cast %scan3A_46 : i32 to index
      %swap3A_55 = arith.constant 16 : index
      %swap3A_56 = tpu.vector_load %arg5[%swap3A_54, %swap3A_55] {strides = array<i32>} : memref<80x128xf32, #tpu.memory_space<vmem>>, vector<1x16xf32>,
      %swap3A_57 = vector.shape_cast %swap3A_56 : vector<1x16xf32> to vector<16xf32>
      %swap3A_58 = vector.shape_cast %broadcast_in_dim3A_53 : vector<16xf32> to vector<1x16xf32>
      tpu.vector_store %arg5[%swap3A_54, %swap3A_55], %swap3A_58 {strides = array<i32>} : memref<80x128xf32, #tpu.memory_space<vmem>>, vector<1x16xf32>,
      %broadcast_in_dim3A_59 = arith.constant 0.000000e+00 : f32
      %broadcast_in_dim3A_60 = vector.broadcast %broadcast_in_dim3A_59 : f32 to vector<16xf32>
      %swap3A_61 = arith.index_cast %scan3A_46 : i32 to index
      %swap3A_62 = arith.constant 32 : index
      %swap3A_63 = tpu.vector_load %arg5[%swap3A_61, %swap3A_62] {strides = array<i32>} : memref<80x128xf32, #tpu.memory_space<vmem>>, vector<1x16xf32>,
      %swap3A_64 = vector.shape_cast %swap3A_63 : vector<1x16xf32> to vector<16xf32>
      %swap3A_65 = vector.shape_cast %broadcast_in_dim3A_60 : vector<16xf32> to vector<1x16xf32>
      tpu.vector_store %arg5[%swap3A_61, %swap3A_62], %swap3A_65 {strides = array<i32>} : memref<80x128xf32, #tpu.memory_space<vmem>>, vector<1x16xf32>,
      %broadcast_in_dim3A_66 = arith.constant 0.000000e+00 : f32
      %broadcast_in_dim3A_67 = vector.broadcast %broadcast_in_dim3A_66 : f32 to vector<16xf32>
      %swap3A_68 = arith.index_cast %scan3A_46 : i32 to index
      %swap3A_69 = arith.constant 48 : index
      %swap3A_70 = tpu.vector_load %arg5[%swap3A_68, %swap3A_69] {strides = array<i32>} : memref<80x128xf32, #tpu.memory_space<vmem>>, vector<1x16xf32>,
      %swap3A_71 = vector.shape_cast %swap3A_70 : vector<1x16xf32> to vector<16xf32>
      %swap3A_72 = vector.shape_cast %broadcast_in_dim3A_67 : vector<16xf32> to vector<1x16xf32>
      tpu.vector_store %arg5[%swap3A_68, %swap3A_69], %swap3A_72 {strides = array<i32>} : memref<80x128xf32, #tpu.memory_space<vmem>>, vector<1x16xf32>,
      %broadcast_in_dim3A_73 = arith.constant 0.000000e+00 : f32
      %broadcast_in_dim3A_74 = vector.broadcast %broadcast_in_dim3A_73 : f32 to vector<16xf32>
      %swap3A_75 = arith.index_cast %scan3A_46 : i32 to index
      %swap3A_76 = arith.constant 64 : index
      %swap3A_77 = tpu.vector_load %arg5[%swap3A_75, %swap3A_76] {strides = array<i32>} : memref<80x128xf32, #tpu.memory_space<vmem>>, vector<1x16xf32>,
      %swap3A_78 = vector.shape_cast %swap3A_77 : vector<1x16xf32> to vector<16xf32>
      %swap3A_79 = vector.shape_cast %broadcast_in_dim3A_74 : vector<16xf32> to vector<1x16xf32>
      tpu.vector_store %arg5[%swap3A_75, %swap3A_76], %swap3A_79 {strides = array<i32>} : memref<80x128xf32, #tpu.memory_space<vmem>>, vector<1x16xf32>,
      %broadcast_in_dim3A_80 = arith.constant 0.000000e+00 : f32
      %broadcast_in_dim3A_81 = vector.broadcast %broadcast_in_dim3A_80 : f32 to vector<16xf32>
      %swap3A_82 = arith.index_cast %scan3A_46 : i32 to index
      %swap3A_83 = arith.constant 80 : index
      %swap3A_84 = tpu.vector_load %arg5[%swap3A_82, %swap3A_83] {strides = array<i32>} : memref<80x128xf32, #tpu.memory_space<vmem>>, vector<1x16xf32>,
      %swap3A_85 = vector.shape_cast %swap3A_84 : vector<1x16xf32> to vector<16xf32>
      %swap3A_86 = vector.shape_cast %broadcast_in_dim3A_81 : vector<16xf32> to vector<1x16xf32>
      tpu.vector_store %arg5[%swap3A_82, %swap3A_83], %swap3A_86 {strides = array<i32>} : memref<80x128xf32, #tpu.memory_space<vmem>>, vector<1x16xf32>,
      %broadcast_in_dim3A_87 = arith.constant 0.000000e+00 : f32
      %broadcast_in_dim3A_88 = vector.broadcast %broadcast_in_dim3A_87 : f32 to vector<16xf32>
      %swap3A_89 = arith.index_cast %scan3A_46 : i32 to index
      %swap3A_90 = arith.constant 96 : index
      %swap3A_91 = tpu.vector_load %arg5[%swap3A_89, %swap3A_90] {strides = array<i32>} : memref<80x128xf32, #tpu.memory_space<vmem>>, vector<1x16xf32>,
      %swap3A_92 = vector.shape_cast %swap3A_91 : vector<1x16xf32> to vector<16xf32>
      %swap3A_93 = vector.shape_cast %broadcast_in_dim3A_88 : vector<16xf32> to vector<1x16xf32>
      tpu.vector_store %arg5[%swap3A_89, %swap3A_90], %swap3A_93 {strides = array<i32>} : memref<80x128xf32, #tpu.memory_space<vmem>>, vector<1x16xf32>,
      %broadcast_in_dim3A_94 = arith.constant 0.000000e+00 : f32
      %broadcast_in_dim3A_95 = vector.broadcast %broadcast_in_dim3A_94 : f32 to vector<16xf32>
      %swap3A_96 = arith.index_cast %scan3A_46 : i32 to index
      %swap3A_97 = arith.constant 112 : index
      %swap3A_98 = tpu.vector_load %arg5[%swap3A_96, %swap3A_97] {strides = array<i32>} : memref<80x128xf32, #tpu.memory_space<vmem>>, vector<1x16xf32>,
      %swap3A_99 = vector.shape_cast %swap3A_98 : vector<1x16xf32> to vector<16xf32>
      %swap3A_100 = vector.shape_cast %broadcast_in_dim3A_95 : vector<16xf32> to vector<1x16xf32>
      tpu.vector_store %arg5[%swap3A_96, %swap3A_97], %swap3A_100 {strides = array<i32>} : memref<80x128xf32, #tpu.memory_space<vmem>>, vector<1x16xf32>,
    }
    %scan3A_9 = arith.constant 80 : i32
    %add3A_10 = arith.constant 0 : i32
    %add3A_11 = arith.addi %mul3A_4, %add3A_10 : i32
    "tpu.region"() ({
      %run_scoped3A = tpu.sem_alloc : memref<!tpu.dma_semaphore, #tpu.memory_space<semaphore_mem>>
      %dma_start3A = arith.constant 0 : i32
      %dma_start3A_46 = tpu.memref_slice %arg6[%add3A_11, %dma_start3A] : memref<10000x128xf32, #tpu.memory_space<vmem_shared>> -> memref<80x128xf32, #tpu.memory_space<vmem_shared>>
      %dma_start3A_47 = arith.constant 0 : i32
      %dma_start3A_48 = tpu.memref_slice %arg6[%add3A_11, %dma_start3A_47] : memref<10000x128xf32, #tpu.memory_space<vmem_shared>> -> memref<80x128xf32, #tpu.memory_space<vmem_shared>>
      tpu.enqueue_dma source(%arg5 : memref<80x128xf32, #tpu.memory_space<vmem>>) target(%dma_start3A_48 : memref<80x128xf32, #tpu.memory_space<vmem_shared>>) target_semaphore(%run_scoped3A : memref<!tpu.dma_semaphore, #tpu.memory_space<semaphore_mem>>)
      %dma_wait3A = arith.constant 0 : i32
      %dma_wait3A_49 = tpu.memref_slice %arg6[%add3A_11, %dma_wait3A] : memref<10000x128xf32, #tpu.memory_space<vmem_shared>> -> memref<80x128xf32, #tpu.memory_space<vmem_shared>>
      %dma_wait3A_50 = arith.constant 0 : i32
      %dma_wait3A_51 = tpu.memref_slice %arg6[%add3A_11, %dma_wait3A_50] : memref<10000x128xf32, #tpu.memory_space<vmem_shared>> -> memref<80x128xf32, #tpu.memory_space<vmem_shared>>
      tpu.wait_dma2 semaphore(%run_scoped3A : memref<!tpu.dma_semaphore, #tpu.memory_space<semaphore_mem>>) src(%arg5 : memref<80x128xf32, #tpu.memory_space<vmem>>) dst(%dma_wait3A_51 : memref<80x128xf32, #tpu.memory_space<vmem_shared>>)
      tpu.yield
    }) : () -> ()
    %add3A_12 = arith.constant 80 : i32
    %add3A_13 = arith.addi %mul3A_4, %add3A_12 : i32
    "tpu.region"() ({
      %run_scoped3A = tpu.sem_alloc : memref<!tpu.dma_semaphore, #tpu.memory_space<semaphore_mem>>
      %dma_start3A = arith.constant 0 : i32
      %dma_start3A_46 = tpu.memref_slice %arg6[%add3A_13, %dma_start3A] : memref<10000x128xf32, #tpu.memory_space<vmem_shared>> -> memref<80x128xf32, #tpu.memory_space<vmem_shared>>
      %dma_start3A_47 = arith.constant 0 : i32
      %dma_start3A_48 = tpu.memref_slice %arg6[%add3A_13, %dma_start3A_47] : memref<10000x128xf32, #tpu.memory_space<vmem_shared>> -> memref<80x128xf32, #tpu.memory_space<vmem_shared>>
      tpu.enqueue_dma source(%arg5 : memref<80x128xf32, #tpu.memory_space<vmem>>) target(%dma_start3A_48 : memref<80x128xf32, #tpu.memory_space<vmem_shared>>) target_semaphore(%run_scoped3A : memref<!tpu.dma_semaphore, #tpu.memory_space<semaphore_mem>>)
      %dma_wait3A = arith.constant 0 : i32
      %dma_wait3A_49 = tpu.memref_slice %arg6[%add3A_13, %dma_wait3A] : memref<10000x128xf32, #tpu.memory_space<vmem_shared>> -> memref<80x128xf32, #tpu.memory_space<vmem_shared>>
      %dma_wait3A_50 = arith.constant 0 : i32
      %dma_wait3A_51 = tpu.memref_slice %arg6[%add3A_13, %dma_wait3A_50] : memref<10000x128xf32, #tpu.memory_space<vmem_shared>> -> memref<80x128xf32, #tpu.memory_space<vmem_shared>>
      tpu.wait_dma2 semaphore(%run_scoped3A : memref<!tpu.dma_semaphore, #tpu.memory_space<semaphore_mem>>) src(%arg5 : memref<80x128xf32, #tpu.memory_space<vmem>>) dst(%dma_wait3A_51 : memref<80x128xf32, #tpu.memory_space<vmem_shared>>)
      tpu.yield
    }) : () -> ()
    %add3A_14 = arith.constant 160 : i32
    %add3A_15 = arith.addi %mul3A_4, %add3A_14 : i32
    "tpu.region"() ({
      %run_scoped3A = tpu.sem_alloc : memref<!tpu.dma_semaphore, #tpu.memory_space<semaphore_mem>>
      %dma_start3A = arith.constant 0 : i32
      %dma_start3A_46 = tpu.memref_slice %arg6[%add3A_15, %dma_start3A] : memref<10000x128xf32, #tpu.memory_space<vmem_shared>> -> memref<80x128xf32, #tpu.memory_space<vmem_shared>>
      %dma_start3A_47 = arith.constant 0 : i32
      %dma_start3A_48 = tpu.memref_slice %arg6[%add3A_15, %dma_start3A_47] : memref<10000x128xf32, #tpu.memory_space<vmem_shared>> -> memref<80x128xf32, #tpu.memory_space<vmem_shared>>
      tpu.enqueue_dma source(%arg5 : memref<80x128xf32, #tpu.memory_space<vmem>>) target(%dma_start3A_48 : memref<80x128xf32, #tpu.memory_space<vmem_shared>>) target_semaphore(%run_scoped3A : memref<!tpu.dma_semaphore, #tpu.memory_space<semaphore_mem>>)
      %dma_wait3A = arith.constant 0 : i32
      %dma_wait3A_49 = tpu.memref_slice %arg6[%add3A_15, %dma_wait3A] : memref<10000x128xf32, #tpu.memory_space<vmem_shared>> -> memref<80x128xf32, #tpu.memory_space<vmem_shared>>
      %dma_wait3A_50 = arith.constant 0 : i32
      %dma_wait3A_51 = tpu.memref_slice %arg6[%add3A_15, %dma_wait3A_50] : memref<10000x128xf32, #tpu.memory_space<vmem_shared>> -> memref<80x128xf32, #tpu.memory_space<vmem_shared>>
      tpu.wait_dma2 semaphore(%run_scoped3A : memref<!tpu.dma_semaphore, #tpu.memory_space<semaphore_mem>>) src(%arg5 : memref<80x128xf32, #tpu.memory_space<vmem>>) dst(%dma_wait3A_51 : memref<80x128xf32, #tpu.memory_space<vmem_shared>>)
      tpu.yield
    }) : () -> ()
    %add3A_16 = arith.constant 240 : i32
    %add3A_17 = arith.addi %mul3A_4, %add3A_16 : i32
    "tpu.region"() ({
      %run_scoped3A = tpu.sem_alloc : memref<!tpu.dma_semaphore, #tpu.memory_space<semaphore_mem>>
      %dma_start3A = arith.constant 0 : i32
      %dma_start3A_46 = tpu.memref_slice %arg6[%add3A_17, %dma_start3A] : memref<10000x128xf32, #tpu.memory_space<vmem_shared>> -> memref<80x128xf32, #tpu.memory_space<vmem_shared>>
      %dma_start3A_47 = arith.constant 0 : i32
      %dma_start3A_48 = tpu.memref_slice %arg6[%add3A_17, %dma_start3A_47] : memref<10000x128xf32, #tpu.memory_space<vmem_shared>> -> memref<80x128xf32, #tpu.memory_space<vmem_shared>>
      tpu.enqueue_dma source(%arg5 : memref<80x128xf32, #tpu.memory_space<vmem>>) target(%dma_start3A_48 : memref<80x128xf32, #tpu.memory_space<vmem_shared>>) target_semaphore(%run_scoped3A : memref<!tpu.dma_semaphore, #tpu.memory_space<semaphore_mem>>)
      %dma_wait3A = arith.constant 0 : i32
      %dma_wait3A_49 = tpu.memref_slice %arg6[%add3A_17, %dma_wait3A] : memref<10000x128xf32, #tpu.memory_space<vmem_shared>> -> memref<80x128xf32, #tpu.memory_space<vmem_shared>>
      %dma_wait3A_50 = arith.constant 0 : i32
      %dma_wait3A_51 = tpu.memref_slice %arg6[%add3A_17, %dma_wait3A_50] : memref<10000x128xf32, #tpu.memory_space<vmem_shared>> -> memref<80x128xf32, #tpu.memory_space<vmem_shared>>
      tpu.wait_dma2 semaphore(%run_scoped3A : memref<!tpu.dma_semaphore, #tpu.memory_space<semaphore_mem>>) src(%arg5 : memref<80x128xf32, #tpu.memory_space<vmem>>) dst(%dma_wait3A_51 : memref<80x128xf32, #tpu.memory_space<vmem_shared>>)
      tpu.yield
    }) : () -> ()
    %add3A_18 = arith.constant 320 : i32
    %add3A_19 = arith.addi %mul3A_4, %add3A_18 : i32
    "tpu.region"() ({
      %run_scoped3A = tpu.sem_alloc : memref<!tpu.dma_semaphore, #tpu.memory_space<semaphore_mem>>
      %dma_start3A = arith.constant 0 : i32
      %dma_start3A_46 = tpu.memref_slice %arg6[%add3A_19, %dma_start3A] : memref<10000x128xf32, #tpu.memory_space<vmem_shared>> -> memref<80x128xf32, #tpu.memory_space<vmem_shared>>
      %dma_start3A_47 = arith.constant 0 : i32
      %dma_start3A_48 = tpu.memref_slice %arg6[%add3A_19, %dma_start3A_47] : memref<10000x128xf32, #tpu.memory_space<vmem_shared>> -> memref<80x128xf32, #tpu.memory_space<vmem_shared>>
      tpu.enqueue_dma source(%arg5 : memref<80x128xf32, #tpu.memory_space<vmem>>) target(%dma_start3A_48 : memref<80x128xf32, #tpu.memory_space<vmem_shared>>) target_semaphore(%run_scoped3A : memref<!tpu.dma_semaphore, #tpu.memory_space<semaphore_mem>>)
      %dma_wait3A = arith.constant 0 : i32
      %dma_wait3A_49 = tpu.memref_slice %arg6[%add3A_19, %dma_wait3A] : memref<10000x128xf32, #tpu.memory_space<vmem_shared>> -> memref<80x128xf32, #tpu.memory_space<vmem_shared>>
      %dma_wait3A_50 = arith.constant 0 : i32
      %dma_wait3A_51 = tpu.memref_slice %arg6[%add3A_19, %dma_wait3A_50] : memref<10000x128xf32, #tpu.memory_space<vmem_shared>> -> memref<80x128xf32, #tpu.memory_space<vmem_shared>>
      tpu.wait_dma2 semaphore(%run_scoped3A : memref<!tpu.dma_semaphore, #tpu.memory_space<semaphore_mem>>) src(%arg5 : memref<80x128xf32, #tpu.memory_space<vmem>>) dst(%dma_wait3A_51 : memref<80x128xf32, #tpu.memory_space<vmem_shared>>)
      tpu.yield
    }) : () -> ()
    %add3A_20 = arith.constant 400 : i32
    %add3A_21 = arith.addi %mul3A_4, %add3A_20 : i32
    "tpu.region"() ({
      %run_scoped3A = tpu.sem_alloc : memref<!tpu.dma_semaphore, #tpu.memory_space<semaphore_mem>>
      %dma_start3A = arith.constant 0 : i32
      %dma_start3A_46 = tpu.memref_slice %arg6[%add3A_21, %dma_start3A] : memref<10000x128xf32, #tpu.memory_space<vmem_shared>> -> memref<80x128xf32, #tpu.memory_space<vmem_shared>>
      %dma_start3A_47 = arith.constant 0 : i32
      %dma_start3A_48 = tpu.memref_slice %arg6[%add3A_21, %dma_start3A_47] : memref<10000x128xf32, #tpu.memory_space<vmem_shared>> -> memref<80x128xf32, #tpu.memory_space<vmem_shared>>
      tpu.enqueue_dma source(%arg5 : memref<80x128xf32, #tpu.memory_space<vmem>>) target(%dma_start3A_48 : memref<80x128xf32, #tpu.memory_space<vmem_shared>>) target_semaphore(%run_scoped3A : memref<!tpu.dma_semaphore, #tpu.memory_space<semaphore_mem>>)
      %dma_wait3A = arith.constant 0 : i32
      %dma_wait3A_49 = tpu.memref_slice %arg6[%add3A_21, %dma_wait3A] : memref<10000x128xf32, #tpu.memory_space<vmem_shared>> -> memref<80x128xf32, #tpu.memory_space<vmem_shared>>
      %dma_wait3A_50 = arith.constant 0 : i32
      %dma_wait3A_51 = tpu.memref_slice %arg6[%add3A_21, %dma_wait3A_50] : memref<10000x128xf32, #tpu.memory_space<vmem_shared>> -> memref<80x128xf32, #tpu.memory_space<vmem_shared>>
      tpu.wait_dma2 semaphore(%run_scoped3A : memref<!tpu.dma_semaphore, #tpu.memory_space<semaphore_mem>>) src(%arg5 : memref<80x128xf32, #tpu.memory_space<vmem>>) dst(%dma_wait3A_51 : memref<80x128xf32, #tpu.memory_space<vmem_shared>>)
      tpu.yield
    }) : () -> ()
    %add3A_22 = arith.constant 480 : i32
    %add3A_23 = arith.addi %mul3A_4, %add3A_22 : i32
    "tpu.region"() ({
      %run_scoped3A = tpu.sem_alloc : memref<!tpu.dma_semaphore, #tpu.memory_space<semaphore_mem>>
      %dma_start3A = arith.constant 0 : i32
      %dma_start3A_46 = tpu.memref_slice %arg6[%add3A_23, %dma_start3A] : memref<10000x128xf32, #tpu.memory_space<vmem_shared>> -> memref<80x128xf32, #tpu.memory_space<vmem_shared>>
      %dma_start3A_47 = arith.constant 0 : i32
      %dma_start3A_48 = tpu.memref_slice %arg6[%add3A_23, %dma_start3A_47] : memref<10000x128xf32, #tpu.memory_space<vmem_shared>> -> memref<80x128xf32, #tpu.memory_space<vmem_shared>>
      tpu.enqueue_dma source(%arg5 : memref<80x128xf32, #tpu.memory_space<vmem>>) target(%dma_start3A_48 : memref<80x128xf32, #tpu.memory_space<vmem_shared>>) target_semaphore(%run_scoped3A : memref<!tpu.dma_semaphore, #tpu.memory_space<semaphore_mem>>)
      %dma_wait3A = arith.constant 0 : i32
      %dma_wait3A_49 = tpu.memref_slice %arg6[%add3A_23, %dma_wait3A] : memref<10000x128xf32, #tpu.memory_space<vmem_shared>> -> memref<80x128xf32, #tpu.memory_space<vmem_shared>>
      %dma_wait3A_50 = arith.constant 0 : i32
      %dma_wait3A_51 = tpu.memref_slice %arg6[%add3A_23, %dma_wait3A_50] : memref<10000x128xf32, #tpu.memory_space<vmem_shared>> -> memref<80x128xf32, #tpu.memory_space<vmem_shared>>
      tpu.wait_dma2 semaphore(%run_scoped3A : memref<!tpu.dma_semaphore, #tpu.memory_space<semaphore_mem>>) src(%arg5 : memref<80x128xf32, #tpu.memory_space<vmem>>) dst(%dma_wait3A_51 : memref<80x128xf32, #tpu.memory_space<vmem_shared>>)
      tpu.yield
    }) : () -> ()
    %add3A_24 = arith.constant 560 : i32
    %add3A_25 = arith.addi %mul3A_4, %add3A_24 : i32
    "tpu.region"() ({
      %run_scoped3A = tpu.sem_alloc : memref<!tpu.dma_semaphore, #tpu.memory_space<semaphore_mem>>
      %dma_start3A = arith.constant 0 : i32
      %dma_start3A_46 = arith.constant 0 : i32
      %dma_start3A_47 = tpu.memref_slice %arg5[%dma_start3A, %dma_start3A_46] : memref<80x128xf32, #tpu.memory_space<vmem>> -> memref<64x128xf32, #tpu.memory_space<vmem>>
      %dma_start3A_48 = arith.constant 0 : i32
      %dma_start3A_49 = tpu.memref_slice %arg6[%add3A_25, %dma_start3A_48] : memref<10000x128xf32, #tpu.memory_space<vmem_shared>> -> memref<64x128xf32, #tpu.memory_space<vmem_shared>>
      %dma_start3A_50 = arith.constant 0 : i32
      %dma_start3A_51 = tpu.memref_slice %arg6[%add3A_25, %dma_start3A_50] : memref<10000x128xf32, #tpu.memory_space<vmem_shared>> -> memref<64x128xf32, #tpu.memory_space<vmem_shared>>
      %dma_start3A_52 = arith.constant 0 : i32
      %dma_start3A_53 = arith.constant 0 : i32
      %dma_start3A_54 = tpu.memref_slice %arg5[%dma_start3A_52, %dma_start3A_53] : memref<80x128xf32, #tpu.memory_space<vmem>> -> memref<64x128xf32, #tpu.memory_space<vmem>>
      tpu.enqueue_dma source(%dma_start3A_54 : memref<64x128xf32, #tpu.memory_space<vmem>>) target(%dma_start3A_51 : memref<64x128xf32, #tpu.memory_space<vmem_shared>>) target_semaphore(%run_scoped3A : memref<!tpu.dma_semaphore, #tpu.memory_space<semaphore_mem>>)
      %dma_wait3A = arith.constant 0 : i32
      %dma_wait3A_55 = arith.constant 0 : i32
      %dma_wait3A_56 = tpu.memref_slice %arg5[%dma_wait3A, %dma_wait3A_55] : memref<80x128xf32, #tpu.memory_space<vmem>> -> memref<64x128xf32, #tpu.memory_space<vmem>>
      %dma_wait3A_57 = arith.constant 0 : i32
      %dma_wait3A_58 = tpu.memref_slice %arg6[%add3A_25, %dma_wait3A_57] : memref<10000x128xf32, #tpu.memory_space<vmem_shared>> -> memref<64x128xf32, #tpu.memory_space<vmem_shared>>
      %dma_wait3A_59 = arith.constant 0 : i32
      %dma_wait3A_60 = tpu.memref_slice %arg6[%add3A_25, %dma_wait3A_59] : memref<10000x128xf32, #tpu.memory_space<vmem_shared>> -> memref<64x128xf32, #tpu.memory_space<vmem_shared>>
      %dma_wait3A_61 = arith.constant 0 : i32
      %dma_wait3A_62 = arith.constant 0 : i32
      %dma_wait3A_63 = tpu.memref_slice %arg5[%dma_wait3A_61, %dma_wait3A_62] : memref<80x128xf32, #tpu.memory_space<vmem>> -> memref<64x128xf32, #tpu.memory_space<vmem>>
      tpu.wait_dma2 semaphore(%run_scoped3A : memref<!tpu.dma_semaphore, #tpu.memory_space<semaphore_mem>>) src(%dma_wait3A_63 : memref<64x128xf32, #tpu.memory_space<vmem>>) dst(%dma_wait3A_60 : memref<64x128xf32, #tpu.memory_space<vmem_shared>>)
      tpu.yield
    }) : () -> ()
    %eq3A = arith.constant 15 : i32
    %eq3A_26 = arith.cmpi eq, %arg1, %eq3A : i32
    %convert_element_type3A = arith.extui %eq3A_26 : i1 to i32
    %cond3A = arith.constant 0 : i32
    %cond3A_27 = arith.cmpi ne, %convert_element_type3A, %cond3A : i32
    scf.if %cond3A_27 {
      "tpu.region"() ({
        %run_scoped3A = tpu.sem_alloc : memref<!tpu.dma_semaphore, #tpu.memory_space<semaphore_mem>>
        %dma_start3A = arith.constant 0 : i32
        %dma_start3A_46 = arith.constant 0 : i32
        %dma_start3A_47 = tpu.memref_slice %arg5[%dma_start3A, %dma_start3A_46] : memref<80x128xf32, #tpu.memory_space<vmem>> -> memref<16x128xf32, #tpu.memory_space<vmem>>
        %dma_start3A_48 = arith.constant 9984 : i32
        %dma_start3A_49 = arith.constant 0 : i32
        %dma_start3A_50 = tpu.memref_slice %arg6[%dma_start3A_48, %dma_start3A_49] : memref<10000x128xf32, #tpu.memory_space<vmem_shared>> -> memref<16x128xf32, #tpu.memory_space<vmem_shared>>
        %dma_start3A_51 = arith.constant 9984 : i32
        %dma_start3A_52 = arith.constant 0 : i32
        %dma_start3A_53 = tpu.memref_slice %arg6[%dma_start3A_51, %dma_start3A_52] : memref<10000x128xf32, #tpu.memory_space<vmem_shared>> -> memref<16x128xf32, #tpu.memory_space<vmem_shared>>
        %dma_start3A_54 = arith.constant 0 : i32
        %dma_start3A_55 = arith.constant 0 : i32
        %dma_start3A_56 = tpu.memref_slice %arg5[%dma_start3A_54, %dma_start3A_55] : memref<80x128xf32, #tpu.memory_space<vmem>> -> memref<16x128xf32, #tpu.memory_space<vmem>>
        tpu.enqueue_dma source(%dma_start3A_56 : memref<16x128xf32, #tpu.memory_space<vmem>>) target(%dma_start3A_53 : memref<16x128xf32, #tpu.memory_space<vmem_shared>>) target_semaphore(%run_scoped3A : memref<!tpu.dma_semaphore, #tpu.memory_space<semaphore_mem>>)
        %dma_wait3A = arith.constant 0 : i32
        %dma_wait3A_57 = arith.constant 0 : i32
        %dma_wait3A_58 = tpu.memref_slice %arg5[%dma_wait3A, %dma_wait3A_57] : memref<80x128xf32, #tpu.memory_space<vmem>> -> memref<16x128xf32, #tpu.memory_space<vmem>>
        %dma_wait3A_59 = arith.constant 9984 : i32
        %dma_wait3A_60 = arith.constant 0 : i32
        %dma_wait3A_61 = tpu.memref_slice %arg6[%dma_wait3A_59, %dma_wait3A_60] : memref<10000x128xf32, #tpu.memory_space<vmem_shared>> -> memref<16x128xf32, #tpu.memory_space<vmem_shared>>
        %dma_wait3A_62 = arith.constant 9984 : i32
        %dma_wait3A_63 = arith.constant 0 : i32
        %dma_wait3A_64 = tpu.memref_slice %arg6[%dma_wait3A_62, %dma_wait3A_63] : memref<10000x128xf32, #tpu.memory_space<vmem_shared>> -> memref<16x128xf32, #tpu.memory_space<vmem_shared>>
        %dma_wait3A_65 = arith.constant 0 : i32
        %dma_wait3A_66 = arith.constant 0 : i32
        %dma_wait3A_67 = tpu.memref_slice %arg5[%dma_wait3A_65, %dma_wait3A_66] : memref<80x128xf32, #tpu.memory_space<vmem>> -> memref<16x128xf32, #tpu.memory_space<vmem>>
        tpu.wait_dma2 semaphore(%run_scoped3A : memref<!tpu.dma_semaphore, #tpu.memory_space<semaphore_mem>>) src(%dma_wait3A_67 : memref<16x128xf32, #tpu.memory_space<vmem>>) dst(%dma_wait3A_64 : memref<16x128xf32, #tpu.memory_space<vmem_shared>>)
        tpu.yield
      }) : () -> ()
    } else {
    }
    %scan3A_28 = arith.constant 0 : i32
    %scan3A_29 = arith.constant 0 : i32
    %scan3A_30 = arith.constant 80 : i32
    %scan3A_31 = arith.addi %scan3A_29, %scan3A_30 : i32
    %scan3A_32 = arith.constant 1 : i32
    scf.for %scan3A_46 = %scan3A_29 to %scan3A_31 step %scan3A_32  : i32 {
      %broadcast_in_dim3A = arith.constant 1.000000e+00 : f32
      %broadcast_in_dim3A_47 = vector.broadcast %broadcast_in_dim3A : f32 to vector<16xf32>
      %swap3A = arith.index_cast %scan3A_46 : i32 to index
      %swap3A_48 = arith.constant 0 : index
      %swap3A_49 = tpu.vector_load %arg5[%swap3A, %swap3A_48] {strides = array<i32>} : memref<80x128xf32, #tpu.memory_space<vmem>>, vector<1x16xf32>,
      %swap3A_50 = vector.shape_cast %swap3A_49 : vector<1x16xf32> to vector<16xf32>
      %swap3A_51 = vector.shape_cast %broadcast_in_dim3A_47 : vector<16xf32> to vector<1x16xf32>
      tpu.vector_store %arg5[%swap3A, %swap3A_48], %swap3A_51 {strides = array<i32>} : memref<80x128xf32, #tpu.memory_space<vmem>>, vector<1x16xf32>,
      %broadcast_in_dim3A_52 = arith.constant 1.000000e+00 : f32
      %broadcast_in_dim3A_53 = vector.broadcast %broadcast_in_dim3A_52 : f32 to vector<16xf32>
      %swap3A_54 = arith.index_cast %scan3A_46 : i32 to index
      %swap3A_55 = arith.constant 16 : index
      %swap3A_56 = tpu.vector_load %arg5[%swap3A_54, %swap3A_55] {strides = array<i32>} : memref<80x128xf32, #tpu.memory_space<vmem>>, vector<1x16xf32>,
      %swap3A_57 = vector.shape_cast %swap3A_56 : vector<1x16xf32> to vector<16xf32>
      %swap3A_58 = vector.shape_cast %broadcast_in_dim3A_53 : vector<16xf32> to vector<1x16xf32>
      tpu.vector_store %arg5[%swap3A_54, %swap3A_55], %swap3A_58 {strides = array<i32>} : memref<80x128xf32, #tpu.memory_space<vmem>>, vector<1x16xf32>,
      %broadcast_in_dim3A_59 = arith.constant 1.000000e+00 : f32
      %broadcast_in_dim3A_60 = vector.broadcast %broadcast_in_dim3A_59 : f32 to vector<16xf32>
      %swap3A_61 = arith.index_cast %scan3A_46 : i32 to index
      %swap3A_62 = arith.constant 32 : index
      %swap3A_63 = tpu.vector_load %arg5[%swap3A_61, %swap3A_62] {strides = array<i32>} : memref<80x128xf32, #tpu.memory_space<vmem>>, vector<1x16xf32>,
      %swap3A_64 = vector.shape_cast %swap3A_63 : vector<1x16xf32> to vector<16xf32>
      %swap3A_65 = vector.shape_cast %broadcast_in_dim3A_60 : vector<16xf32> to vector<1x16xf32>
      tpu.vector_store %arg5[%swap3A_61, %swap3A_62], %swap3A_65 {strides = array<i32>} : memref<80x128xf32, #tpu.memory_space<vmem>>, vector<1x16xf32>,
      %broadcast_in_dim3A_66 = arith.constant 1.000000e+00 : f32
      %broadcast_in_dim3A_67 = vector.broadcast %broadcast_in_dim3A_66 : f32 to vector<16xf32>
      %swap3A_68 = arith.index_cast %scan3A_46 : i32 to index
      %swap3A_69 = arith.constant 48 : index
      %swap3A_70 = tpu.vector_load %arg5[%swap3A_68, %swap3A_69] {strides = array<i32>} : memref<80x128xf32, #tpu.memory_space<vmem>>, vector<1x16xf32>,
      %swap3A_71 = vector.shape_cast %swap3A_70 : vector<1x16xf32> to vector<16xf32>
      %swap3A_72 = vector.shape_cast %broadcast_in_dim3A_67 : vector<16xf32> to vector<1x16xf32>
      tpu.vector_store %arg5[%swap3A_68, %swap3A_69], %swap3A_72 {strides = array<i32>} : memref<80x128xf32, #tpu.memory_space<vmem>>, vector<1x16xf32>,
      %broadcast_in_dim3A_73 = arith.constant 1.000000e+00 : f32
      %broadcast_in_dim3A_74 = vector.broadcast %broadcast_in_dim3A_73 : f32 to vector<16xf32>
      %swap3A_75 = arith.index_cast %scan3A_46 : i32 to index
      %swap3A_76 = arith.constant 64 : index
      %swap3A_77 = tpu.vector_load %arg5[%swap3A_75, %swap3A_76] {strides = array<i32>} : memref<80x128xf32, #tpu.memory_space<vmem>>, vector<1x16xf32>,
      %swap3A_78 = vector.shape_cast %swap3A_77 : vector<1x16xf32> to vector<16xf32>
      %swap3A_79 = vector.shape_cast %broadcast_in_dim3A_74 : vector<16xf32> to vector<1x16xf32>
      tpu.vector_store %arg5[%swap3A_75, %swap3A_76], %swap3A_79 {strides = array<i32>} : memref<80x128xf32, #tpu.memory_space<vmem>>, vector<1x16xf32>,
      %broadcast_in_dim3A_80 = arith.constant 1.000000e+00 : f32
      %broadcast_in_dim3A_81 = vector.broadcast %broadcast_in_dim3A_80 : f32 to vector<16xf32>
      %swap3A_82 = arith.index_cast %scan3A_46 : i32 to index
      %swap3A_83 = arith.constant 80 : index
      %swap3A_84 = tpu.vector_load %arg5[%swap3A_82, %swap3A_83] {strides = array<i32>} : memref<80x128xf32, #tpu.memory_space<vmem>>, vector<1x16xf32>,
      %swap3A_85 = vector.shape_cast %swap3A_84 : vector<1x16xf32> to vector<16xf32>
      %swap3A_86 = vector.shape_cast %broadcast_in_dim3A_81 : vector<16xf32> to vector<1x16xf32>
      tpu.vector_store %arg5[%swap3A_82, %swap3A_83], %swap3A_86 {strides = array<i32>} : memref<80x128xf32, #tpu.memory_space<vmem>>, vector<1x16xf32>,
      %broadcast_in_dim3A_87 = arith.constant 1.000000e+00 : f32
      %broadcast_in_dim3A_88 = vector.broadcast %broadcast_in_dim3A_87 : f32 to vector<16xf32>
      %swap3A_89 = arith.index_cast %scan3A_46 : i32 to index
      %swap3A_90 = arith.constant 96 : index
      %swap3A_91 = tpu.vector_load %arg5[%swap3A_89, %swap3A_90] {strides = array<i32>} : memref<80x128xf32, #tpu.memory_space<vmem>>, vector<1x16xf32>,
      %swap3A_92 = vector.shape_cast %swap3A_91 : vector<1x16xf32> to vector<16xf32>
      %swap3A_93 = vector.shape_cast %broadcast_in_dim3A_88 : vector<16xf32> to vector<1x16xf32>
      tpu.vector_store %arg5[%swap3A_89, %swap3A_90], %swap3A_93 {strides = array<i32>} : memref<80x128xf32, #tpu.memory_space<vmem>>, vector<1x16xf32>,
      %broadcast_in_dim3A_94 = arith.constant 1.000000e+00 : f32
      %broadcast_in_dim3A_95 = vector.broadcast %broadcast_in_dim3A_94 : f32 to vector<16xf32>
      %swap3A_96 = arith.index_cast %scan3A_46 : i32 to index
      %swap3A_97 = arith.constant 112 : index
      %swap3A_98 = tpu.vector_load %arg5[%swap3A_96, %swap3A_97] {strides = array<i32>} : memref<80x128xf32, #tpu.memory_space<vmem>>, vector<1x16xf32>,
      %swap3A_99 = vector.shape_cast %swap3A_98 : vector<1x16xf32> to vector<16xf32>
      %swap3A_100 = vector.shape_cast %broadcast_in_dim3A_95 : vector<16xf32> to vector<1x16xf32>
      tpu.vector_store %arg5[%swap3A_96, %swap3A_97], %swap3A_100 {strides = array<i32>} : memref<80x128xf32, #tpu.memory_space<vmem>>, vector<1x16xf32>,
    }
    %scan3A_33 = arith.constant 80 : i32
    %barrier3A = arith.constant 0 : index
    tpu.barrier barrier_id(%barrier3A)
    %scan3A_34 = arith.constant 0 : i32
    %scan3A_35 = arith.constant 0 : i32
    %scan3A_36 = arith.constant 125 : i32
    %scan3A_37 = arith.addi %scan3A_35, %scan3A_36 : i32
    %scan3A_38 = arith.constant 1 : i32
    scf.for %scan3A_46 = %scan3A_35 to %scan3A_37 step %scan3A_38  : i32 {
      %mul3A_47 = arith.constant 80 : i32
      %mul3A_48 = arith.muli %scan3A_46, %mul3A_47 : i32
      "tpu.region"() ({
        %run_scoped3A = tpu.sem_alloc : memref<!tpu.dma_semaphore, #tpu.memory_space<semaphore_mem>>
        %dma_start3A = tpu.memref_slice %arg4[%mul3A_48] : memref<10000xi32, #tpu.memory_space<vmem>> -> memref<80xi32, #tpu.memory_space<vmem>>
        %dma_start3A_49 = arith.constant 0 : i32
        %dma_start3A_50 = arith.constant 0 : i32
        %dma_start3A_51 = tpu.memref_slice %arg6[%dma_start3A_49, %dma_start3A_50] : memref<10000x128xf32, #tpu.memory_space<vmem_shared>> -> memref<10000x128xf32, #tpu.memory_space<vmem_shared>>
        tpu.enqueue_indirect_dma source(%arg5 : memref<80x128xf32, #tpu.memory_space<vmem>>) target(%dma_start3A_51 : memref<10000x128xf32, #tpu.memory_space<vmem_shared>>) offsets(%dma_start3A : memref<80xi32, #tpu.memory_space<vmem>>) semaphore(%run_scoped3A : memref<!tpu.dma_semaphore, #tpu.memory_space<semaphore_mem>>) {add = true}
        %dma_wait3A = tpu.memref_slice %arg4[%mul3A_48] : memref<10000xi32, #tpu.memory_space<vmem>> -> memref<80xi32, #tpu.memory_space<vmem>>
        %dma_wait3A_52 = arith.constant 0 : i32
        %dma_wait3A_53 = arith.constant 0 : i32
        %dma_wait3A_54 = tpu.memref_slice %arg6[%dma_wait3A_52, %dma_wait3A_53] : memref<10000x128xf32, #tpu.memory_space<vmem_shared>> -> memref<10000x128xf32, #tpu.memory_space<vmem_shared>>
        tpu.wait_indirect_dma semaphore(%run_scoped3A : memref<!tpu.dma_semaphore, #tpu.memory_space<semaphore_mem>>) src(%arg5 : memref<80x128xf32, #tpu.memory_space<vmem>>) dst(%dma_wait3A_54 : memref<10000x128xf32, #tpu.memory_space<vmem_shared>>)
        tpu.yield
      }) : () -> ()
    }
    %scan3A_39 = arith.constant 125 : i32
    %barrier3A_40 = arith.constant 0 : index
    tpu.barrier barrier_id(%barrier3A_40)
    "tpu.region"() ({
      %run_scoped3A = tpu.sem_alloc : memref<!tpu.dma_semaphore, #tpu.memory_space<semaphore_mem>>
      %dma_start3A = arith.constant 0 : i32
      %dma_start3A_46 = tpu.memref_slice %arg3[%arg0, %mul3A_4, %dma_start3A] : memref<2x10000x128xf32, #tpu.memory_space<hbm>> -> memref<1x624x128xf32, #tpu.memory_space<hbm>>
      %dma_start3A_47 = tpu.memref_squeeze %dma_start3A_46 : memref<1x624x128xf32, #tpu.memory_space<hbm>> -> memref<624x128xf32, #tpu.memory_space<hbm>>
      %dma_start3A_48 = arith.constant 0 : i32
      %dma_start3A_49 = tpu.memref_slice %arg6[%mul3A_4, %dma_start3A_48] : memref<10000x128xf32, #tpu.memory_space<vmem_shared>> -> memref<624x128xf32, #tpu.memory_space<vmem_shared>>
      tpu.enqueue_dma source(%dma_start3A_49 : memref<624x128xf32, #tpu.memory_space<vmem_shared>>) target(%dma_start3A_47 : memref<624x128xf32, #tpu.memory_space<hbm>>) target_semaphore(%run_scoped3A : memref<!tpu.dma_semaphore, #tpu.memory_space<semaphore_mem>>)
      %dma_wait3A = arith.constant 0 : i32
      %dma_wait3A_50 = tpu.memref_slice %arg3[%arg0, %mul3A_4, %dma_wait3A] : memref<2x10000x128xf32, #tpu.memory_space<hbm>> -> memref<1x624x128xf32, #tpu.memory_space<hbm>>
      %dma_wait3A_51 = tpu.memref_squeeze %dma_wait3A_50 : memref<1x624x128xf32, #tpu.memory_space<hbm>> -> memref<624x128xf32, #tpu.memory_space<hbm>>
      %dma_wait3A_52 = arith.constant 0 : i32
      %dma_wait3A_53 = tpu.memref_slice %arg6[%mul3A_4, %dma_wait3A_52] : memref<10000x128xf32, #tpu.memory_space<vmem_shared>> -> memref<624x128xf32, #tpu.memory_space<vmem_shared>>
      tpu.wait_dma2 semaphore(%run_scoped3A : memref<!tpu.dma_semaphore, #tpu.memory_space<semaphore_mem>>) src(%dma_wait3A_53 : memref<624x128xf32, #tpu.memory_space<vmem_shared>>) dst(%dma_wait3A_51 : memref<624x128xf32, #tpu.memory_space<hbm>>)
      tpu.yield
    }) : () -> ()
    %eq3A_41 = arith.constant 15 : i32
    %eq3A_42 = arith.cmpi eq, %arg1, %eq3A_41 : i32
    %convert_element_type3A_43 = arith.extui %eq3A_42 : i1 to i32
    %cond3A_44 = arith.constant 0 : i32
    %cond3A_45 = arith.cmpi ne, %convert_element_type3A_43, %cond3A_44 : i32
    scf.if %cond3A_45 {
      "tpu.region"() ({
        %run_scoped3A = tpu.sem_alloc : memref<!tpu.dma_semaphore, #tpu.memory_space<semaphore_mem>>
        %dma_start3A = arith.constant 9984 : i32
        %dma_start3A_46 = arith.constant 0 : i32
        %dma_start3A_47 = tpu.memref_slice %arg3[%arg0, %dma_start3A, %dma_start3A_46] : memref<2x10000x128xf32, #tpu.memory_space<hbm>> -> memref<1x16x128xf32, #tpu.memory_space<hbm>>
        %dma_start3A_48 = tpu.memref_squeeze %dma_start3A_47 : memref<1x16x128xf32, #tpu.memory_space<hbm>> -> memref<16x128xf32, #tpu.memory_space<hbm>>
        %dma_start3A_49 = arith.constant 9984 : i32
        %dma_start3A_50 = arith.constant 0 : i32
        %dma_start3A_51 = tpu.memref_slice %arg6[%dma_start3A_49, %dma_start3A_50] : memref<10000x128xf32, #tpu.memory_space<vmem_shared>> -> memref<16x128xf32, #tpu.memory_space<vmem_shared>>
        tpu.enqueue_dma source(%dma_start3A_51 : memref<16x128xf32, #tpu.memory_space<vmem_shared>>) target(%dma_start3A_48 : memref<16x128xf32, #tpu.memory_space<hbm>>) target_semaphore(%run_scoped3A : memref<!tpu.dma_semaphore, #tpu.memory_space<semaphore_mem>>)
        %dma_wait3A = arith.constant 9984 : i32
        %dma_wait3A_52 = arith.constant 0 : i32
        %dma_wait3A_53 = tpu.memref_slice %arg3[%arg0, %dma_wait3A, %dma_wait3A_52] : memref<2x10000x128xf32, #tpu.memory_space<hbm>> -> memref<1x16x128xf32, #tpu.memory_space<hbm>>
        %dma_wait3A_54 = tpu.memref_squeeze %dma_wait3A_53 : memref<1x16x128xf32, #tpu.memory_space<hbm>> -> memref<16x128xf32, #tpu.memory_space<hbm>>
        %dma_wait3A_55 = arith.constant 9984 : i32
        %dma_wait3A_56 = arith.constant 0 : i32
        %dma_wait3A_57 = tpu.memref_slice %arg6[%dma_wait3A_55, %dma_wait3A_56] : memref<10000x128xf32, #tpu.memory_space<vmem_shared>> -> memref<16x128xf32, #tpu.memory_space<vmem_shared>>
        tpu.wait_dma2 semaphore(%run_scoped3A : memref<!tpu.dma_semaphore, #tpu.memory_space<semaphore_mem>>) src(%dma_wait3A_57 : memref<16x128xf32, #tpu.memory_space<vmem_shared>>) dst(%dma_wait3A_54 : memref<16x128xf32, #tpu.memory_space<hbm>>)
        tpu.yield
      }) : () -> ()
    } else {
    }
    return
  }
}

#map = affine_map<(d0, d1) -> (0, 0)>
#map1 = affine_map<(d0, d1) -> (0)>
#map2 = affine_map<(d0, d1) -> (0, 0, 0)>
module attributes {stable_mosaic.version = 14 : i64} {
  func.func @seg_sum(%arg0: i32, %arg1: i32, %arg2: memref<10000x128xf32, #tpu.memory_space<hbm>>, %arg3: memref<320000xi32, #tpu.memory_space<hbm>>, %arg4: memref<320000xi32, #tpu.memory_space<hbm>>, %arg5: memref<2x10000x128xf32, #tpu.memory_space<hbm>>, %arg6: memref<10000xi32, #tpu.memory_space<vmem>>, %arg7: memref<10000xi32, #tpu.memory_space<vmem>>, %arg8: memref<80x128xf32, #tpu.memory_space<vmem>>, %arg9: memref<80x128xf32, #tpu.memory_space<vmem>>, %arg10: memref<10000x128xf32, #tpu.memory_space<vmem_shared>>, %arg11: memref<!tpu.dma_semaphore, #tpu.memory_space<semaphore_mem>>, %arg12: memref<!tpu.dma_semaphore, #tpu.memory_space<semaphore_mem>>) attributes {dimension_semantics = [#tpu.dimension_semantics<core_parallel>, #tpu.dimension_semantics<subcore_parallel>], iteration_bounds = array<i64: 2, 16>, scalar_prefetch = 0 : i64, scratch_operands = 7 : i64, tpu.core_type = #tpu.core_type<sc_vector_subcore>, window_params = [{transform_indices = #map}, {transform_indices = #map1}, {transform_indices = #map1}, {transform_indices = #map2}]} {
    %mul3A = arith.constant 2 : i32
    %mul3A_0 = arith.muli %arg1, %mul3A : i32
    %add3A = arith.addi %mul3A_0, %arg0 : i32
    %mul3A_1 = arith.constant 10000 : i32
    %mul3A_2 = arith.muli %add3A, %mul3A_1 : i32
    %mul3A_3 = arith.constant 624 : i32
    %mul3A_4 = arith.muli %arg1, %mul3A_3 : i32
    "tpu.region"() ({
      %run_scoped3A = tpu.sem_alloc : memref<!tpu.dma_semaphore, #tpu.memory_space<semaphore_mem>>
      %dma_start3A_44 = tpu.memref_slice %arg3[%mul3A_2] : memref<320000xi32, #tpu.memory_space<hbm>> -> memref<10000xi32, #tpu.memory_space<hbm>>
      %dma_start3A_45 = tpu.memref_slice %arg3[%mul3A_2] : memref<320000xi32, #tpu.memory_space<hbm>> -> memref<10000xi32, #tpu.memory_space<hbm>>
      tpu.enqueue_dma source(%dma_start3A_45 : memref<10000xi32, #tpu.memory_space<hbm>>) target(%arg6 : memref<10000xi32, #tpu.memory_space<vmem>>) target_semaphore(%run_scoped3A : memref<!tpu.dma_semaphore, #tpu.memory_space<semaphore_mem>>)
      %dma_wait3A = tpu.memref_slice %arg3[%mul3A_2] : memref<320000xi32, #tpu.memory_space<hbm>> -> memref<10000xi32, #tpu.memory_space<hbm>>
      %dma_wait3A_46 = tpu.memref_slice %arg3[%mul3A_2] : memref<320000xi32, #tpu.memory_space<hbm>> -> memref<10000xi32, #tpu.memory_space<hbm>>
      tpu.wait_dma2 semaphore(%run_scoped3A : memref<!tpu.dma_semaphore, #tpu.memory_space<semaphore_mem>>) src(%dma_wait3A_46 : memref<10000xi32, #tpu.memory_space<hbm>>) dst(%arg6 : memref<10000xi32, #tpu.memory_space<vmem>>)
      tpu.yield
    }) : () -> ()
    "tpu.region"() ({
      %run_scoped3A = tpu.sem_alloc : memref<!tpu.dma_semaphore, #tpu.memory_space<semaphore_mem>>
      %dma_start3A_44 = tpu.memref_slice %arg4[%mul3A_2] : memref<320000xi32, #tpu.memory_space<hbm>> -> memref<10000xi32, #tpu.memory_space<hbm>>
      %dma_start3A_45 = tpu.memref_slice %arg4[%mul3A_2] : memref<320000xi32, #tpu.memory_space<hbm>> -> memref<10000xi32, #tpu.memory_space<hbm>>
      tpu.enqueue_dma source(%dma_start3A_45 : memref<10000xi32, #tpu.memory_space<hbm>>) target(%arg7 : memref<10000xi32, #tpu.memory_space<vmem>>) target_semaphore(%run_scoped3A : memref<!tpu.dma_semaphore, #tpu.memory_space<semaphore_mem>>)
      %dma_wait3A = tpu.memref_slice %arg4[%mul3A_2] : memref<320000xi32, #tpu.memory_space<hbm>> -> memref<10000xi32, #tpu.memory_space<hbm>>
      %dma_wait3A_46 = tpu.memref_slice %arg4[%mul3A_2] : memref<320000xi32, #tpu.memory_space<hbm>> -> memref<10000xi32, #tpu.memory_space<hbm>>
      tpu.wait_dma2 semaphore(%run_scoped3A : memref<!tpu.dma_semaphore, #tpu.memory_space<semaphore_mem>>) src(%dma_wait3A_46 : memref<10000xi32, #tpu.memory_space<hbm>>) dst(%arg7 : memref<10000xi32, #tpu.memory_space<vmem>>)
      tpu.yield
    }) : () -> ()
    %scan3A = arith.constant 0 : i32
    %scan3A_5 = arith.constant 0 : i32
    %scan3A_6 = arith.constant 80 : i32
    %scan3A_7 = arith.addi %scan3A_5, %scan3A_6 : i32
    %scan3A_8 = arith.constant 1 : i32
    scf.for %scan3A_44 = %scan3A_5 to %scan3A_7 step %scan3A_8  : i32 {
      %broadcast_in_dim3A = arith.constant 0.000000e+00 : f32
      %broadcast_in_dim3A_45 = vector.broadcast %broadcast_in_dim3A : f32 to vector<16xf32>
      %swap3A = arith.index_cast %scan3A_44 : i32 to index
      %swap3A_46 = arith.constant 0 : index
      %swap3A_47 = tpu.vector_load %arg8[%swap3A, %swap3A_46] {strides = array<i32>} : memref<80x128xf32, #tpu.memory_space<vmem>>, vector<1x16xf32>,
      %swap3A_48 = vector.shape_cast %swap3A_47 : vector<1x16xf32> to vector<16xf32>
      %swap3A_49 = vector.shape_cast %broadcast_in_dim3A_45 : vector<16xf32> to vector<1x16xf32>
      tpu.vector_store %arg8[%swap3A, %swap3A_46], %swap3A_49 {strides = array<i32>} : memref<80x128xf32, #tpu.memory_space<vmem>>, vector<1x16xf32>,
      %broadcast_in_dim3A_50 = arith.constant 0.000000e+00 : f32
      %broadcast_in_dim3A_51 = vector.broadcast %broadcast_in_dim3A_50 : f32 to vector<16xf32>
      %swap3A_52 = arith.index_cast %scan3A_44 : i32 to index
      %swap3A_53 = arith.constant 16 : index
      %swap3A_54 = tpu.vector_load %arg8[%swap3A_52, %swap3A_53] {strides = array<i32>} : memref<80x128xf32, #tpu.memory_space<vmem>>, vector<1x16xf32>,
      %swap3A_55 = vector.shape_cast %swap3A_54 : vector<1x16xf32> to vector<16xf32>
      %swap3A_56 = vector.shape_cast %broadcast_in_dim3A_51 : vector<16xf32> to vector<1x16xf32>
      tpu.vector_store %arg8[%swap3A_52, %swap3A_53], %swap3A_56 {strides = array<i32>} : memref<80x128xf32, #tpu.memory_space<vmem>>, vector<1x16xf32>,
      %broadcast_in_dim3A_57 = arith.constant 0.000000e+00 : f32
      %broadcast_in_dim3A_58 = vector.broadcast %broadcast_in_dim3A_57 : f32 to vector<16xf32>
      %swap3A_59 = arith.index_cast %scan3A_44 : i32 to index
      %swap3A_60 = arith.constant 32 : index
      %swap3A_61 = tpu.vector_load %arg8[%swap3A_59, %swap3A_60] {strides = array<i32>} : memref<80x128xf32, #tpu.memory_space<vmem>>, vector<1x16xf32>,
      %swap3A_62 = vector.shape_cast %swap3A_61 : vector<1x16xf32> to vector<16xf32>
      %swap3A_63 = vector.shape_cast %broadcast_in_dim3A_58 : vector<16xf32> to vector<1x16xf32>
      tpu.vector_store %arg8[%swap3A_59, %swap3A_60], %swap3A_63 {strides = array<i32>} : memref<80x128xf32, #tpu.memory_space<vmem>>, vector<1x16xf32>,
      %broadcast_in_dim3A_64 = arith.constant 0.000000e+00 : f32
      %broadcast_in_dim3A_65 = vector.broadcast %broadcast_in_dim3A_64 : f32 to vector<16xf32>
      %swap3A_66 = arith.index_cast %scan3A_44 : i32 to index
      %swap3A_67 = arith.constant 48 : index
      %swap3A_68 = tpu.vector_load %arg8[%swap3A_66, %swap3A_67] {strides = array<i32>} : memref<80x128xf32, #tpu.memory_space<vmem>>, vector<1x16xf32>,
      %swap3A_69 = vector.shape_cast %swap3A_68 : vector<1x16xf32> to vector<16xf32>
      %swap3A_70 = vector.shape_cast %broadcast_in_dim3A_65 : vector<16xf32> to vector<1x16xf32>
      tpu.vector_store %arg8[%swap3A_66, %swap3A_67], %swap3A_70 {strides = array<i32>} : memref<80x128xf32, #tpu.memory_space<vmem>>, vector<1x16xf32>,
      %broadcast_in_dim3A_71 = arith.constant 0.000000e+00 : f32
      %broadcast_in_dim3A_72 = vector.broadcast %broadcast_in_dim3A_71 : f32 to vector<16xf32>
      %swap3A_73 = arith.index_cast %scan3A_44 : i32 to index
      %swap3A_74 = arith.constant 64 : index
      %swap3A_75 = tpu.vector_load %arg8[%swap3A_73, %swap3A_74] {strides = array<i32>} : memref<80x128xf32, #tpu.memory_space<vmem>>, vector<1x16xf32>,
      %swap3A_76 = vector.shape_cast %swap3A_75 : vector<1x16xf32> to vector<16xf32>
      %swap3A_77 = vector.shape_cast %broadcast_in_dim3A_72 : vector<16xf32> to vector<1x16xf32>
      tpu.vector_store %arg8[%swap3A_73, %swap3A_74], %swap3A_77 {strides = array<i32>} : memref<80x128xf32, #tpu.memory_space<vmem>>, vector<1x16xf32>,
      %broadcast_in_dim3A_78 = arith.constant 0.000000e+00 : f32
      %broadcast_in_dim3A_79 = vector.broadcast %broadcast_in_dim3A_78 : f32 to vector<16xf32>
      %swap3A_80 = arith.index_cast %scan3A_44 : i32 to index
      %swap3A_81 = arith.constant 80 : index
      %swap3A_82 = tpu.vector_load %arg8[%swap3A_80, %swap3A_81] {strides = array<i32>} : memref<80x128xf32, #tpu.memory_space<vmem>>, vector<1x16xf32>,
      %swap3A_83 = vector.shape_cast %swap3A_82 : vector<1x16xf32> to vector<16xf32>
      %swap3A_84 = vector.shape_cast %broadcast_in_dim3A_79 : vector<16xf32> to vector<1x16xf32>
      tpu.vector_store %arg8[%swap3A_80, %swap3A_81], %swap3A_84 {strides = array<i32>} : memref<80x128xf32, #tpu.memory_space<vmem>>, vector<1x16xf32>,
      %broadcast_in_dim3A_85 = arith.constant 0.000000e+00 : f32
      %broadcast_in_dim3A_86 = vector.broadcast %broadcast_in_dim3A_85 : f32 to vector<16xf32>
      %swap3A_87 = arith.index_cast %scan3A_44 : i32 to index
      %swap3A_88 = arith.constant 96 : index
      %swap3A_89 = tpu.vector_load %arg8[%swap3A_87, %swap3A_88] {strides = array<i32>} : memref<80x128xf32, #tpu.memory_space<vmem>>, vector<1x16xf32>,
      %swap3A_90 = vector.shape_cast %swap3A_89 : vector<1x16xf32> to vector<16xf32>
      %swap3A_91 = vector.shape_cast %broadcast_in_dim3A_86 : vector<16xf32> to vector<1x16xf32>
      tpu.vector_store %arg8[%swap3A_87, %swap3A_88], %swap3A_91 {strides = array<i32>} : memref<80x128xf32, #tpu.memory_space<vmem>>, vector<1x16xf32>,
      %broadcast_in_dim3A_92 = arith.constant 0.000000e+00 : f32
      %broadcast_in_dim3A_93 = vector.broadcast %broadcast_in_dim3A_92 : f32 to vector<16xf32>
      %swap3A_94 = arith.index_cast %scan3A_44 : i32 to index
      %swap3A_95 = arith.constant 112 : index
      %swap3A_96 = tpu.vector_load %arg8[%swap3A_94, %swap3A_95] {strides = array<i32>} : memref<80x128xf32, #tpu.memory_space<vmem>>, vector<1x16xf32>,
      %swap3A_97 = vector.shape_cast %swap3A_96 : vector<1x16xf32> to vector<16xf32>
      %swap3A_98 = vector.shape_cast %broadcast_in_dim3A_93 : vector<16xf32> to vector<1x16xf32>
      tpu.vector_store %arg8[%swap3A_94, %swap3A_95], %swap3A_98 {strides = array<i32>} : memref<80x128xf32, #tpu.memory_space<vmem>>, vector<1x16xf32>,
    }
    %scan3A_9 = arith.constant 80 : i32
    %add3A_10 = arith.constant 0 : i32
    %add3A_11 = arith.addi %mul3A_4, %add3A_10 : i32
    "tpu.region"() ({
      %run_scoped3A = tpu.sem_alloc : memref<!tpu.dma_semaphore, #tpu.memory_space<semaphore_mem>>
      %dma_start3A_44 = arith.constant 0 : i32
      %dma_start3A_45 = tpu.memref_slice %arg10[%add3A_11, %dma_start3A_44] : memref<10000x128xf32, #tpu.memory_space<vmem_shared>> -> memref<80x128xf32, #tpu.memory_space<vmem_shared>>
      %dma_start3A_46 = arith.constant 0 : i32
      %dma_start3A_47 = tpu.memref_slice %arg10[%add3A_11, %dma_start3A_46] : memref<10000x128xf32, #tpu.memory_space<vmem_shared>> -> memref<80x128xf32, #tpu.memory_space<vmem_shared>>
      tpu.enqueue_dma source(%arg8 : memref<80x128xf32, #tpu.memory_space<vmem>>) target(%dma_start3A_47 : memref<80x128xf32, #tpu.memory_space<vmem_shared>>) target_semaphore(%run_scoped3A : memref<!tpu.dma_semaphore, #tpu.memory_space<semaphore_mem>>)
      %dma_wait3A = arith.constant 0 : i32
      %dma_wait3A_48 = tpu.memref_slice %arg10[%add3A_11, %dma_wait3A] : memref<10000x128xf32, #tpu.memory_space<vmem_shared>> -> memref<80x128xf32, #tpu.memory_space<vmem_shared>>
      %dma_wait3A_49 = arith.constant 0 : i32
      %dma_wait3A_50 = tpu.memref_slice %arg10[%add3A_11, %dma_wait3A_49] : memref<10000x128xf32, #tpu.memory_space<vmem_shared>> -> memref<80x128xf32, #tpu.memory_space<vmem_shared>>
      tpu.wait_dma2 semaphore(%run_scoped3A : memref<!tpu.dma_semaphore, #tpu.memory_space<semaphore_mem>>) src(%arg8 : memref<80x128xf32, #tpu.memory_space<vmem>>) dst(%dma_wait3A_50 : memref<80x128xf32, #tpu.memory_space<vmem_shared>>)
      tpu.yield
    }) : () -> ()
    %add3A_12 = arith.constant 80 : i32
    %add3A_13 = arith.addi %mul3A_4, %add3A_12 : i32
    "tpu.region"() ({
      %run_scoped3A = tpu.sem_alloc : memref<!tpu.dma_semaphore, #tpu.memory_space<semaphore_mem>>
      %dma_start3A_44 = arith.constant 0 : i32
      %dma_start3A_45 = tpu.memref_slice %arg10[%add3A_13, %dma_start3A_44] : memref<10000x128xf32, #tpu.memory_space<vmem_shared>> -> memref<80x128xf32, #tpu.memory_space<vmem_shared>>
      %dma_start3A_46 = arith.constant 0 : i32
      %dma_start3A_47 = tpu.memref_slice %arg10[%add3A_13, %dma_start3A_46] : memref<10000x128xf32, #tpu.memory_space<vmem_shared>> -> memref<80x128xf32, #tpu.memory_space<vmem_shared>>
      tpu.enqueue_dma source(%arg8 : memref<80x128xf32, #tpu.memory_space<vmem>>) target(%dma_start3A_47 : memref<80x128xf32, #tpu.memory_space<vmem_shared>>) target_semaphore(%run_scoped3A : memref<!tpu.dma_semaphore, #tpu.memory_space<semaphore_mem>>)
      %dma_wait3A = arith.constant 0 : i32
      %dma_wait3A_48 = tpu.memref_slice %arg10[%add3A_13, %dma_wait3A] : memref<10000x128xf32, #tpu.memory_space<vmem_shared>> -> memref<80x128xf32, #tpu.memory_space<vmem_shared>>
      %dma_wait3A_49 = arith.constant 0 : i32
      %dma_wait3A_50 = tpu.memref_slice %arg10[%add3A_13, %dma_wait3A_49] : memref<10000x128xf32, #tpu.memory_space<vmem_shared>> -> memref<80x128xf32, #tpu.memory_space<vmem_shared>>
      tpu.wait_dma2 semaphore(%run_scoped3A : memref<!tpu.dma_semaphore, #tpu.memory_space<semaphore_mem>>) src(%arg8 : memref<80x128xf32, #tpu.memory_space<vmem>>) dst(%dma_wait3A_50 : memref<80x128xf32, #tpu.memory_space<vmem_shared>>)
      tpu.yield
    }) : () -> ()
    %add3A_14 = arith.constant 160 : i32
    %add3A_15 = arith.addi %mul3A_4, %add3A_14 : i32
    "tpu.region"() ({
      %run_scoped3A = tpu.sem_alloc : memref<!tpu.dma_semaphore, #tpu.memory_space<semaphore_mem>>
      %dma_start3A_44 = arith.constant 0 : i32
      %dma_start3A_45 = tpu.memref_slice %arg10[%add3A_15, %dma_start3A_44] : memref<10000x128xf32, #tpu.memory_space<vmem_shared>> -> memref<80x128xf32, #tpu.memory_space<vmem_shared>>
      %dma_start3A_46 = arith.constant 0 : i32
      %dma_start3A_47 = tpu.memref_slice %arg10[%add3A_15, %dma_start3A_46] : memref<10000x128xf32, #tpu.memory_space<vmem_shared>> -> memref<80x128xf32, #tpu.memory_space<vmem_shared>>
      tpu.enqueue_dma source(%arg8 : memref<80x128xf32, #tpu.memory_space<vmem>>) target(%dma_start3A_47 : memref<80x128xf32, #tpu.memory_space<vmem_shared>>) target_semaphore(%run_scoped3A : memref<!tpu.dma_semaphore, #tpu.memory_space<semaphore_mem>>)
      %dma_wait3A = arith.constant 0 : i32
      %dma_wait3A_48 = tpu.memref_slice %arg10[%add3A_15, %dma_wait3A] : memref<10000x128xf32, #tpu.memory_space<vmem_shared>> -> memref<80x128xf32, #tpu.memory_space<vmem_shared>>
      %dma_wait3A_49 = arith.constant 0 : i32
      %dma_wait3A_50 = tpu.memref_slice %arg10[%add3A_15, %dma_wait3A_49] : memref<10000x128xf32, #tpu.memory_space<vmem_shared>> -> memref<80x128xf32, #tpu.memory_space<vmem_shared>>
      tpu.wait_dma2 semaphore(%run_scoped3A : memref<!tpu.dma_semaphore, #tpu.memory_space<semaphore_mem>>) src(%arg8 : memref<80x128xf32, #tpu.memory_space<vmem>>) dst(%dma_wait3A_50 : memref<80x128xf32, #tpu.memory_space<vmem_shared>>)
      tpu.yield
    }) : () -> ()
    %add3A_16 = arith.constant 240 : i32
    %add3A_17 = arith.addi %mul3A_4, %add3A_16 : i32
    "tpu.region"() ({
      %run_scoped3A = tpu.sem_alloc : memref<!tpu.dma_semaphore, #tpu.memory_space<semaphore_mem>>
      %dma_start3A_44 = arith.constant 0 : i32
      %dma_start3A_45 = tpu.memref_slice %arg10[%add3A_17, %dma_start3A_44] : memref<10000x128xf32, #tpu.memory_space<vmem_shared>> -> memref<80x128xf32, #tpu.memory_space<vmem_shared>>
      %dma_start3A_46 = arith.constant 0 : i32
      %dma_start3A_47 = tpu.memref_slice %arg10[%add3A_17, %dma_start3A_46] : memref<10000x128xf32, #tpu.memory_space<vmem_shared>> -> memref<80x128xf32, #tpu.memory_space<vmem_shared>>
      tpu.enqueue_dma source(%arg8 : memref<80x128xf32, #tpu.memory_space<vmem>>) target(%dma_start3A_47 : memref<80x128xf32, #tpu.memory_space<vmem_shared>>) target_semaphore(%run_scoped3A : memref<!tpu.dma_semaphore, #tpu.memory_space<semaphore_mem>>)
      %dma_wait3A = arith.constant 0 : i32
      %dma_wait3A_48 = tpu.memref_slice %arg10[%add3A_17, %dma_wait3A] : memref<10000x128xf32, #tpu.memory_space<vmem_shared>> -> memref<80x128xf32, #tpu.memory_space<vmem_shared>>
      %dma_wait3A_49 = arith.constant 0 : i32
      %dma_wait3A_50 = tpu.memref_slice %arg10[%add3A_17, %dma_wait3A_49] : memref<10000x128xf32, #tpu.memory_space<vmem_shared>> -> memref<80x128xf32, #tpu.memory_space<vmem_shared>>
      tpu.wait_dma2 semaphore(%run_scoped3A : memref<!tpu.dma_semaphore, #tpu.memory_space<semaphore_mem>>) src(%arg8 : memref<80x128xf32, #tpu.memory_space<vmem>>) dst(%dma_wait3A_50 : memref<80x128xf32, #tpu.memory_space<vmem_shared>>)
      tpu.yield
    }) : () -> ()
    %add3A_18 = arith.constant 320 : i32
    %add3A_19 = arith.addi %mul3A_4, %add3A_18 : i32
    "tpu.region"() ({
      %run_scoped3A = tpu.sem_alloc : memref<!tpu.dma_semaphore, #tpu.memory_space<semaphore_mem>>
      %dma_start3A_44 = arith.constant 0 : i32
      %dma_start3A_45 = tpu.memref_slice %arg10[%add3A_19, %dma_start3A_44] : memref<10000x128xf32, #tpu.memory_space<vmem_shared>> -> memref<80x128xf32, #tpu.memory_space<vmem_shared>>
      %dma_start3A_46 = arith.constant 0 : i32
      %dma_start3A_47 = tpu.memref_slice %arg10[%add3A_19, %dma_start3A_46] : memref<10000x128xf32, #tpu.memory_space<vmem_shared>> -> memref<80x128xf32, #tpu.memory_space<vmem_shared>>
      tpu.enqueue_dma source(%arg8 : memref<80x128xf32, #tpu.memory_space<vmem>>) target(%dma_start3A_47 : memref<80x128xf32, #tpu.memory_space<vmem_shared>>) target_semaphore(%run_scoped3A : memref<!tpu.dma_semaphore, #tpu.memory_space<semaphore_mem>>)
      %dma_wait3A = arith.constant 0 : i32
      %dma_wait3A_48 = tpu.memref_slice %arg10[%add3A_19, %dma_wait3A] : memref<10000x128xf32, #tpu.memory_space<vmem_shared>> -> memref<80x128xf32, #tpu.memory_space<vmem_shared>>
      %dma_wait3A_49 = arith.constant 0 : i32
      %dma_wait3A_50 = tpu.memref_slice %arg10[%add3A_19, %dma_wait3A_49] : memref<10000x128xf32, #tpu.memory_space<vmem_shared>> -> memref<80x128xf32, #tpu.memory_space<vmem_shared>>
      tpu.wait_dma2 semaphore(%run_scoped3A : memref<!tpu.dma_semaphore, #tpu.memory_space<semaphore_mem>>) src(%arg8 : memref<80x128xf32, #tpu.memory_space<vmem>>) dst(%dma_wait3A_50 : memref<80x128xf32, #tpu.memory_space<vmem_shared>>)
      tpu.yield
    }) : () -> ()
    %add3A_20 = arith.constant 400 : i32
    %add3A_21 = arith.addi %mul3A_4, %add3A_20 : i32
    "tpu.region"() ({
      %run_scoped3A = tpu.sem_alloc : memref<!tpu.dma_semaphore, #tpu.memory_space<semaphore_mem>>
      %dma_start3A_44 = arith.constant 0 : i32
      %dma_start3A_45 = tpu.memref_slice %arg10[%add3A_21, %dma_start3A_44] : memref<10000x128xf32, #tpu.memory_space<vmem_shared>> -> memref<80x128xf32, #tpu.memory_space<vmem_shared>>
      %dma_start3A_46 = arith.constant 0 : i32
      %dma_start3A_47 = tpu.memref_slice %arg10[%add3A_21, %dma_start3A_46] : memref<10000x128xf32, #tpu.memory_space<vmem_shared>> -> memref<80x128xf32, #tpu.memory_space<vmem_shared>>
      tpu.enqueue_dma source(%arg8 : memref<80x128xf32, #tpu.memory_space<vmem>>) target(%dma_start3A_47 : memref<80x128xf32, #tpu.memory_space<vmem_shared>>) target_semaphore(%run_scoped3A : memref<!tpu.dma_semaphore, #tpu.memory_space<semaphore_mem>>)
      %dma_wait3A = arith.constant 0 : i32
      %dma_wait3A_48 = tpu.memref_slice %arg10[%add3A_21, %dma_wait3A] : memref<10000x128xf32, #tpu.memory_space<vmem_shared>> -> memref<80x128xf32, #tpu.memory_space<vmem_shared>>
      %dma_wait3A_49 = arith.constant 0 : i32
      %dma_wait3A_50 = tpu.memref_slice %arg10[%add3A_21, %dma_wait3A_49] : memref<10000x128xf32, #tpu.memory_space<vmem_shared>> -> memref<80x128xf32, #tpu.memory_space<vmem_shared>>
      tpu.wait_dma2 semaphore(%run_scoped3A : memref<!tpu.dma_semaphore, #tpu.memory_space<semaphore_mem>>) src(%arg8 : memref<80x128xf32, #tpu.memory_space<vmem>>) dst(%dma_wait3A_50 : memref<80x128xf32, #tpu.memory_space<vmem_shared>>)
      tpu.yield
    }) : () -> ()
    %add3A_22 = arith.constant 480 : i32
    %add3A_23 = arith.addi %mul3A_4, %add3A_22 : i32
    "tpu.region"() ({
      %run_scoped3A = tpu.sem_alloc : memref<!tpu.dma_semaphore, #tpu.memory_space<semaphore_mem>>
      %dma_start3A_44 = arith.constant 0 : i32
      %dma_start3A_45 = tpu.memref_slice %arg10[%add3A_23, %dma_start3A_44] : memref<10000x128xf32, #tpu.memory_space<vmem_shared>> -> memref<80x128xf32, #tpu.memory_space<vmem_shared>>
      %dma_start3A_46 = arith.constant 0 : i32
      %dma_start3A_47 = tpu.memref_slice %arg10[%add3A_23, %dma_start3A_46] : memref<10000x128xf32, #tpu.memory_space<vmem_shared>> -> memref<80x128xf32, #tpu.memory_space<vmem_shared>>
      tpu.enqueue_dma source(%arg8 : memref<80x128xf32, #tpu.memory_space<vmem>>) target(%dma_start3A_47 : memref<80x128xf32, #tpu.memory_space<vmem_shared>>) target_semaphore(%run_scoped3A : memref<!tpu.dma_semaphore, #tpu.memory_space<semaphore_mem>>)
      %dma_wait3A = arith.constant 0 : i32
      %dma_wait3A_48 = tpu.memref_slice %arg10[%add3A_23, %dma_wait3A] : memref<10000x128xf32, #tpu.memory_space<vmem_shared>> -> memref<80x128xf32, #tpu.memory_space<vmem_shared>>
      %dma_wait3A_49 = arith.constant 0 : i32
      %dma_wait3A_50 = tpu.memref_slice %arg10[%add3A_23, %dma_wait3A_49] : memref<10000x128xf32, #tpu.memory_space<vmem_shared>> -> memref<80x128xf32, #tpu.memory_space<vmem_shared>>
      tpu.wait_dma2 semaphore(%run_scoped3A : memref<!tpu.dma_semaphore, #tpu.memory_space<semaphore_mem>>) src(%arg8 : memref<80x128xf32, #tpu.memory_space<vmem>>) dst(%dma_wait3A_50 : memref<80x128xf32, #tpu.memory_space<vmem_shared>>)
      tpu.yield
    }) : () -> ()
    %add3A_24 = arith.constant 560 : i32
    %add3A_25 = arith.addi %mul3A_4, %add3A_24 : i32
    "tpu.region"() ({
      %run_scoped3A = tpu.sem_alloc : memref<!tpu.dma_semaphore, #tpu.memory_space<semaphore_mem>>
      %dma_start3A_44 = arith.constant 0 : i32
      %dma_start3A_45 = arith.constant 0 : i32
      %dma_start3A_46 = tpu.memref_slice %arg8[%dma_start3A_44, %dma_start3A_45] : memref<80x128xf32, #tpu.memory_space<vmem>> -> memref<64x128xf32, #tpu.memory_space<vmem>>
      %dma_start3A_47 = arith.constant 0 : i32
      %dma_start3A_48 = tpu.memref_slice %arg10[%add3A_25, %dma_start3A_47] : memref<10000x128xf32, #tpu.memory_space<vmem_shared>> -> memref<64x128xf32, #tpu.memory_space<vmem_shared>>
      %dma_start3A_49 = arith.constant 0 : i32
      %dma_start3A_50 = tpu.memref_slice %arg10[%add3A_25, %dma_start3A_49] : memref<10000x128xf32, #tpu.memory_space<vmem_shared>> -> memref<64x128xf32, #tpu.memory_space<vmem_shared>>
      %dma_start3A_51 = arith.constant 0 : i32
      %dma_start3A_52 = arith.constant 0 : i32
      %dma_start3A_53 = tpu.memref_slice %arg8[%dma_start3A_51, %dma_start3A_52] : memref<80x128xf32, #tpu.memory_space<vmem>> -> memref<64x128xf32, #tpu.memory_space<vmem>>
      tpu.enqueue_dma source(%dma_start3A_53 : memref<64x128xf32, #tpu.memory_space<vmem>>) target(%dma_start3A_50 : memref<64x128xf32, #tpu.memory_space<vmem_shared>>) target_semaphore(%run_scoped3A : memref<!tpu.dma_semaphore, #tpu.memory_space<semaphore_mem>>)
      %dma_wait3A = arith.constant 0 : i32
      %dma_wait3A_54 = arith.constant 0 : i32
      %dma_wait3A_55 = tpu.memref_slice %arg8[%dma_wait3A, %dma_wait3A_54] : memref<80x128xf32, #tpu.memory_space<vmem>> -> memref<64x128xf32, #tpu.memory_space<vmem>>
      %dma_wait3A_56 = arith.constant 0 : i32
      %dma_wait3A_57 = tpu.memref_slice %arg10[%add3A_25, %dma_wait3A_56] : memref<10000x128xf32, #tpu.memory_space<vmem_shared>> -> memref<64x128xf32, #tpu.memory_space<vmem_shared>>
      %dma_wait3A_58 = arith.constant 0 : i32
      %dma_wait3A_59 = tpu.memref_slice %arg10[%add3A_25, %dma_wait3A_58] : memref<10000x128xf32, #tpu.memory_space<vmem_shared>> -> memref<64x128xf32, #tpu.memory_space<vmem_shared>>
      %dma_wait3A_60 = arith.constant 0 : i32
      %dma_wait3A_61 = arith.constant 0 : i32
      %dma_wait3A_62 = tpu.memref_slice %arg8[%dma_wait3A_60, %dma_wait3A_61] : memref<80x128xf32, #tpu.memory_space<vmem>> -> memref<64x128xf32, #tpu.memory_space<vmem>>
      tpu.wait_dma2 semaphore(%run_scoped3A : memref<!tpu.dma_semaphore, #tpu.memory_space<semaphore_mem>>) src(%dma_wait3A_62 : memref<64x128xf32, #tpu.memory_space<vmem>>) dst(%dma_wait3A_59 : memref<64x128xf32, #tpu.memory_space<vmem_shared>>)
      tpu.yield
    }) : () -> ()
    %eq3A = arith.constant 15 : i32
    %eq3A_26 = arith.cmpi eq, %arg1, %eq3A : i32
    %convert_element_type3A = arith.extui %eq3A_26 : i1 to i32
    %cond3A = arith.constant 0 : i32
    %cond3A_27 = arith.cmpi ne, %convert_element_type3A, %cond3A : i32
    scf.if %cond3A_27 {
      "tpu.region"() ({
        %run_scoped3A = tpu.sem_alloc : memref<!tpu.dma_semaphore, #tpu.memory_space<semaphore_mem>>
        %dma_start3A_44 = arith.constant 0 : i32
        %dma_start3A_45 = arith.constant 0 : i32
        %dma_start3A_46 = tpu.memref_slice %arg8[%dma_start3A_44, %dma_start3A_45] : memref<80x128xf32, #tpu.memory_space<vmem>> -> memref<16x128xf32, #tpu.memory_space<vmem>>
        %dma_start3A_47 = arith.constant 9984 : i32
        %dma_start3A_48 = arith.constant 0 : i32
        %dma_start3A_49 = tpu.memref_slice %arg10[%dma_start3A_47, %dma_start3A_48] : memref<10000x128xf32, #tpu.memory_space<vmem_shared>> -> memref<16x128xf32, #tpu.memory_space<vmem_shared>>
        %dma_start3A_50 = arith.constant 9984 : i32
        %dma_start3A_51 = arith.constant 0 : i32
        %dma_start3A_52 = tpu.memref_slice %arg10[%dma_start3A_50, %dma_start3A_51] : memref<10000x128xf32, #tpu.memory_space<vmem_shared>> -> memref<16x128xf32, #tpu.memory_space<vmem_shared>>
        %dma_start3A_53 = arith.constant 0 : i32
        %dma_start3A_54 = arith.constant 0 : i32
        %dma_start3A_55 = tpu.memref_slice %arg8[%dma_start3A_53, %dma_start3A_54] : memref<80x128xf32, #tpu.memory_space<vmem>> -> memref<16x128xf32, #tpu.memory_space<vmem>>
        tpu.enqueue_dma source(%dma_start3A_55 : memref<16x128xf32, #tpu.memory_space<vmem>>) target(%dma_start3A_52 : memref<16x128xf32, #tpu.memory_space<vmem_shared>>) target_semaphore(%run_scoped3A : memref<!tpu.dma_semaphore, #tpu.memory_space<semaphore_mem>>)
        %dma_wait3A = arith.constant 0 : i32
        %dma_wait3A_56 = arith.constant 0 : i32
        %dma_wait3A_57 = tpu.memref_slice %arg8[%dma_wait3A, %dma_wait3A_56] : memref<80x128xf32, #tpu.memory_space<vmem>> -> memref<16x128xf32, #tpu.memory_space<vmem>>
        %dma_wait3A_58 = arith.constant 9984 : i32
        %dma_wait3A_59 = arith.constant 0 : i32
        %dma_wait3A_60 = tpu.memref_slice %arg10[%dma_wait3A_58, %dma_wait3A_59] : memref<10000x128xf32, #tpu.memory_space<vmem_shared>> -> memref<16x128xf32, #tpu.memory_space<vmem_shared>>
        %dma_wait3A_61 = arith.constant 9984 : i32
        %dma_wait3A_62 = arith.constant 0 : i32
        %dma_wait3A_63 = tpu.memref_slice %arg10[%dma_wait3A_61, %dma_wait3A_62] : memref<10000x128xf32, #tpu.memory_space<vmem_shared>> -> memref<16x128xf32, #tpu.memory_space<vmem_shared>>
        %dma_wait3A_64 = arith.constant 0 : i32
        %dma_wait3A_65 = arith.constant 0 : i32
        %dma_wait3A_66 = tpu.memref_slice %arg8[%dma_wait3A_64, %dma_wait3A_65] : memref<80x128xf32, #tpu.memory_space<vmem>> -> memref<16x128xf32, #tpu.memory_space<vmem>>
        tpu.wait_dma2 semaphore(%run_scoped3A : memref<!tpu.dma_semaphore, #tpu.memory_space<semaphore_mem>>) src(%dma_wait3A_66 : memref<16x128xf32, #tpu.memory_space<vmem>>) dst(%dma_wait3A_63 : memref<16x128xf32, #tpu.memory_space<vmem_shared>>)
        tpu.yield
      }) : () -> ()
    } else {
    }
    %barrier3A = arith.constant 0 : index
    tpu.barrier barrier_id(%barrier3A)
    %dma_start3A = arith.constant 0 : i32
    %dma_start3A_28 = tpu.memref_slice %arg6[%dma_start3A] : memref<10000xi32, #tpu.memory_space<vmem>> -> memref<80xi32, #tpu.memory_space<vmem>>
    %dma_start3A_29 = arith.constant 0 : i32
    %dma_start3A_30 = arith.constant 0 : i32
    %dma_start3A_31 = tpu.memref_slice %arg2[%dma_start3A_29, %dma_start3A_30] : memref<10000x128xf32, #tpu.memory_space<hbm>> -> memref<10000x128xf32, #tpu.memory_space<hbm>>
    tpu.enqueue_indirect_dma source(%dma_start3A_31 : memref<10000x128xf32, #tpu.memory_space<hbm>>) target(%arg8 : memref<80x128xf32, #tpu.memory_space<vmem>>) offsets(%dma_start3A_28 : memref<80xi32, #tpu.memory_space<vmem>>) semaphore(%arg11 : memref<!tpu.dma_semaphore, #tpu.memory_space<semaphore_mem>>)
    %scan3A_32 = arith.constant 0 : i32
    %scan3A_33 = arith.constant 0 : i32
    %scan3A_34 = arith.constant 63 : i32
    %scan3A_35 = arith.addi %scan3A_33, %scan3A_34 : i32
    %scan3A_36 = arith.constant 1 : i32
    scf.for %scan3A_44 = %scan3A_33 to %scan3A_35 step %scan3A_36  : i32 {
      %mul3A_45 = arith.constant 2 : i32
      %mul3A_46 = arith.muli %mul3A_45, %scan3A_44 : i32
      %add3A_47 = arith.constant 1 : i32
      %add3A_48 = arith.addi %mul3A_46, %add3A_47 : i32
      %lt3A = arith.constant 125 : i32
      %lt3A_49 = arith.cmpi slt, %add3A_48, %lt3A : i32
      %convert_element_type3A_50 = arith.extui %lt3A_49 : i1 to i32
      %cond3A_51 = arith.constant 0 : i32
      %cond3A_52 = arith.cmpi ne, %convert_element_type3A_50, %cond3A_51 : i32
      scf.if %cond3A_52 {
        %add3A_67 = arith.constant 1 : i32
        %add3A_68 = arith.addi %mul3A_46, %add3A_67 : i32
        %mul3A_69 = arith.constant 80 : i32
        %mul3A_70 = arith.muli %add3A_68, %mul3A_69 : i32
        %dma_start3A_71 = tpu.memref_slice %arg6[%mul3A_70] : memref<10000xi32, #tpu.memory_space<vmem>> -> memref<80xi32, #tpu.memory_space<vmem>>
        %dma_start3A_72 = arith.constant 0 : i32
        %dma_start3A_73 = arith.constant 0 : i32
        %dma_start3A_74 = tpu.memref_slice %arg2[%dma_start3A_72, %dma_start3A_73] : memref<10000x128xf32, #tpu.memory_space<hbm>> -> memref<10000x128xf32, #tpu.memory_space<hbm>>
        tpu.enqueue_indirect_dma source(%dma_start3A_74 : memref<10000x128xf32, #tpu.memory_space<hbm>>) target(%arg9 : memref<80x128xf32, #tpu.memory_space<vmem>>) offsets(%dma_start3A_71 : memref<80xi32, #tpu.memory_space<vmem>>) semaphore(%arg12 : memref<!tpu.dma_semaphore, #tpu.memory_space<semaphore_mem>>)
      } else {
      }
      %dma_wait3A = arith.constant 0 : i32
      %dma_wait3A_53 = arith.constant 0 : i32
      %dma_wait3A_54 = tpu.memref_slice %arg2[%dma_wait3A, %dma_wait3A_53] : memref<10000x128xf32, #tpu.memory_space<hbm>> -> memref<80x128xf32, #tpu.memory_space<hbm>>
      %dma_wait3A_55 = arith.constant 0 : i32
      %dma_wait3A_56 = arith.constant 0 : i32
      %dma_wait3A_57 = tpu.memref_slice %arg2[%dma_wait3A_55, %dma_wait3A_56] : memref<10000x128xf32, #tpu.memory_space<hbm>> -> memref<80x128xf32, #tpu.memory_space<hbm>>
      tpu.wait_dma2 semaphore(%arg11 : memref<!tpu.dma_semaphore, #tpu.memory_space<semaphore_mem>>) src(%dma_wait3A_57 : memref<80x128xf32, #tpu.memory_space<hbm>>) dst(%arg8 : memref<80x128xf32, #tpu.memory_space<vmem>>)
      %mul3A_58 = arith.constant 80 : i32
      %mul3A_59 = arith.muli %mul3A_46, %mul3A_58 : i32
      "tpu.region"() ({
        %run_scoped3A = tpu.sem_alloc : memref<!tpu.dma_semaphore, #tpu.memory_space<semaphore_mem>>
        %dma_start3A_67 = tpu.memref_slice %arg7[%mul3A_59] : memref<10000xi32, #tpu.memory_space<vmem>> -> memref<80xi32, #tpu.memory_space<vmem>>
        %dma_start3A_68 = arith.constant 0 : i32
        %dma_start3A_69 = arith.constant 0 : i32
        %dma_start3A_70 = tpu.memref_slice %arg10[%dma_start3A_68, %dma_start3A_69] : memref<10000x128xf32, #tpu.memory_space<vmem_shared>> -> memref<10000x128xf32, #tpu.memory_space<vmem_shared>>
        tpu.enqueue_indirect_dma source(%arg8 : memref<80x128xf32, #tpu.memory_space<vmem>>) target(%dma_start3A_70 : memref<10000x128xf32, #tpu.memory_space<vmem_shared>>) offsets(%dma_start3A_67 : memref<80xi32, #tpu.memory_space<vmem>>) semaphore(%run_scoped3A : memref<!tpu.dma_semaphore, #tpu.memory_space<semaphore_mem>>) {add = true}
        %dma_wait3A_71 = tpu.memref_slice %arg7[%mul3A_59] : memref<10000xi32, #tpu.memory_space<vmem>> -> memref<80xi32, #tpu.memory_space<vmem>>
        %dma_wait3A_72 = arith.constant 0 : i32
        %dma_wait3A_73 = arith.constant 0 : i32
        %dma_wait3A_74 = tpu.memref_slice %arg10[%dma_wait3A_72, %dma_wait3A_73] : memref<10000x128xf32, #tpu.memory_space<vmem_shared>> -> memref<10000x128xf32, #tpu.memory_space<vmem_shared>>
        tpu.wait_indirect_dma semaphore(%run_scoped3A : memref<!tpu.dma_semaphore, #tpu.memory_space<semaphore_mem>>) src(%arg8 : memref<80x128xf32, #tpu.memory_space<vmem>>) dst(%dma_wait3A_74 : memref<10000x128xf32, #tpu.memory_space<vmem_shared>>)
        tpu.yield
      }) : () -> ()
      %add3A_60 = arith.constant 1 : i32
      %add3A_61 = arith.addi %mul3A_46, %add3A_60 : i32
      %lt3A_62 = arith.constant 125 : i32
      %lt3A_63 = arith.cmpi slt, %add3A_61, %lt3A_62 : i32
      %convert_element_type3A_64 = arith.extui %lt3A_63 : i1 to i32
      %cond3A_65 = arith.constant 0 : i32
      %cond3A_66 = arith.cmpi ne, %convert_element_type3A_64, %cond3A_65 : i32
      scf.if %cond3A_66 {
        %add3A_67 = arith.constant 2 : i32
        %add3A_68 = arith.addi %mul3A_46, %add3A_67 : i32
        %lt3A_69 = arith.constant 125 : i32
        %lt3A_70 = arith.cmpi slt, %add3A_68, %lt3A_69 : i32
        %convert_element_type3A_71 = arith.extui %lt3A_70 : i1 to i32
        %cond3A_72 = arith.constant 0 : i32
        %cond3A_73 = arith.cmpi ne, %convert_element_type3A_71, %cond3A_72 : i32
        scf.if %cond3A_73 {
          %add3A_84 = arith.constant 2 : i32
          %add3A_85 = arith.addi %mul3A_46, %add3A_84 : i32
          %mul3A_86 = arith.constant 80 : i32
          %mul3A_87 = arith.muli %add3A_85, %mul3A_86 : i32
          %dma_start3A_88 = tpu.memref_slice %arg6[%mul3A_87] : memref<10000xi32, #tpu.memory_space<vmem>> -> memref<80xi32, #tpu.memory_space<vmem>>
          %dma_start3A_89 = arith.constant 0 : i32
          %dma_start3A_90 = arith.constant 0 : i32
          %dma_start3A_91 = tpu.memref_slice %arg2[%dma_start3A_89, %dma_start3A_90] : memref<10000x128xf32, #tpu.memory_space<hbm>> -> memref<10000x128xf32, #tpu.memory_space<hbm>>
          tpu.enqueue_indirect_dma source(%dma_start3A_91 : memref<10000x128xf32, #tpu.memory_space<hbm>>) target(%arg8 : memref<80x128xf32, #tpu.memory_space<vmem>>) offsets(%dma_start3A_88 : memref<80xi32, #tpu.memory_space<vmem>>) semaphore(%arg11 : memref<!tpu.dma_semaphore, #tpu.memory_space<semaphore_mem>>)
        } else {
        }
        %dma_wait3A_74 = arith.constant 0 : i32
        %dma_wait3A_75 = arith.constant 0 : i32
        %dma_wait3A_76 = tpu.memref_slice %arg2[%dma_wait3A_74, %dma_wait3A_75] : memref<10000x128xf32, #tpu.memory_space<hbm>> -> memref<80x128xf32, #tpu.memory_space<hbm>>
        %dma_wait3A_77 = arith.constant 0 : i32
        %dma_wait3A_78 = arith.constant 0 : i32
        %dma_wait3A_79 = tpu.memref_slice %arg2[%dma_wait3A_77, %dma_wait3A_78] : memref<10000x128xf32, #tpu.memory_space<hbm>> -> memref<80x128xf32, #tpu.memory_space<hbm>>
        tpu.wait_dma2 semaphore(%arg12 : memref<!tpu.dma_semaphore, #tpu.memory_space<semaphore_mem>>) src(%dma_wait3A_79 : memref<80x128xf32, #tpu.memory_space<hbm>>) dst(%arg9 : memref<80x128xf32, #tpu.memory_space<vmem>>)
        %add3A_80 = arith.constant 1 : i32
        %add3A_81 = arith.addi %mul3A_46, %add3A_80 : i32
        %mul3A_82 = arith.constant 80 : i32
        %mul3A_83 = arith.muli %add3A_81, %mul3A_82 : i32
        "tpu.region"() ({
          %run_scoped3A = tpu.sem_alloc : memref<!tpu.dma_semaphore, #tpu.memory_space<semaphore_mem>>
          %dma_start3A_84 = tpu.memref_slice %arg7[%mul3A_83] : memref<10000xi32, #tpu.memory_space<vmem>> -> memref<80xi32, #tpu.memory_space<vmem>>
          %dma_start3A_85 = arith.constant 0 : i32
          %dma_start3A_86 = arith.constant 0 : i32
          %dma_start3A_87 = tpu.memref_slice %arg10[%dma_start3A_85, %dma_start3A_86] : memref<10000x128xf32, #tpu.memory_space<vmem_shared>> -> memref<10000x128xf32, #tpu.memory_space<vmem_shared>>
          tpu.enqueue_indirect_dma source(%arg9 : memref<80x128xf32, #tpu.memory_space<vmem>>) target(%dma_start3A_87 : memref<10000x128xf32, #tpu.memory_space<vmem_shared>>) offsets(%dma_start3A_84 : memref<80xi32, #tpu.memory_space<vmem>>) semaphore(%run_scoped3A : memref<!tpu.dma_semaphore, #tpu.memory_space<semaphore_mem>>) {add = true}
          %dma_wait3A_88 = tpu.memref_slice %arg7[%mul3A_83] : memref<10000xi32, #tpu.memory_space<vmem>> -> memref<80xi32, #tpu.memory_space<vmem>>
          %dma_wait3A_89 = arith.constant 0 : i32
          %dma_wait3A_90 = arith.constant 0 : i32
          %dma_wait3A_91 = tpu.memref_slice %arg10[%dma_wait3A_89, %dma_wait3A_90] : memref<10000x128xf32, #tpu.memory_space<vmem_shared>> -> memref<10000x128xf32, #tpu.memory_space<vmem_shared>>
          tpu.wait_indirect_dma semaphore(%run_scoped3A : memref<!tpu.dma_semaphore, #tpu.memory_space<semaphore_mem>>) src(%arg9 : memref<80x128xf32, #tpu.memory_space<vmem>>) dst(%dma_wait3A_91 : memref<10000x128xf32, #tpu.memory_space<vmem_shared>>)
          tpu.yield
        }) : () -> ()
      } else {
      }
    }
    %scan3A_37 = arith.constant 63 : i32
    %barrier3A_38 = arith.constant 0 : index
    tpu.barrier barrier_id(%barrier3A_38)
    "tpu.region"() ({
      %run_scoped3A = tpu.sem_alloc : memref<!tpu.dma_semaphore, #tpu.memory_space<semaphore_mem>>
      %dma_start3A_44 = arith.constant 0 : i32
      %dma_start3A_45 = tpu.memref_slice %arg5[%arg0, %mul3A_4, %dma_start3A_44] : memref<2x10000x128xf32, #tpu.memory_space<hbm>> -> memref<1x624x128xf32, #tpu.memory_space<hbm>>
      %dma_start3A_46 = tpu.memref_squeeze %dma_start3A_45 : memref<1x624x128xf32, #tpu.memory_space<hbm>> -> memref<624x128xf32, #tpu.memory_space<hbm>>
      %dma_start3A_47 = arith.constant 0 : i32
      %dma_start3A_48 = tpu.memref_slice %arg10[%mul3A_4, %dma_start3A_47] : memref<10000x128xf32, #tpu.memory_space<vmem_shared>> -> memref<624x128xf32, #tpu.memory_space<vmem_shared>>
      tpu.enqueue_dma source(%dma_start3A_48 : memref<624x128xf32, #tpu.memory_space<vmem_shared>>) target(%dma_start3A_46 : memref<624x128xf32, #tpu.memory_space<hbm>>) target_semaphore(%run_scoped3A : memref<!tpu.dma_semaphore, #tpu.memory_space<semaphore_mem>>)
      %dma_wait3A = arith.constant 0 : i32
      %dma_wait3A_49 = tpu.memref_slice %arg5[%arg0, %mul3A_4, %dma_wait3A] : memref<2x10000x128xf32, #tpu.memory_space<hbm>> -> memref<1x624x128xf32, #tpu.memory_space<hbm>>
      %dma_wait3A_50 = tpu.memref_squeeze %dma_wait3A_49 : memref<1x624x128xf32, #tpu.memory_space<hbm>> -> memref<624x128xf32, #tpu.memory_space<hbm>>
      %dma_wait3A_51 = arith.constant 0 : i32
      %dma_wait3A_52 = tpu.memref_slice %arg10[%mul3A_4, %dma_wait3A_51] : memref<10000x128xf32, #tpu.memory_space<vmem_shared>> -> memref<624x128xf32, #tpu.memory_space<vmem_shared>>
      tpu.wait_dma2 semaphore(%run_scoped3A : memref<!tpu.dma_semaphore, #tpu.memory_space<semaphore_mem>>) src(%dma_wait3A_52 : memref<624x128xf32, #tpu.memory_space<vmem_shared>>) dst(%dma_wait3A_50 : memref<624x128xf32, #tpu.memory_space<hbm>>)
      tpu.yield
    }) : () -> ()
    %eq3A_39 = arith.constant 15 : i32
    %eq3A_40 = arith.cmpi eq, %arg1, %eq3A_39 : i32
    %convert_element_type3A_41 = arith.extui %eq3A_40 : i1 to i32
    %cond3A_42 = arith.constant 0 : i32
    %cond3A_43 = arith.cmpi ne, %convert_element_type3A_41, %cond3A_42 : i32
    scf.if %cond3A_43 {
      "tpu.region"() ({
        %run_scoped3A = tpu.sem_alloc : memref<!tpu.dma_semaphore, #tpu.memory_space<semaphore_mem>>
        %dma_start3A_44 = arith.constant 9984 : i32
        %dma_start3A_45 = arith.constant 0 : i32
        %dma_start3A_46 = tpu.memref_slice %arg5[%arg0, %dma_start3A_44, %dma_start3A_45] : memref<2x10000x128xf32, #tpu.memory_space<hbm>> -> memref<1x16x128xf32, #tpu.memory_space<hbm>>
        %dma_start3A_47 = tpu.memref_squeeze %dma_start3A_46 : memref<1x16x128xf32, #tpu.memory_space<hbm>> -> memref<16x128xf32, #tpu.memory_space<hbm>>
        %dma_start3A_48 = arith.constant 9984 : i32
        %dma_start3A_49 = arith.constant 0 : i32
        %dma_start3A_50 = tpu.memref_slice %arg10[%dma_start3A_48, %dma_start3A_49] : memref<10000x128xf32, #tpu.memory_space<vmem_shared>> -> memref<16x128xf32, #tpu.memory_space<vmem_shared>>
        tpu.enqueue_dma source(%dma_start3A_50 : memref<16x128xf32, #tpu.memory_space<vmem_shared>>) target(%dma_start3A_47 : memref<16x128xf32, #tpu.memory_space<hbm>>) target_semaphore(%run_scoped3A : memref<!tpu.dma_semaphore, #tpu.memory_space<semaphore_mem>>)
        %dma_wait3A = arith.constant 9984 : i32
        %dma_wait3A_51 = arith.constant 0 : i32
        %dma_wait3A_52 = tpu.memref_slice %arg5[%arg0, %dma_wait3A, %dma_wait3A_51] : memref<2x10000x128xf32, #tpu.memory_space<hbm>> -> memref<1x16x128xf32, #tpu.memory_space<hbm>>
        %dma_wait3A_53 = tpu.memref_squeeze %dma_wait3A_52 : memref<1x16x128xf32, #tpu.memory_space<hbm>> -> memref<16x128xf32, #tpu.memory_space<hbm>>
        %dma_wait3A_54 = arith.constant 9984 : i32
        %dma_wait3A_55 = arith.constant 0 : i32
        %dma_wait3A_56 = tpu.memref_slice %arg10[%dma_wait3A_54, %dma_wait3A_55] : memref<10000x128xf32, #tpu.memory_space<vmem_shared>> -> memref<16x128xf32, #tpu.memory_space<vmem_shared>>
        tpu.wait_dma2 semaphore(%run_scoped3A : memref<!tpu.dma_semaphore, #tpu.memory_space<semaphore_mem>>) src(%dma_wait3A_56 : memref<16x128xf32, #tpu.memory_space<vmem_shared>>) dst(%dma_wait3A_53 : memref<16x128xf32, #tpu.memory_space<hbm>>)
        tpu.yield
      }) : () -> ()
    } else {
    }
    return
  }
}

#map = affine_map<(d0, d1) -> (0, 0)>
#map1 = affine_map<(d0, d1) -> (0)>
module attributes {stable_mosaic.version = 14 : i64} {
  func.func @edge_gather(%arg0: i32, %arg1: i32, %arg2: memref<10000x128xi32, #tpu.memory_space<hbm>>, %arg3: memref<10000x128xi32, #tpu.memory_space<hbm>>, %arg4: memref<320000xi32, #tpu.memory_space<hbm>>, %arg5: memref<320000xi32, #tpu.memory_space<hbm>>, %arg6: memref<320000x128xi32, #tpu.memory_space<hbm>>, %arg7: memref<320000x128xi32, #tpu.memory_space<hbm>>, %arg8: memref<10000xi32, #tpu.memory_space<vmem>>, %arg9: memref<10000xi32, #tpu.memory_space<vmem>>, %arg10: memref<80x128xi32, #tpu.memory_space<vmem>>, %arg11: memref<80x128xi32, #tpu.memory_space<vmem>>, %arg12: memref<80x128xi32, #tpu.memory_space<vmem>>, %arg13: memref<80x128xi32, #tpu.memory_space<vmem>>, %arg14: memref<!tpu.dma_semaphore, #tpu.memory_space<semaphore_mem>>, %arg15: memref<!tpu.dma_semaphore, #tpu.memory_space<semaphore_mem>>) attributes {dimension_semantics = [#tpu.dimension_semantics<core_parallel>, #tpu.dimension_semantics<subcore_parallel>], iteration_bounds = array<i64: 2, 16>, scalar_prefetch = 0 : i64, scratch_operands = 8 : i64, tpu.core_type = #tpu.core_type<sc_vector_subcore>, window_params = [{transform_indices = #map}, {transform_indices = #map}, {transform_indices = #map1}, {transform_indices = #map1}, {transform_indices = #map}, {transform_indices = #map}]} {
    %mul3A = arith.constant 2 : i32
    %mul3A_0 = arith.muli %arg1, %mul3A : i32
    %add3A = arith.addi %mul3A_0, %arg0 : i32
    %mul3A_1 = arith.constant 10000 : i32
    %mul3A_2 = arith.muli %add3A, %mul3A_1 : i32
    "tpu.region"() ({
      %run_scoped3A = tpu.sem_alloc : memref<!tpu.dma_semaphore, #tpu.memory_space<semaphore_mem>>
      %dma_start3A_17 = tpu.memref_slice %arg4[%mul3A_2] : memref<320000xi32, #tpu.memory_space<hbm>> -> memref<10000xi32, #tpu.memory_space<hbm>>
      %dma_start3A_18 = tpu.memref_slice %arg4[%mul3A_2] : memref<320000xi32, #tpu.memory_space<hbm>> -> memref<10000xi32, #tpu.memory_space<hbm>>
      tpu.enqueue_dma source(%dma_start3A_18 : memref<10000xi32, #tpu.memory_space<hbm>>) target(%arg8 : memref<10000xi32, #tpu.memory_space<vmem>>) target_semaphore(%run_scoped3A : memref<!tpu.dma_semaphore, #tpu.memory_space<semaphore_mem>>)
      %dma_wait3A = tpu.memref_slice %arg4[%mul3A_2] : memref<320000xi32, #tpu.memory_space<hbm>> -> memref<10000xi32, #tpu.memory_space<hbm>>
      %dma_wait3A_19 = tpu.memref_slice %arg4[%mul3A_2] : memref<320000xi32, #tpu.memory_space<hbm>> -> memref<10000xi32, #tpu.memory_space<hbm>>
      tpu.wait_dma2 semaphore(%run_scoped3A : memref<!tpu.dma_semaphore, #tpu.memory_space<semaphore_mem>>) src(%dma_wait3A_19 : memref<10000xi32, #tpu.memory_space<hbm>>) dst(%arg8 : memref<10000xi32, #tpu.memory_space<vmem>>)
      tpu.yield
    }) : () -> ()
    "tpu.region"() ({
      %run_scoped3A = tpu.sem_alloc : memref<!tpu.dma_semaphore, #tpu.memory_space<semaphore_mem>>
      %dma_start3A_17 = tpu.memref_slice %arg5[%mul3A_2] : memref<320000xi32, #tpu.memory_space<hbm>> -> memref<10000xi32, #tpu.memory_space<hbm>>
      %dma_start3A_18 = tpu.memref_slice %arg5[%mul3A_2] : memref<320000xi32, #tpu.memory_space<hbm>> -> memref<10000xi32, #tpu.memory_space<hbm>>
      tpu.enqueue_dma source(%dma_start3A_18 : memref<10000xi32, #tpu.memory_space<hbm>>) target(%arg9 : memref<10000xi32, #tpu.memory_space<vmem>>) target_semaphore(%run_scoped3A : memref<!tpu.dma_semaphore, #tpu.memory_space<semaphore_mem>>)
      %dma_wait3A = tpu.memref_slice %arg5[%mul3A_2] : memref<320000xi32, #tpu.memory_space<hbm>> -> memref<10000xi32, #tpu.memory_space<hbm>>
      %dma_wait3A_19 = tpu.memref_slice %arg5[%mul3A_2] : memref<320000xi32, #tpu.memory_space<hbm>> -> memref<10000xi32, #tpu.memory_space<hbm>>
      tpu.wait_dma2 semaphore(%run_scoped3A : memref<!tpu.dma_semaphore, #tpu.memory_space<semaphore_mem>>) src(%dma_wait3A_19 : memref<10000xi32, #tpu.memory_space<hbm>>) dst(%arg9 : memref<10000xi32, #tpu.memory_space<vmem>>)
      tpu.yield
    }) : () -> ()
    %dma_start3A = arith.constant 0 : i32
    %dma_start3A_3 = tpu.memref_slice %arg8[%dma_start3A] : memref<10000xi32, #tpu.memory_space<vmem>> -> memref<80xi32, #tpu.memory_space<vmem>>
    %dma_start3A_4 = arith.constant 0 : i32
    %dma_start3A_5 = arith.constant 0 : i32
    %dma_start3A_6 = tpu.memref_slice %arg2[%dma_start3A_4, %dma_start3A_5] : memref<10000x128xi32, #tpu.memory_space<hbm>> -> memref<10000x128xi32, #tpu.memory_space<hbm>>
    tpu.enqueue_indirect_dma source(%dma_start3A_6 : memref<10000x128xi32, #tpu.memory_space<hbm>>) target(%arg10 : memref<80x128xi32, #tpu.memory_space<vmem>>) offsets(%dma_start3A_3 : memref<80xi32, #tpu.memory_space<vmem>>) semaphore(%arg14 : memref<!tpu.dma_semaphore, #tpu.memory_space<semaphore_mem>>)
    %dma_start3A_7 = arith.constant 0 : i32
    %dma_start3A_8 = tpu.memref_slice %arg9[%dma_start3A_7] : memref<10000xi32, #tpu.memory_space<vmem>> -> memref<80xi32, #tpu.memory_space<vmem>>
    %dma_start3A_9 = arith.constant 0 : i32
    %dma_start3A_10 = arith.constant 0 : i32
    %dma_start3A_11 = tpu.memref_slice %arg3[%dma_start3A_9, %dma_start3A_10] : memref<10000x128xi32, #tpu.memory_space<hbm>> -> memref<10000x128xi32, #tpu.memory_space<hbm>>
    tpu.enqueue_indirect_dma source(%dma_start3A_11 : memref<10000x128xi32, #tpu.memory_space<hbm>>) target(%arg12 : memref<80x128xi32, #tpu.memory_space<vmem>>) offsets(%dma_start3A_8 : memref<80xi32, #tpu.memory_space<vmem>>) semaphore(%arg14 : memref<!tpu.dma_semaphore, #tpu.memory_space<semaphore_mem>>)
    %scan3A = arith.constant 0 : i32
    %scan3A_12 = arith.constant 0 : i32
    %scan3A_13 = arith.constant 63 : i32
    %scan3A_14 = arith.addi %scan3A_12, %scan3A_13 : i32
    %scan3A_15 = arith.constant 1 : i32
    scf.for %scan3A_17 = %scan3A_12 to %scan3A_14 step %scan3A_15  : i32 {
      %mul3A_18 = arith.constant 2 : i32
      %mul3A_19 = arith.muli %mul3A_18, %scan3A_17 : i32
      %add3A_20 = arith.constant 1 : i32
      %add3A_21 = arith.addi %mul3A_19, %add3A_20 : i32
      %lt3A = arith.constant 125 : i32
      %lt3A_22 = arith.cmpi slt, %add3A_21, %lt3A : i32
      %convert_element_type3A = arith.extui %lt3A_22 : i1 to i32
      %cond3A = arith.constant 0 : i32
      %cond3A_23 = arith.cmpi ne, %convert_element_type3A, %cond3A : i32
      scf.if %cond3A_23 {
        %add3A_45 = arith.constant 1 : i32
        %add3A_46 = arith.addi %mul3A_19, %add3A_45 : i32
        %mul3A_47 = arith.constant 80 : i32
        %mul3A_48 = arith.muli %add3A_46, %mul3A_47 : i32
        %dma_start3A_49 = tpu.memref_slice %arg8[%mul3A_48] : memref<10000xi32, #tpu.memory_space<vmem>> -> memref<80xi32, #tpu.memory_space<vmem>>
        %dma_start3A_50 = arith.constant 0 : i32
        %dma_start3A_51 = arith.constant 0 : i32
        %dma_start3A_52 = tpu.memref_slice %arg2[%dma_start3A_50, %dma_start3A_51] : memref<10000x128xi32, #tpu.memory_space<hbm>> -> memref<10000x128xi32, #tpu.memory_space<hbm>>
        tpu.enqueue_indirect_dma source(%dma_start3A_52 : memref<10000x128xi32, #tpu.memory_space<hbm>>) target(%arg11 : memref<80x128xi32, #tpu.memory_space<vmem>>) offsets(%dma_start3A_49 : memref<80xi32, #tpu.memory_space<vmem>>) semaphore(%arg15 : memref<!tpu.dma_semaphore, #tpu.memory_space<semaphore_mem>>)
        %dma_start3A_53 = tpu.memref_slice %arg9[%mul3A_48] : memref<10000xi32, #tpu.memory_space<vmem>> -> memref<80xi32, #tpu.memory_space<vmem>>
        %dma_start3A_54 = arith.constant 0 : i32
        %dma_start3A_55 = arith.constant 0 : i32
        %dma_start3A_56 = tpu.memref_slice %arg3[%dma_start3A_54, %dma_start3A_55] : memref<10000x128xi32, #tpu.memory_space<hbm>> -> memref<10000x128xi32, #tpu.memory_space<hbm>>
        tpu.enqueue_indirect_dma source(%dma_start3A_56 : memref<10000x128xi32, #tpu.memory_space<hbm>>) target(%arg13 : memref<80x128xi32, #tpu.memory_space<vmem>>) offsets(%dma_start3A_53 : memref<80xi32, #tpu.memory_space<vmem>>) semaphore(%arg15 : memref<!tpu.dma_semaphore, #tpu.memory_space<semaphore_mem>>)
      } else {
      }
      %dma_wait3A = arith.constant 0 : i32
      %dma_wait3A_24 = arith.constant 0 : i32
      %dma_wait3A_25 = tpu.memref_slice %arg2[%dma_wait3A, %dma_wait3A_24] : memref<10000x128xi32, #tpu.memory_space<hbm>> -> memref<80x128xi32, #tpu.memory_space<hbm>>
      %dma_wait3A_26 = arith.constant 0 : i32
      %dma_wait3A_27 = arith.constant 0 : i32
      %dma_wait3A_28 = tpu.memref_slice %arg2[%dma_wait3A_26, %dma_wait3A_27] : memref<10000x128xi32, #tpu.memory_space<hbm>> -> memref<80x128xi32, #tpu.memory_space<hbm>>
      tpu.wait_dma2 semaphore(%arg14 : memref<!tpu.dma_semaphore, #tpu.memory_space<semaphore_mem>>) src(%dma_wait3A_28 : memref<80x128xi32, #tpu.memory_space<hbm>>) dst(%arg10 : memref<80x128xi32, #tpu.memory_space<vmem>>)
      %dma_wait3A_29 = arith.constant 0 : i32
      %dma_wait3A_30 = arith.constant 0 : i32
      %dma_wait3A_31 = tpu.memref_slice %arg3[%dma_wait3A_29, %dma_wait3A_30] : memref<10000x128xi32, #tpu.memory_space<hbm>> -> memref<80x128xi32, #tpu.memory_space<hbm>>
      %dma_wait3A_32 = arith.constant 0 : i32
      %dma_wait3A_33 = arith.constant 0 : i32
      %dma_wait3A_34 = tpu.memref_slice %arg3[%dma_wait3A_32, %dma_wait3A_33] : memref<10000x128xi32, #tpu.memory_space<hbm>> -> memref<80x128xi32, #tpu.memory_space<hbm>>
      tpu.wait_dma2 semaphore(%arg14 : memref<!tpu.dma_semaphore, #tpu.memory_space<semaphore_mem>>) src(%dma_wait3A_34 : memref<80x128xi32, #tpu.memory_space<hbm>>) dst(%arg12 : memref<80x128xi32, #tpu.memory_space<vmem>>)
      %mul3A_35 = arith.constant 80 : i32
      %mul3A_36 = arith.muli %mul3A_19, %mul3A_35 : i32
      %add3A_37 = arith.addi %mul3A_2, %mul3A_36 : i32
      "tpu.region"() ({
        %run_scoped3A = tpu.sem_alloc : memref<!tpu.dma_semaphore, #tpu.memory_space<semaphore_mem>>
        %dma_start3A_45 = arith.constant 0 : i32
        %dma_start3A_46 = tpu.memref_slice %arg6[%add3A_37, %dma_start3A_45] : memref<320000x128xi32, #tpu.memory_space<hbm>> -> memref<80x128xi32, #tpu.memory_space<hbm>>
        %dma_start3A_47 = arith.constant 0 : i32
        %dma_start3A_48 = tpu.memref_slice %arg6[%add3A_37, %dma_start3A_47] : memref<320000x128xi32, #tpu.memory_space<hbm>> -> memref<80x128xi32, #tpu.memory_space<hbm>>
        tpu.enqueue_dma source(%arg10 : memref<80x128xi32, #tpu.memory_space<vmem>>) target(%dma_start3A_48 : memref<80x128xi32, #tpu.memory_space<hbm>>) target_semaphore(%run_scoped3A : memref<!tpu.dma_semaphore, #tpu.memory_space<semaphore_mem>>)
        %dma_wait3A_49 = arith.constant 0 : i32
        %dma_wait3A_50 = tpu.memref_slice %arg6[%add3A_37, %dma_wait3A_49] : memref<320000x128xi32, #tpu.memory_space<hbm>> -> memref<80x128xi32, #tpu.memory_space<hbm>>
        %dma_wait3A_51 = arith.constant 0 : i32
        %dma_wait3A_52 = tpu.memref_slice %arg6[%add3A_37, %dma_wait3A_51] : memref<320000x128xi32, #tpu.memory_space<hbm>> -> memref<80x128xi32, #tpu.memory_space<hbm>>
        tpu.wait_dma2 semaphore(%run_scoped3A : memref<!tpu.dma_semaphore, #tpu.memory_space<semaphore_mem>>) src(%arg10 : memref<80x128xi32, #tpu.memory_space<vmem>>) dst(%dma_wait3A_52 : memref<80x128xi32, #tpu.memory_space<hbm>>)
        tpu.yield
      }) : () -> ()
      "tpu.region"() ({
        %run_scoped3A = tpu.sem_alloc : memref<!tpu.dma_semaphore, #tpu.memory_space<semaphore_mem>>
        %dma_start3A_45 = arith.constant 0 : i32
        %dma_start3A_46 = tpu.memref_slice %arg7[%add3A_37, %dma_start3A_45] : memref<320000x128xi32, #tpu.memory_space<hbm>> -> memref<80x128xi32, #tpu.memory_space<hbm>>
        %dma_start3A_47 = arith.constant 0 : i32
        %dma_start3A_48 = tpu.memref_slice %arg7[%add3A_37, %dma_start3A_47] : memref<320000x128xi32, #tpu.memory_space<hbm>> -> memref<80x128xi32, #tpu.memory_space<hbm>>
        tpu.enqueue_dma source(%arg12 : memref<80x128xi32, #tpu.memory_space<vmem>>) target(%dma_start3A_48 : memref<80x128xi32, #tpu.memory_space<hbm>>) target_semaphore(%run_scoped3A : memref<!tpu.dma_semaphore, #tpu.memory_space<semaphore_mem>>)
        %dma_wait3A_49 = arith.constant 0 : i32
        %dma_wait3A_50 = tpu.memref_slice %arg7[%add3A_37, %dma_wait3A_49] : memref<320000x128xi32, #tpu.memory_space<hbm>> -> memref<80x128xi32, #tpu.memory_space<hbm>>
        %dma_wait3A_51 = arith.constant 0 : i32
        %dma_wait3A_52 = tpu.memref_slice %arg7[%add3A_37, %dma_wait3A_51] : memref<320000x128xi32, #tpu.memory_space<hbm>> -> memref<80x128xi32, #tpu.memory_space<hbm>>
        tpu.wait_dma2 semaphore(%run_scoped3A : memref<!tpu.dma_semaphore, #tpu.memory_space<semaphore_mem>>) src(%arg12 : memref<80x128xi32, #tpu.memory_space<vmem>>) dst(%dma_wait3A_52 : memref<80x128xi32, #tpu.memory_space<hbm>>)
        tpu.yield
      }) : () -> ()
      %add3A_38 = arith.constant 1 : i32
      %add3A_39 = arith.addi %mul3A_19, %add3A_38 : i32
      %lt3A_40 = arith.constant 125 : i32
      %lt3A_41 = arith.cmpi slt, %add3A_39, %lt3A_40 : i32
      %convert_element_type3A_42 = arith.extui %lt3A_41 : i1 to i32
      %cond3A_43 = arith.constant 0 : i32
      %cond3A_44 = arith.cmpi ne, %convert_element_type3A_42, %cond3A_43 : i32
      scf.if %cond3A_44 {
        %add3A_45 = arith.constant 2 : i32
        %add3A_46 = arith.addi %mul3A_19, %add3A_45 : i32
        %lt3A_47 = arith.constant 125 : i32
        %lt3A_48 = arith.cmpi slt, %add3A_46, %lt3A_47 : i32
        %convert_element_type3A_49 = arith.extui %lt3A_48 : i1 to i32
        %cond3A_50 = arith.constant 0 : i32
        %cond3A_51 = arith.cmpi ne, %convert_element_type3A_49, %cond3A_50 : i32
        scf.if %cond3A_51 {
          %add3A_69 = arith.constant 2 : i32
          %add3A_70 = arith.addi %mul3A_19, %add3A_69 : i32
          %mul3A_71 = arith.constant 80 : i32
          %mul3A_72 = arith.muli %add3A_70, %mul3A_71 : i32
          %dma_start3A_73 = tpu.memref_slice %arg8[%mul3A_72] : memref<10000xi32, #tpu.memory_space<vmem>> -> memref<80xi32, #tpu.memory_space<vmem>>
          %dma_start3A_74 = arith.constant 0 : i32
          %dma_start3A_75 = arith.constant 0 : i32
          %dma_start3A_76 = tpu.memref_slice %arg2[%dma_start3A_74, %dma_start3A_75] : memref<10000x128xi32, #tpu.memory_space<hbm>> -> memref<10000x128xi32, #tpu.memory_space<hbm>>
          tpu.enqueue_indirect_dma source(%dma_start3A_76 : memref<10000x128xi32, #tpu.memory_space<hbm>>) target(%arg10 : memref<80x128xi32, #tpu.memory_space<vmem>>) offsets(%dma_start3A_73 : memref<80xi32, #tpu.memory_space<vmem>>) semaphore(%arg14 : memref<!tpu.dma_semaphore, #tpu.memory_space<semaphore_mem>>)
          %dma_start3A_77 = tpu.memref_slice %arg9[%mul3A_72] : memref<10000xi32, #tpu.memory_space<vmem>> -> memref<80xi32, #tpu.memory_space<vmem>>
          %dma_start3A_78 = arith.constant 0 : i32
          %dma_start3A_79 = arith.constant 0 : i32
          %dma_start3A_80 = tpu.memref_slice %arg3[%dma_start3A_78, %dma_start3A_79] : memref<10000x128xi32, #tpu.memory_space<hbm>> -> memref<10000x128xi32, #tpu.memory_space<hbm>>
          tpu.enqueue_indirect_dma source(%dma_start3A_80 : memref<10000x128xi32, #tpu.memory_space<hbm>>) target(%arg12 : memref<80x128xi32, #tpu.memory_space<vmem>>) offsets(%dma_start3A_77 : memref<80xi32, #tpu.memory_space<vmem>>) semaphore(%arg14 : memref<!tpu.dma_semaphore, #tpu.memory_space<semaphore_mem>>)
        } else {
        }
        %dma_wait3A_52 = arith.constant 0 : i32
        %dma_wait3A_53 = arith.constant 0 : i32
        %dma_wait3A_54 = tpu.memref_slice %arg2[%dma_wait3A_52, %dma_wait3A_53] : memref<10000x128xi32, #tpu.memory_space<hbm>> -> memref<80x128xi32, #tpu.memory_space<hbm>>
        %dma_wait3A_55 = arith.constant 0 : i32
        %dma_wait3A_56 = arith.constant 0 : i32
        %dma_wait3A_57 = tpu.memref_slice %arg2[%dma_wait3A_55, %dma_wait3A_56] : memref<10000x128xi32, #tpu.memory_space<hbm>> -> memref<80x128xi32, #tpu.memory_space<hbm>>
        tpu.wait_dma2 semaphore(%arg15 : memref<!tpu.dma_semaphore, #tpu.memory_space<semaphore_mem>>) src(%dma_wait3A_57 : memref<80x128xi32, #tpu.memory_space<hbm>>) dst(%arg11 : memref<80x128xi32, #tpu.memory_space<vmem>>)
        %dma_wait3A_58 = arith.constant 0 : i32
        %dma_wait3A_59 = arith.constant 0 : i32
        %dma_wait3A_60 = tpu.memref_slice %arg3[%dma_wait3A_58, %dma_wait3A_59] : memref<10000x128xi32, #tpu.memory_space<hbm>> -> memref<80x128xi32, #tpu.memory_space<hbm>>
        %dma_wait3A_61 = arith.constant 0 : i32
        %dma_wait3A_62 = arith.constant 0 : i32
        %dma_wait3A_63 = tpu.memref_slice %arg3[%dma_wait3A_61, %dma_wait3A_62] : memref<10000x128xi32, #tpu.memory_space<hbm>> -> memref<80x128xi32, #tpu.memory_space<hbm>>
        tpu.wait_dma2 semaphore(%arg15 : memref<!tpu.dma_semaphore, #tpu.memory_space<semaphore_mem>>) src(%dma_wait3A_63 : memref<80x128xi32, #tpu.memory_space<hbm>>) dst(%arg13 : memref<80x128xi32, #tpu.memory_space<vmem>>)
        %add3A_64 = arith.constant 1 : i32
        %add3A_65 = arith.addi %mul3A_19, %add3A_64 : i32
        %mul3A_66 = arith.constant 80 : i32
        %mul3A_67 = arith.muli %add3A_65, %mul3A_66 : i32
        %add3A_68 = arith.addi %mul3A_2, %mul3A_67 : i32
        "tpu.region"() ({
          %run_scoped3A = tpu.sem_alloc : memref<!tpu.dma_semaphore, #tpu.memory_space<semaphore_mem>>
          %dma_start3A_69 = arith.constant 0 : i32
          %dma_start3A_70 = tpu.memref_slice %arg6[%add3A_68, %dma_start3A_69] : memref<320000x128xi32, #tpu.memory_space<hbm>> -> memref<80x128xi32, #tpu.memory_space<hbm>>
          %dma_start3A_71 = arith.constant 0 : i32
          %dma_start3A_72 = tpu.memref_slice %arg6[%add3A_68, %dma_start3A_71] : memref<320000x128xi32, #tpu.memory_space<hbm>> -> memref<80x128xi32, #tpu.memory_space<hbm>>
          tpu.enqueue_dma source(%arg11 : memref<80x128xi32, #tpu.memory_space<vmem>>) target(%dma_start3A_72 : memref<80x128xi32, #tpu.memory_space<hbm>>) target_semaphore(%run_scoped3A : memref<!tpu.dma_semaphore, #tpu.memory_space<semaphore_mem>>)
          %dma_wait3A_73 = arith.constant 0 : i32
          %dma_wait3A_74 = tpu.memref_slice %arg6[%add3A_68, %dma_wait3A_73] : memref<320000x128xi32, #tpu.memory_space<hbm>> -> memref<80x128xi32, #tpu.memory_space<hbm>>
          %dma_wait3A_75 = arith.constant 0 : i32
          %dma_wait3A_76 = tpu.memref_slice %arg6[%add3A_68, %dma_wait3A_75] : memref<320000x128xi32, #tpu.memory_space<hbm>> -> memref<80x128xi32, #tpu.memory_space<hbm>>
          tpu.wait_dma2 semaphore(%run_scoped3A : memref<!tpu.dma_semaphore, #tpu.memory_space<semaphore_mem>>) src(%arg11 : memref<80x128xi32, #tpu.memory_space<vmem>>) dst(%dma_wait3A_76 : memref<80x128xi32, #tpu.memory_space<hbm>>)
          tpu.yield
        }) : () -> ()
        "tpu.region"() ({
          %run_scoped3A = tpu.sem_alloc : memref<!tpu.dma_semaphore, #tpu.memory_space<semaphore_mem>>
          %dma_start3A_69 = arith.constant 0 : i32
          %dma_start3A_70 = tpu.memref_slice %arg7[%add3A_68, %dma_start3A_69] : memref<320000x128xi32, #tpu.memory_space<hbm>> -> memref<80x128xi32, #tpu.memory_space<hbm>>
          %dma_start3A_71 = arith.constant 0 : i32
          %dma_start3A_72 = tpu.memref_slice %arg7[%add3A_68, %dma_start3A_71] : memref<320000x128xi32, #tpu.memory_space<hbm>> -> memref<80x128xi32, #tpu.memory_space<hbm>>
          tpu.enqueue_dma source(%arg13 : memref<80x128xi32, #tpu.memory_space<vmem>>) target(%dma_start3A_72 : memref<80x128xi32, #tpu.memory_space<hbm>>) target_semaphore(%run_scoped3A : memref<!tpu.dma_semaphore, #tpu.memory_space<semaphore_mem>>)
          %dma_wait3A_73 = arith.constant 0 : i32
          %dma_wait3A_74 = tpu.memref_slice %arg7[%add3A_68, %dma_wait3A_73] : memref<320000x128xi32, #tpu.memory_space<hbm>> -> memref<80x128xi32, #tpu.memory_space<hbm>>
          %dma_wait3A_75 = arith.constant 0 : i32
          %dma_wait3A_76 = tpu.memref_slice %arg7[%add3A_68, %dma_wait3A_75] : memref<320000x128xi32, #tpu.memory_space<hbm>> -> memref<80x128xi32, #tpu.memory_space<hbm>>
          tpu.wait_dma2 semaphore(%run_scoped3A : memref<!tpu.dma_semaphore, #tpu.memory_space<semaphore_mem>>) src(%arg13 : memref<80x128xi32, #tpu.memory_space<vmem>>) dst(%dma_wait3A_76 : memref<80x128xi32, #tpu.memory_space<hbm>>)
          tpu.yield
        }) : () -> ()
      } else {
      }
    }
    %scan3A_16 = arith.constant 63 : i32
    return
  }
}

#map = affine_map<(d0, d1) -> (0, 0)>
#map1 = affine_map<(d0, d1) -> (0)>
#map2 = affine_map<(d0, d1) -> (0, 0, 0)>
module attributes {stable_mosaic.version = 14 : i64} {
  func.func @seg_sum(%arg0: i32, %arg1: i32, %arg2: memref<10000x128xf32, #tpu.memory_space<hbm>>, %arg3: memref<320000xi32, #tpu.memory_space<hbm>>, %arg4: memref<320000xi32, #tpu.memory_space<hbm>>, %arg5: memref<2x10000x128xf32, #tpu.memory_space<hbm>>, %arg6: memref<10000xi32, #tpu.memory_space<vmem>>, %arg7: memref<10000xi32, #tpu.memory_space<vmem>>, %arg8: memref<80x128xf32, #tpu.memory_space<vmem>>, %arg9: memref<80x128xf32, #tpu.memory_space<vmem>>, %arg10: memref<10000x128xf32, #tpu.memory_space<vmem_shared>>, %arg11: memref<!tpu.dma_semaphore, #tpu.memory_space<semaphore_mem>>, %arg12: memref<!tpu.dma_semaphore, #tpu.memory_space<semaphore_mem>>) attributes {dimension_semantics = [#tpu.dimension_semantics<core_parallel>, #tpu.dimension_semantics<subcore_parallel>], iteration_bounds = array<i64: 2, 16>, scalar_prefetch = 0 : i64, scratch_operands = 7 : i64, tpu.core_type = #tpu.core_type<sc_vector_subcore>, window_params = [{transform_indices = #map}, {transform_indices = #map1}, {transform_indices = #map1}, {transform_indices = #map2}]} {
    %mul3A = arith.constant 2 : i32
    %mul3A_0 = arith.muli %arg1, %mul3A : i32
    %add3A = arith.addi %mul3A_0, %arg0 : i32
    %mul3A_1 = arith.constant 10000 : i32
    %mul3A_2 = arith.muli %add3A, %mul3A_1 : i32
    %mul3A_3 = arith.constant 624 : i32
    %mul3A_4 = arith.muli %arg1, %mul3A_3 : i32
    "tpu.region"() ({
      %run_scoped3A = tpu.sem_alloc : memref<!tpu.dma_semaphore, #tpu.memory_space<semaphore_mem>>
      %dma_start3A_44 = tpu.memref_slice %arg3[%mul3A_2] : memref<320000xi32, #tpu.memory_space<hbm>> -> memref<10000xi32, #tpu.memory_space<hbm>>
      %dma_start3A_45 = tpu.memref_slice %arg3[%mul3A_2] : memref<320000xi32, #tpu.memory_space<hbm>> -> memref<10000xi32, #tpu.memory_space<hbm>>
      tpu.enqueue_dma source(%dma_start3A_45 : memref<10000xi32, #tpu.memory_space<hbm>>) target(%arg6 : memref<10000xi32, #tpu.memory_space<vmem>>) target_semaphore(%run_scoped3A : memref<!tpu.dma_semaphore, #tpu.memory_space<semaphore_mem>>)
      %dma_wait3A = tpu.memref_slice %arg3[%mul3A_2] : memref<320000xi32, #tpu.memory_space<hbm>> -> memref<10000xi32, #tpu.memory_space<hbm>>
      %dma_wait3A_46 = tpu.memref_slice %arg3[%mul3A_2] : memref<320000xi32, #tpu.memory_space<hbm>> -> memref<10000xi32, #tpu.memory_space<hbm>>
      tpu.wait_dma2 semaphore(%run_scoped3A : memref<!tpu.dma_semaphore, #tpu.memory_space<semaphore_mem>>) src(%dma_wait3A_46 : memref<10000xi32, #tpu.memory_space<hbm>>) dst(%arg6 : memref<10000xi32, #tpu.memory_space<vmem>>)
      tpu.yield
    }) : () -> ()
    "tpu.region"() ({
      %run_scoped3A = tpu.sem_alloc : memref<!tpu.dma_semaphore, #tpu.memory_space<semaphore_mem>>
      %dma_start3A_44 = tpu.memref_slice %arg4[%mul3A_2] : memref<320000xi32, #tpu.memory_space<hbm>> -> memref<10000xi32, #tpu.memory_space<hbm>>
      %dma_start3A_45 = tpu.memref_slice %arg4[%mul3A_2] : memref<320000xi32, #tpu.memory_space<hbm>> -> memref<10000xi32, #tpu.memory_space<hbm>>
      tpu.enqueue_dma source(%dma_start3A_45 : memref<10000xi32, #tpu.memory_space<hbm>>) target(%arg7 : memref<10000xi32, #tpu.memory_space<vmem>>) target_semaphore(%run_scoped3A : memref<!tpu.dma_semaphore, #tpu.memory_space<semaphore_mem>>)
      %dma_wait3A = tpu.memref_slice %arg4[%mul3A_2] : memref<320000xi32, #tpu.memory_space<hbm>> -> memref<10000xi32, #tpu.memory_space<hbm>>
      %dma_wait3A_46 = tpu.memref_slice %arg4[%mul3A_2] : memref<320000xi32, #tpu.memory_space<hbm>> -> memref<10000xi32, #tpu.memory_space<hbm>>
      tpu.wait_dma2 semaphore(%run_scoped3A : memref<!tpu.dma_semaphore, #tpu.memory_space<semaphore_mem>>) src(%dma_wait3A_46 : memref<10000xi32, #tpu.memory_space<hbm>>) dst(%arg7 : memref<10000xi32, #tpu.memory_space<vmem>>)
      tpu.yield
    }) : () -> ()
    %scan3A = arith.constant 0 : i32
    %scan3A_5 = arith.constant 0 : i32
    %scan3A_6 = arith.constant 80 : i32
    %scan3A_7 = arith.addi %scan3A_5, %scan3A_6 : i32
    %scan3A_8 = arith.constant 1 : i32
    scf.for %scan3A_44 = %scan3A_5 to %scan3A_7 step %scan3A_8  : i32 {
      %broadcast_in_dim3A = arith.constant 0.000000e+00 : f32
      %broadcast_in_dim3A_45 = vector.broadcast %broadcast_in_dim3A : f32 to vector<16xf32>
      %swap3A = arith.index_cast %scan3A_44 : i32 to index
      %swap3A_46 = arith.constant 0 : index
      %swap3A_47 = tpu.vector_load %arg8[%swap3A, %swap3A_46] {strides = array<i32>} : memref<80x128xf32, #tpu.memory_space<vmem>>, vector<1x16xf32>,
      %swap3A_48 = vector.shape_cast %swap3A_47 : vector<1x16xf32> to vector<16xf32>
      %swap3A_49 = vector.shape_cast %broadcast_in_dim3A_45 : vector<16xf32> to vector<1x16xf32>
      tpu.vector_store %arg8[%swap3A, %swap3A_46], %swap3A_49 {strides = array<i32>} : memref<80x128xf32, #tpu.memory_space<vmem>>, vector<1x16xf32>,
      %broadcast_in_dim3A_50 = arith.constant 0.000000e+00 : f32
      %broadcast_in_dim3A_51 = vector.broadcast %broadcast_in_dim3A_50 : f32 to vector<16xf32>
      %swap3A_52 = arith.index_cast %scan3A_44 : i32 to index
      %swap3A_53 = arith.constant 16 : index
      %swap3A_54 = tpu.vector_load %arg8[%swap3A_52, %swap3A_53] {strides = array<i32>} : memref<80x128xf32, #tpu.memory_space<vmem>>, vector<1x16xf32>,
      %swap3A_55 = vector.shape_cast %swap3A_54 : vector<1x16xf32> to vector<16xf32>
      %swap3A_56 = vector.shape_cast %broadcast_in_dim3A_51 : vector<16xf32> to vector<1x16xf32>
      tpu.vector_store %arg8[%swap3A_52, %swap3A_53], %swap3A_56 {strides = array<i32>} : memref<80x128xf32, #tpu.memory_space<vmem>>, vector<1x16xf32>,
      %broadcast_in_dim3A_57 = arith.constant 0.000000e+00 : f32
      %broadcast_in_dim3A_58 = vector.broadcast %broadcast_in_dim3A_57 : f32 to vector<16xf32>
      %swap3A_59 = arith.index_cast %scan3A_44 : i32 to index
      %swap3A_60 = arith.constant 32 : index
      %swap3A_61 = tpu.vector_load %arg8[%swap3A_59, %swap3A_60] {strides = array<i32>} : memref<80x128xf32, #tpu.memory_space<vmem>>, vector<1x16xf32>,
      %swap3A_62 = vector.shape_cast %swap3A_61 : vector<1x16xf32> to vector<16xf32>
      %swap3A_63 = vector.shape_cast %broadcast_in_dim3A_58 : vector<16xf32> to vector<1x16xf32>
      tpu.vector_store %arg8[%swap3A_59, %swap3A_60], %swap3A_63 {strides = array<i32>} : memref<80x128xf32, #tpu.memory_space<vmem>>, vector<1x16xf32>,
      %broadcast_in_dim3A_64 = arith.constant 0.000000e+00 : f32
      %broadcast_in_dim3A_65 = vector.broadcast %broadcast_in_dim3A_64 : f32 to vector<16xf32>
      %swap3A_66 = arith.index_cast %scan3A_44 : i32 to index
      %swap3A_67 = arith.constant 48 : index
      %swap3A_68 = tpu.vector_load %arg8[%swap3A_66, %swap3A_67] {strides = array<i32>} : memref<80x128xf32, #tpu.memory_space<vmem>>, vector<1x16xf32>,
      %swap3A_69 = vector.shape_cast %swap3A_68 : vector<1x16xf32> to vector<16xf32>
      %swap3A_70 = vector.shape_cast %broadcast_in_dim3A_65 : vector<16xf32> to vector<1x16xf32>
      tpu.vector_store %arg8[%swap3A_66, %swap3A_67], %swap3A_70 {strides = array<i32>} : memref<80x128xf32, #tpu.memory_space<vmem>>, vector<1x16xf32>,
      %broadcast_in_dim3A_71 = arith.constant 0.000000e+00 : f32
      %broadcast_in_dim3A_72 = vector.broadcast %broadcast_in_dim3A_71 : f32 to vector<16xf32>
      %swap3A_73 = arith.index_cast %scan3A_44 : i32 to index
      %swap3A_74 = arith.constant 64 : index
      %swap3A_75 = tpu.vector_load %arg8[%swap3A_73, %swap3A_74] {strides = array<i32>} : memref<80x128xf32, #tpu.memory_space<vmem>>, vector<1x16xf32>,
      %swap3A_76 = vector.shape_cast %swap3A_75 : vector<1x16xf32> to vector<16xf32>
      %swap3A_77 = vector.shape_cast %broadcast_in_dim3A_72 : vector<16xf32> to vector<1x16xf32>
      tpu.vector_store %arg8[%swap3A_73, %swap3A_74], %swap3A_77 {strides = array<i32>} : memref<80x128xf32, #tpu.memory_space<vmem>>, vector<1x16xf32>,
      %broadcast_in_dim3A_78 = arith.constant 0.000000e+00 : f32
      %broadcast_in_dim3A_79 = vector.broadcast %broadcast_in_dim3A_78 : f32 to vector<16xf32>
      %swap3A_80 = arith.index_cast %scan3A_44 : i32 to index
      %swap3A_81 = arith.constant 80 : index
      %swap3A_82 = tpu.vector_load %arg8[%swap3A_80, %swap3A_81] {strides = array<i32>} : memref<80x128xf32, #tpu.memory_space<vmem>>, vector<1x16xf32>,
      %swap3A_83 = vector.shape_cast %swap3A_82 : vector<1x16xf32> to vector<16xf32>
      %swap3A_84 = vector.shape_cast %broadcast_in_dim3A_79 : vector<16xf32> to vector<1x16xf32>
      tpu.vector_store %arg8[%swap3A_80, %swap3A_81], %swap3A_84 {strides = array<i32>} : memref<80x128xf32, #tpu.memory_space<vmem>>, vector<1x16xf32>,
      %broadcast_in_dim3A_85 = arith.constant 0.000000e+00 : f32
      %broadcast_in_dim3A_86 = vector.broadcast %broadcast_in_dim3A_85 : f32 to vector<16xf32>
      %swap3A_87 = arith.index_cast %scan3A_44 : i32 to index
      %swap3A_88 = arith.constant 96 : index
      %swap3A_89 = tpu.vector_load %arg8[%swap3A_87, %swap3A_88] {strides = array<i32>} : memref<80x128xf32, #tpu.memory_space<vmem>>, vector<1x16xf32>,
      %swap3A_90 = vector.shape_cast %swap3A_89 : vector<1x16xf32> to vector<16xf32>
      %swap3A_91 = vector.shape_cast %broadcast_in_dim3A_86 : vector<16xf32> to vector<1x16xf32>
      tpu.vector_store %arg8[%swap3A_87, %swap3A_88], %swap3A_91 {strides = array<i32>} : memref<80x128xf32, #tpu.memory_space<vmem>>, vector<1x16xf32>,
      %broadcast_in_dim3A_92 = arith.constant 0.000000e+00 : f32
      %broadcast_in_dim3A_93 = vector.broadcast %broadcast_in_dim3A_92 : f32 to vector<16xf32>
      %swap3A_94 = arith.index_cast %scan3A_44 : i32 to index
      %swap3A_95 = arith.constant 112 : index
      %swap3A_96 = tpu.vector_load %arg8[%swap3A_94, %swap3A_95] {strides = array<i32>} : memref<80x128xf32, #tpu.memory_space<vmem>>, vector<1x16xf32>,
      %swap3A_97 = vector.shape_cast %swap3A_96 : vector<1x16xf32> to vector<16xf32>
      %swap3A_98 = vector.shape_cast %broadcast_in_dim3A_93 : vector<16xf32> to vector<1x16xf32>
      tpu.vector_store %arg8[%swap3A_94, %swap3A_95], %swap3A_98 {strides = array<i32>} : memref<80x128xf32, #tpu.memory_space<vmem>>, vector<1x16xf32>,
    }
    %scan3A_9 = arith.constant 80 : i32
    %add3A_10 = arith.constant 0 : i32
    %add3A_11 = arith.addi %mul3A_4, %add3A_10 : i32
    "tpu.region"() ({
      %run_scoped3A = tpu.sem_alloc : memref<!tpu.dma_semaphore, #tpu.memory_space<semaphore_mem>>
      %dma_start3A_44 = arith.constant 0 : i32
      %dma_start3A_45 = tpu.memref_slice %arg10[%add3A_11, %dma_start3A_44] : memref<10000x128xf32, #tpu.memory_space<vmem_shared>> -> memref<80x128xf32, #tpu.memory_space<vmem_shared>>
      %dma_start3A_46 = arith.constant 0 : i32
      %dma_start3A_47 = tpu.memref_slice %arg10[%add3A_11, %dma_start3A_46] : memref<10000x128xf32, #tpu.memory_space<vmem_shared>> -> memref<80x128xf32, #tpu.memory_space<vmem_shared>>
      tpu.enqueue_dma source(%arg8 : memref<80x128xf32, #tpu.memory_space<vmem>>) target(%dma_start3A_47 : memref<80x128xf32, #tpu.memory_space<vmem_shared>>) target_semaphore(%run_scoped3A : memref<!tpu.dma_semaphore, #tpu.memory_space<semaphore_mem>>)
      %dma_wait3A = arith.constant 0 : i32
      %dma_wait3A_48 = tpu.memref_slice %arg10[%add3A_11, %dma_wait3A] : memref<10000x128xf32, #tpu.memory_space<vmem_shared>> -> memref<80x128xf32, #tpu.memory_space<vmem_shared>>
      %dma_wait3A_49 = arith.constant 0 : i32
      %dma_wait3A_50 = tpu.memref_slice %arg10[%add3A_11, %dma_wait3A_49] : memref<10000x128xf32, #tpu.memory_space<vmem_shared>> -> memref<80x128xf32, #tpu.memory_space<vmem_shared>>
      tpu.wait_dma2 semaphore(%run_scoped3A : memref<!tpu.dma_semaphore, #tpu.memory_space<semaphore_mem>>) src(%arg8 : memref<80x128xf32, #tpu.memory_space<vmem>>) dst(%dma_wait3A_50 : memref<80x128xf32, #tpu.memory_space<vmem_shared>>)
      tpu.yield
    }) : () -> ()
    %add3A_12 = arith.constant 80 : i32
    %add3A_13 = arith.addi %mul3A_4, %add3A_12 : i32
    "tpu.region"() ({
      %run_scoped3A = tpu.sem_alloc : memref<!tpu.dma_semaphore, #tpu.memory_space<semaphore_mem>>
      %dma_start3A_44 = arith.constant 0 : i32
      %dma_start3A_45 = tpu.memref_slice %arg10[%add3A_13, %dma_start3A_44] : memref<10000x128xf32, #tpu.memory_space<vmem_shared>> -> memref<80x128xf32, #tpu.memory_space<vmem_shared>>
      %dma_start3A_46 = arith.constant 0 : i32
      %dma_start3A_47 = tpu.memref_slice %arg10[%add3A_13, %dma_start3A_46] : memref<10000x128xf32, #tpu.memory_space<vmem_shared>> -> memref<80x128xf32, #tpu.memory_space<vmem_shared>>
      tpu.enqueue_dma source(%arg8 : memref<80x128xf32, #tpu.memory_space<vmem>>) target(%dma_start3A_47 : memref<80x128xf32, #tpu.memory_space<vmem_shared>>) target_semaphore(%run_scoped3A : memref<!tpu.dma_semaphore, #tpu.memory_space<semaphore_mem>>)
      %dma_wait3A = arith.constant 0 : i32
      %dma_wait3A_48 = tpu.memref_slice %arg10[%add3A_13, %dma_wait3A] : memref<10000x128xf32, #tpu.memory_space<vmem_shared>> -> memref<80x128xf32, #tpu.memory_space<vmem_shared>>
      %dma_wait3A_49 = arith.constant 0 : i32
      %dma_wait3A_50 = tpu.memref_slice %arg10[%add3A_13, %dma_wait3A_49] : memref<10000x128xf32, #tpu.memory_space<vmem_shared>> -> memref<80x128xf32, #tpu.memory_space<vmem_shared>>
      tpu.wait_dma2 semaphore(%run_scoped3A : memref<!tpu.dma_semaphore, #tpu.memory_space<semaphore_mem>>) src(%arg8 : memref<80x128xf32, #tpu.memory_space<vmem>>) dst(%dma_wait3A_50 : memref<80x128xf32, #tpu.memory_space<vmem_shared>>)
      tpu.yield
    }) : () -> ()
    %add3A_14 = arith.constant 160 : i32
    %add3A_15 = arith.addi %mul3A_4, %add3A_14 : i32
    "tpu.region"() ({
      %run_scoped3A = tpu.sem_alloc : memref<!tpu.dma_semaphore, #tpu.memory_space<semaphore_mem>>
      %dma_start3A_44 = arith.constant 0 : i32
      %dma_start3A_45 = tpu.memref_slice %arg10[%add3A_15, %dma_start3A_44] : memref<10000x128xf32, #tpu.memory_space<vmem_shared>> -> memref<80x128xf32, #tpu.memory_space<vmem_shared>>
      %dma_start3A_46 = arith.constant 0 : i32
      %dma_start3A_47 = tpu.memref_slice %arg10[%add3A_15, %dma_start3A_46] : memref<10000x128xf32, #tpu.memory_space<vmem_shared>> -> memref<80x128xf32, #tpu.memory_space<vmem_shared>>
      tpu.enqueue_dma source(%arg8 : memref<80x128xf32, #tpu.memory_space<vmem>>) target(%dma_start3A_47 : memref<80x128xf32, #tpu.memory_space<vmem_shared>>) target_semaphore(%run_scoped3A : memref<!tpu.dma_semaphore, #tpu.memory_space<semaphore_mem>>)
      %dma_wait3A = arith.constant 0 : i32
      %dma_wait3A_48 = tpu.memref_slice %arg10[%add3A_15, %dma_wait3A] : memref<10000x128xf32, #tpu.memory_space<vmem_shared>> -> memref<80x128xf32, #tpu.memory_space<vmem_shared>>
      %dma_wait3A_49 = arith.constant 0 : i32
      %dma_wait3A_50 = tpu.memref_slice %arg10[%add3A_15, %dma_wait3A_49] : memref<10000x128xf32, #tpu.memory_space<vmem_shared>> -> memref<80x128xf32, #tpu.memory_space<vmem_shared>>
      tpu.wait_dma2 semaphore(%run_scoped3A : memref<!tpu.dma_semaphore, #tpu.memory_space<semaphore_mem>>) src(%arg8 : memref<80x128xf32, #tpu.memory_space<vmem>>) dst(%dma_wait3A_50 : memref<80x128xf32, #tpu.memory_space<vmem_shared>>)
      tpu.yield
    }) : () -> ()
    %add3A_16 = arith.constant 240 : i32
    %add3A_17 = arith.addi %mul3A_4, %add3A_16 : i32
    "tpu.region"() ({
      %run_scoped3A = tpu.sem_alloc : memref<!tpu.dma_semaphore, #tpu.memory_space<semaphore_mem>>
      %dma_start3A_44 = arith.constant 0 : i32
      %dma_start3A_45 = tpu.memref_slice %arg10[%add3A_17, %dma_start3A_44] : memref<10000x128xf32, #tpu.memory_space<vmem_shared>> -> memref<80x128xf32, #tpu.memory_space<vmem_shared>>
      %dma_start3A_46 = arith.constant 0 : i32
      %dma_start3A_47 = tpu.memref_slice %arg10[%add3A_17, %dma_start3A_46] : memref<10000x128xf32, #tpu.memory_space<vmem_shared>> -> memref<80x128xf32, #tpu.memory_space<vmem_shared>>
      tpu.enqueue_dma source(%arg8 : memref<80x128xf32, #tpu.memory_space<vmem>>) target(%dma_start3A_47 : memref<80x128xf32, #tpu.memory_space<vmem_shared>>) target_semaphore(%run_scoped3A : memref<!tpu.dma_semaphore, #tpu.memory_space<semaphore_mem>>)
      %dma_wait3A = arith.constant 0 : i32
      %dma_wait3A_48 = tpu.memref_slice %arg10[%add3A_17, %dma_wait3A] : memref<10000x128xf32, #tpu.memory_space<vmem_shared>> -> memref<80x128xf32, #tpu.memory_space<vmem_shared>>
      %dma_wait3A_49 = arith.constant 0 : i32
      %dma_wait3A_50 = tpu.memref_slice %arg10[%add3A_17, %dma_wait3A_49] : memref<10000x128xf32, #tpu.memory_space<vmem_shared>> -> memref<80x128xf32, #tpu.memory_space<vmem_shared>>
      tpu.wait_dma2 semaphore(%run_scoped3A : memref<!tpu.dma_semaphore, #tpu.memory_space<semaphore_mem>>) src(%arg8 : memref<80x128xf32, #tpu.memory_space<vmem>>) dst(%dma_wait3A_50 : memref<80x128xf32, #tpu.memory_space<vmem_shared>>)
      tpu.yield
    }) : () -> ()
    %add3A_18 = arith.constant 320 : i32
    %add3A_19 = arith.addi %mul3A_4, %add3A_18 : i32
    "tpu.region"() ({
      %run_scoped3A = tpu.sem_alloc : memref<!tpu.dma_semaphore, #tpu.memory_space<semaphore_mem>>
      %dma_start3A_44 = arith.constant 0 : i32
      %dma_start3A_45 = tpu.memref_slice %arg10[%add3A_19, %dma_start3A_44] : memref<10000x128xf32, #tpu.memory_space<vmem_shared>> -> memref<80x128xf32, #tpu.memory_space<vmem_shared>>
      %dma_start3A_46 = arith.constant 0 : i32
      %dma_start3A_47 = tpu.memref_slice %arg10[%add3A_19, %dma_start3A_46] : memref<10000x128xf32, #tpu.memory_space<vmem_shared>> -> memref<80x128xf32, #tpu.memory_space<vmem_shared>>
      tpu.enqueue_dma source(%arg8 : memref<80x128xf32, #tpu.memory_space<vmem>>) target(%dma_start3A_47 : memref<80x128xf32, #tpu.memory_space<vmem_shared>>) target_semaphore(%run_scoped3A : memref<!tpu.dma_semaphore, #tpu.memory_space<semaphore_mem>>)
      %dma_wait3A = arith.constant 0 : i32
      %dma_wait3A_48 = tpu.memref_slice %arg10[%add3A_19, %dma_wait3A] : memref<10000x128xf32, #tpu.memory_space<vmem_shared>> -> memref<80x128xf32, #tpu.memory_space<vmem_shared>>
      %dma_wait3A_49 = arith.constant 0 : i32
      %dma_wait3A_50 = tpu.memref_slice %arg10[%add3A_19, %dma_wait3A_49] : memref<10000x128xf32, #tpu.memory_space<vmem_shared>> -> memref<80x128xf32, #tpu.memory_space<vmem_shared>>
      tpu.wait_dma2 semaphore(%run_scoped3A : memref<!tpu.dma_semaphore, #tpu.memory_space<semaphore_mem>>) src(%arg8 : memref<80x128xf32, #tpu.memory_space<vmem>>) dst(%dma_wait3A_50 : memref<80x128xf32, #tpu.memory_space<vmem_shared>>)
      tpu.yield
    }) : () -> ()
    %add3A_20 = arith.constant 400 : i32
    %add3A_21 = arith.addi %mul3A_4, %add3A_20 : i32
    "tpu.region"() ({
      %run_scoped3A = tpu.sem_alloc : memref<!tpu.dma_semaphore, #tpu.memory_space<semaphore_mem>>
      %dma_start3A_44 = arith.constant 0 : i32
      %dma_start3A_45 = tpu.memref_slice %arg10[%add3A_21, %dma_start3A_44] : memref<10000x128xf32, #tpu.memory_space<vmem_shared>> -> memref<80x128xf32, #tpu.memory_space<vmem_shared>>
      %dma_start3A_46 = arith.constant 0 : i32
      %dma_start3A_47 = tpu.memref_slice %arg10[%add3A_21, %dma_start3A_46] : memref<10000x128xf32, #tpu.memory_space<vmem_shared>> -> memref<80x128xf32, #tpu.memory_space<vmem_shared>>
      tpu.enqueue_dma source(%arg8 : memref<80x128xf32, #tpu.memory_space<vmem>>) target(%dma_start3A_47 : memref<80x128xf32, #tpu.memory_space<vmem_shared>>) target_semaphore(%run_scoped3A : memref<!tpu.dma_semaphore, #tpu.memory_space<semaphore_mem>>)
      %dma_wait3A = arith.constant 0 : i32
      %dma_wait3A_48 = tpu.memref_slice %arg10[%add3A_21, %dma_wait3A] : memref<10000x128xf32, #tpu.memory_space<vmem_shared>> -> memref<80x128xf32, #tpu.memory_space<vmem_shared>>
      %dma_wait3A_49 = arith.constant 0 : i32
      %dma_wait3A_50 = tpu.memref_slice %arg10[%add3A_21, %dma_wait3A_49] : memref<10000x128xf32, #tpu.memory_space<vmem_shared>> -> memref<80x128xf32, #tpu.memory_space<vmem_shared>>
      tpu.wait_dma2 semaphore(%run_scoped3A : memref<!tpu.dma_semaphore, #tpu.memory_space<semaphore_mem>>) src(%arg8 : memref<80x128xf32, #tpu.memory_space<vmem>>) dst(%dma_wait3A_50 : memref<80x128xf32, #tpu.memory_space<vmem_shared>>)
      tpu.yield
    }) : () -> ()
    %add3A_22 = arith.constant 480 : i32
    %add3A_23 = arith.addi %mul3A_4, %add3A_22 : i32
    "tpu.region"() ({
      %run_scoped3A = tpu.sem_alloc : memref<!tpu.dma_semaphore, #tpu.memory_space<semaphore_mem>>
      %dma_start3A_44 = arith.constant 0 : i32
      %dma_start3A_45 = tpu.memref_slice %arg10[%add3A_23, %dma_start3A_44] : memref<10000x128xf32, #tpu.memory_space<vmem_shared>> -> memref<80x128xf32, #tpu.memory_space<vmem_shared>>
      %dma_start3A_46 = arith.constant 0 : i32
      %dma_start3A_47 = tpu.memref_slice %arg10[%add3A_23, %dma_start3A_46] : memref<10000x128xf32, #tpu.memory_space<vmem_shared>> -> memref<80x128xf32, #tpu.memory_space<vmem_shared>>
      tpu.enqueue_dma source(%arg8 : memref<80x128xf32, #tpu.memory_space<vmem>>) target(%dma_start3A_47 : memref<80x128xf32, #tpu.memory_space<vmem_shared>>) target_semaphore(%run_scoped3A : memref<!tpu.dma_semaphore, #tpu.memory_space<semaphore_mem>>)
      %dma_wait3A = arith.constant 0 : i32
      %dma_wait3A_48 = tpu.memref_slice %arg10[%add3A_23, %dma_wait3A] : memref<10000x128xf32, #tpu.memory_space<vmem_shared>> -> memref<80x128xf32, #tpu.memory_space<vmem_shared>>
      %dma_wait3A_49 = arith.constant 0 : i32
      %dma_wait3A_50 = tpu.memref_slice %arg10[%add3A_23, %dma_wait3A_49] : memref<10000x128xf32, #tpu.memory_space<vmem_shared>> -> memref<80x128xf32, #tpu.memory_space<vmem_shared>>
      tpu.wait_dma2 semaphore(%run_scoped3A : memref<!tpu.dma_semaphore, #tpu.memory_space<semaphore_mem>>) src(%arg8 : memref<80x128xf32, #tpu.memory_space<vmem>>) dst(%dma_wait3A_50 : memref<80x128xf32, #tpu.memory_space<vmem_shared>>)
      tpu.yield
    }) : () -> ()
    %add3A_24 = arith.constant 560 : i32
    %add3A_25 = arith.addi %mul3A_4, %add3A_24 : i32
    "tpu.region"() ({
      %run_scoped3A = tpu.sem_alloc : memref<!tpu.dma_semaphore, #tpu.memory_space<semaphore_mem>>
      %dma_start3A_44 = arith.constant 0 : i32
      %dma_start3A_45 = arith.constant 0 : i32
      %dma_start3A_46 = tpu.memref_slice %arg8[%dma_start3A_44, %dma_start3A_45] : memref<80x128xf32, #tpu.memory_space<vmem>> -> memref<64x128xf32, #tpu.memory_space<vmem>>
      %dma_start3A_47 = arith.constant 0 : i32
      %dma_start3A_48 = tpu.memref_slice %arg10[%add3A_25, %dma_start3A_47] : memref<10000x128xf32, #tpu.memory_space<vmem_shared>> -> memref<64x128xf32, #tpu.memory_space<vmem_shared>>
      %dma_start3A_49 = arith.constant 0 : i32
      %dma_start3A_50 = tpu.memref_slice %arg10[%add3A_25, %dma_start3A_49] : memref<10000x128xf32, #tpu.memory_space<vmem_shared>> -> memref<64x128xf32, #tpu.memory_space<vmem_shared>>
      %dma_start3A_51 = arith.constant 0 : i32
      %dma_start3A_52 = arith.constant 0 : i32
      %dma_start3A_53 = tpu.memref_slice %arg8[%dma_start3A_51, %dma_start3A_52] : memref<80x128xf32, #tpu.memory_space<vmem>> -> memref<64x128xf32, #tpu.memory_space<vmem>>
      tpu.enqueue_dma source(%dma_start3A_53 : memref<64x128xf32, #tpu.memory_space<vmem>>) target(%dma_start3A_50 : memref<64x128xf32, #tpu.memory_space<vmem_shared>>) target_semaphore(%run_scoped3A : memref<!tpu.dma_semaphore, #tpu.memory_space<semaphore_mem>>)
      %dma_wait3A = arith.constant 0 : i32
      %dma_wait3A_54 = arith.constant 0 : i32
      %dma_wait3A_55 = tpu.memref_slice %arg8[%dma_wait3A, %dma_wait3A_54] : memref<80x128xf32, #tpu.memory_space<vmem>> -> memref<64x128xf32, #tpu.memory_space<vmem>>
      %dma_wait3A_56 = arith.constant 0 : i32
      %dma_wait3A_57 = tpu.memref_slice %arg10[%add3A_25, %dma_wait3A_56] : memref<10000x128xf32, #tpu.memory_space<vmem_shared>> -> memref<64x128xf32, #tpu.memory_space<vmem_shared>>
      %dma_wait3A_58 = arith.constant 0 : i32
      %dma_wait3A_59 = tpu.memref_slice %arg10[%add3A_25, %dma_wait3A_58] : memref<10000x128xf32, #tpu.memory_space<vmem_shared>> -> memref<64x128xf32, #tpu.memory_space<vmem_shared>>
      %dma_wait3A_60 = arith.constant 0 : i32
      %dma_wait3A_61 = arith.constant 0 : i32
      %dma_wait3A_62 = tpu.memref_slice %arg8[%dma_wait3A_60, %dma_wait3A_61] : memref<80x128xf32, #tpu.memory_space<vmem>> -> memref<64x128xf32, #tpu.memory_space<vmem>>
      tpu.wait_dma2 semaphore(%run_scoped3A : memref<!tpu.dma_semaphore, #tpu.memory_space<semaphore_mem>>) src(%dma_wait3A_62 : memref<64x128xf32, #tpu.memory_space<vmem>>) dst(%dma_wait3A_59 : memref<64x128xf32, #tpu.memory_space<vmem_shared>>)
      tpu.yield
    }) : () -> ()
    %eq3A = arith.constant 15 : i32
    %eq3A_26 = arith.cmpi eq, %arg1, %eq3A : i32
    %convert_element_type3A = arith.extui %eq3A_26 : i1 to i32
    %cond3A = arith.constant 0 : i32
    %cond3A_27 = arith.cmpi ne, %convert_element_type3A, %cond3A : i32
    scf.if %cond3A_27 {
      "tpu.region"() ({
        %run_scoped3A = tpu.sem_alloc : memref<!tpu.dma_semaphore, #tpu.memory_space<semaphore_mem>>
        %dma_start3A_44 = arith.constant 0 : i32
        %dma_start3A_45 = arith.constant 0 : i32
        %dma_start3A_46 = tpu.memref_slice %arg8[%dma_start3A_44, %dma_start3A_45] : memref<80x128xf32, #tpu.memory_space<vmem>> -> memref<16x128xf32, #tpu.memory_space<vmem>>
        %dma_start3A_47 = arith.constant 9984 : i32
        %dma_start3A_48 = arith.constant 0 : i32
        %dma_start3A_49 = tpu.memref_slice %arg10[%dma_start3A_47, %dma_start3A_48] : memref<10000x128xf32, #tpu.memory_space<vmem_shared>> -> memref<16x128xf32, #tpu.memory_space<vmem_shared>>
        %dma_start3A_50 = arith.constant 9984 : i32
        %dma_start3A_51 = arith.constant 0 : i32
        %dma_start3A_52 = tpu.memref_slice %arg10[%dma_start3A_50, %dma_start3A_51] : memref<10000x128xf32, #tpu.memory_space<vmem_shared>> -> memref<16x128xf32, #tpu.memory_space<vmem_shared>>
        %dma_start3A_53 = arith.constant 0 : i32
        %dma_start3A_54 = arith.constant 0 : i32
        %dma_start3A_55 = tpu.memref_slice %arg8[%dma_start3A_53, %dma_start3A_54] : memref<80x128xf32, #tpu.memory_space<vmem>> -> memref<16x128xf32, #tpu.memory_space<vmem>>
        tpu.enqueue_dma source(%dma_start3A_55 : memref<16x128xf32, #tpu.memory_space<vmem>>) target(%dma_start3A_52 : memref<16x128xf32, #tpu.memory_space<vmem_shared>>) target_semaphore(%run_scoped3A : memref<!tpu.dma_semaphore, #tpu.memory_space<semaphore_mem>>)
        %dma_wait3A = arith.constant 0 : i32
        %dma_wait3A_56 = arith.constant 0 : i32
        %dma_wait3A_57 = tpu.memref_slice %arg8[%dma_wait3A, %dma_wait3A_56] : memref<80x128xf32, #tpu.memory_space<vmem>> -> memref<16x128xf32, #tpu.memory_space<vmem>>
        %dma_wait3A_58 = arith.constant 9984 : i32
        %dma_wait3A_59 = arith.constant 0 : i32
        %dma_wait3A_60 = tpu.memref_slice %arg10[%dma_wait3A_58, %dma_wait3A_59] : memref<10000x128xf32, #tpu.memory_space<vmem_shared>> -> memref<16x128xf32, #tpu.memory_space<vmem_shared>>
        %dma_wait3A_61 = arith.constant 9984 : i32
        %dma_wait3A_62 = arith.constant 0 : i32
        %dma_wait3A_63 = tpu.memref_slice %arg10[%dma_wait3A_61, %dma_wait3A_62] : memref<10000x128xf32, #tpu.memory_space<vmem_shared>> -> memref<16x128xf32, #tpu.memory_space<vmem_shared>>
        %dma_wait3A_64 = arith.constant 0 : i32
        %dma_wait3A_65 = arith.constant 0 : i32
        %dma_wait3A_66 = tpu.memref_slice %arg8[%dma_wait3A_64, %dma_wait3A_65] : memref<80x128xf32, #tpu.memory_space<vmem>> -> memref<16x128xf32, #tpu.memory_space<vmem>>
        tpu.wait_dma2 semaphore(%run_scoped3A : memref<!tpu.dma_semaphore, #tpu.memory_space<semaphore_mem>>) src(%dma_wait3A_66 : memref<16x128xf32, #tpu.memory_space<vmem>>) dst(%dma_wait3A_63 : memref<16x128xf32, #tpu.memory_space<vmem_shared>>)
        tpu.yield
      }) : () -> ()
    } else {
    }
    %barrier3A = arith.constant 0 : index
    tpu.barrier barrier_id(%barrier3A)
    %dma_start3A = arith.constant 0 : i32
    %dma_start3A_28 = tpu.memref_slice %arg6[%dma_start3A] : memref<10000xi32, #tpu.memory_space<vmem>> -> memref<80xi32, #tpu.memory_space<vmem>>
    %dma_start3A_29 = arith.constant 0 : i32
    %dma_start3A_30 = arith.constant 0 : i32
    %dma_start3A_31 = tpu.memref_slice %arg2[%dma_start3A_29, %dma_start3A_30] : memref<10000x128xf32, #tpu.memory_space<hbm>> -> memref<10000x128xf32, #tpu.memory_space<hbm>>
    tpu.enqueue_indirect_dma source(%dma_start3A_31 : memref<10000x128xf32, #tpu.memory_space<hbm>>) target(%arg8 : memref<80x128xf32, #tpu.memory_space<vmem>>) offsets(%dma_start3A_28 : memref<80xi32, #tpu.memory_space<vmem>>) semaphore(%arg11 : memref<!tpu.dma_semaphore, #tpu.memory_space<semaphore_mem>>)
    %scan3A_32 = arith.constant 0 : i32
    %scan3A_33 = arith.constant 0 : i32
    %scan3A_34 = arith.constant 63 : i32
    %scan3A_35 = arith.addi %scan3A_33, %scan3A_34 : i32
    %scan3A_36 = arith.constant 1 : i32
    scf.for %scan3A_44 = %scan3A_33 to %scan3A_35 step %scan3A_36  : i32 {
      %mul3A_45 = arith.constant 2 : i32
      %mul3A_46 = arith.muli %mul3A_45, %scan3A_44 : i32
      %add3A_47 = arith.constant 1 : i32
      %add3A_48 = arith.addi %mul3A_46, %add3A_47 : i32
      %lt3A = arith.constant 125 : i32
      %lt3A_49 = arith.cmpi slt, %add3A_48, %lt3A : i32
      %convert_element_type3A_50 = arith.extui %lt3A_49 : i1 to i32
      %cond3A_51 = arith.constant 0 : i32
      %cond3A_52 = arith.cmpi ne, %convert_element_type3A_50, %cond3A_51 : i32
      scf.if %cond3A_52 {
        %add3A_67 = arith.constant 1 : i32
        %add3A_68 = arith.addi %mul3A_46, %add3A_67 : i32
        %mul3A_69 = arith.constant 80 : i32
        %mul3A_70 = arith.muli %add3A_68, %mul3A_69 : i32
        %dma_start3A_71 = tpu.memref_slice %arg6[%mul3A_70] : memref<10000xi32, #tpu.memory_space<vmem>> -> memref<80xi32, #tpu.memory_space<vmem>>
        %dma_start3A_72 = arith.constant 0 : i32
        %dma_start3A_73 = arith.constant 0 : i32
        %dma_start3A_74 = tpu.memref_slice %arg2[%dma_start3A_72, %dma_start3A_73] : memref<10000x128xf32, #tpu.memory_space<hbm>> -> memref<10000x128xf32, #tpu.memory_space<hbm>>
        tpu.enqueue_indirect_dma source(%dma_start3A_74 : memref<10000x128xf32, #tpu.memory_space<hbm>>) target(%arg9 : memref<80x128xf32, #tpu.memory_space<vmem>>) offsets(%dma_start3A_71 : memref<80xi32, #tpu.memory_space<vmem>>) semaphore(%arg12 : memref<!tpu.dma_semaphore, #tpu.memory_space<semaphore_mem>>)
      } else {
      }
      %dma_wait3A = arith.constant 0 : i32
      %dma_wait3A_53 = arith.constant 0 : i32
      %dma_wait3A_54 = tpu.memref_slice %arg2[%dma_wait3A, %dma_wait3A_53] : memref<10000x128xf32, #tpu.memory_space<hbm>> -> memref<80x128xf32, #tpu.memory_space<hbm>>
      %dma_wait3A_55 = arith.constant 0 : i32
      %dma_wait3A_56 = arith.constant 0 : i32
      %dma_wait3A_57 = tpu.memref_slice %arg2[%dma_wait3A_55, %dma_wait3A_56] : memref<10000x128xf32, #tpu.memory_space<hbm>> -> memref<80x128xf32, #tpu.memory_space<hbm>>
      tpu.wait_dma2 semaphore(%arg11 : memref<!tpu.dma_semaphore, #tpu.memory_space<semaphore_mem>>) src(%dma_wait3A_57 : memref<80x128xf32, #tpu.memory_space<hbm>>) dst(%arg8 : memref<80x128xf32, #tpu.memory_space<vmem>>)
      %mul3A_58 = arith.constant 80 : i32
      %mul3A_59 = arith.muli %mul3A_46, %mul3A_58 : i32
      "tpu.region"() ({
        %run_scoped3A = tpu.sem_alloc : memref<!tpu.dma_semaphore, #tpu.memory_space<semaphore_mem>>
        %dma_start3A_67 = tpu.memref_slice %arg7[%mul3A_59] : memref<10000xi32, #tpu.memory_space<vmem>> -> memref<80xi32, #tpu.memory_space<vmem>>
        %dma_start3A_68 = arith.constant 0 : i32
        %dma_start3A_69 = arith.constant 0 : i32
        %dma_start3A_70 = tpu.memref_slice %arg10[%dma_start3A_68, %dma_start3A_69] : memref<10000x128xf32, #tpu.memory_space<vmem_shared>> -> memref<10000x128xf32, #tpu.memory_space<vmem_shared>>
        tpu.enqueue_indirect_dma source(%arg8 : memref<80x128xf32, #tpu.memory_space<vmem>>) target(%dma_start3A_70 : memref<10000x128xf32, #tpu.memory_space<vmem_shared>>) offsets(%dma_start3A_67 : memref<80xi32, #tpu.memory_space<vmem>>) semaphore(%run_scoped3A : memref<!tpu.dma_semaphore, #tpu.memory_space<semaphore_mem>>) {add = true}
        %dma_wait3A_71 = tpu.memref_slice %arg7[%mul3A_59] : memref<10000xi32, #tpu.memory_space<vmem>> -> memref<80xi32, #tpu.memory_space<vmem>>
        %dma_wait3A_72 = arith.constant 0 : i32
        %dma_wait3A_73 = arith.constant 0 : i32
        %dma_wait3A_74 = tpu.memref_slice %arg10[%dma_wait3A_72, %dma_wait3A_73] : memref<10000x128xf32, #tpu.memory_space<vmem_shared>> -> memref<10000x128xf32, #tpu.memory_space<vmem_shared>>
        tpu.wait_indirect_dma semaphore(%run_scoped3A : memref<!tpu.dma_semaphore, #tpu.memory_space<semaphore_mem>>) src(%arg8 : memref<80x128xf32, #tpu.memory_space<vmem>>) dst(%dma_wait3A_74 : memref<10000x128xf32, #tpu.memory_space<vmem_shared>>)
        tpu.yield
      }) : () -> ()
      %add3A_60 = arith.constant 1 : i32
      %add3A_61 = arith.addi %mul3A_46, %add3A_60 : i32
      %lt3A_62 = arith.constant 125 : i32
      %lt3A_63 = arith.cmpi slt, %add3A_61, %lt3A_62 : i32
      %convert_element_type3A_64 = arith.extui %lt3A_63 : i1 to i32
      %cond3A_65 = arith.constant 0 : i32
      %cond3A_66 = arith.cmpi ne, %convert_element_type3A_64, %cond3A_65 : i32
      scf.if %cond3A_66 {
        %add3A_67 = arith.constant 2 : i32
        %add3A_68 = arith.addi %mul3A_46, %add3A_67 : i32
        %lt3A_69 = arith.constant 125 : i32
        %lt3A_70 = arith.cmpi slt, %add3A_68, %lt3A_69 : i32
        %convert_element_type3A_71 = arith.extui %lt3A_70 : i1 to i32
        %cond3A_72 = arith.constant 0 : i32
        %cond3A_73 = arith.cmpi ne, %convert_element_type3A_71, %cond3A_72 : i32
        scf.if %cond3A_73 {
          %add3A_84 = arith.constant 2 : i32
          %add3A_85 = arith.addi %mul3A_46, %add3A_84 : i32
          %mul3A_86 = arith.constant 80 : i32
          %mul3A_87 = arith.muli %add3A_85, %mul3A_86 : i32
          %dma_start3A_88 = tpu.memref_slice %arg6[%mul3A_87] : memref<10000xi32, #tpu.memory_space<vmem>> -> memref<80xi32, #tpu.memory_space<vmem>>
          %dma_start3A_89 = arith.constant 0 : i32
          %dma_start3A_90 = arith.constant 0 : i32
          %dma_start3A_91 = tpu.memref_slice %arg2[%dma_start3A_89, %dma_start3A_90] : memref<10000x128xf32, #tpu.memory_space<hbm>> -> memref<10000x128xf32, #tpu.memory_space<hbm>>
          tpu.enqueue_indirect_dma source(%dma_start3A_91 : memref<10000x128xf32, #tpu.memory_space<hbm>>) target(%arg8 : memref<80x128xf32, #tpu.memory_space<vmem>>) offsets(%dma_start3A_88 : memref<80xi32, #tpu.memory_space<vmem>>) semaphore(%arg11 : memref<!tpu.dma_semaphore, #tpu.memory_space<semaphore_mem>>)
        } else {
        }
        %dma_wait3A_74 = arith.constant 0 : i32
        %dma_wait3A_75 = arith.constant 0 : i32
        %dma_wait3A_76 = tpu.memref_slice %arg2[%dma_wait3A_74, %dma_wait3A_75] : memref<10000x128xf32, #tpu.memory_space<hbm>> -> memref<80x128xf32, #tpu.memory_space<hbm>>
        %dma_wait3A_77 = arith.constant 0 : i32
        %dma_wait3A_78 = arith.constant 0 : i32
        %dma_wait3A_79 = tpu.memref_slice %arg2[%dma_wait3A_77, %dma_wait3A_78] : memref<10000x128xf32, #tpu.memory_space<hbm>> -> memref<80x128xf32, #tpu.memory_space<hbm>>
        tpu.wait_dma2 semaphore(%arg12 : memref<!tpu.dma_semaphore, #tpu.memory_space<semaphore_mem>>) src(%dma_wait3A_79 : memref<80x128xf32, #tpu.memory_space<hbm>>) dst(%arg9 : memref<80x128xf32, #tpu.memory_space<vmem>>)
        %add3A_80 = arith.constant 1 : i32
        %add3A_81 = arith.addi %mul3A_46, %add3A_80 : i32
        %mul3A_82 = arith.constant 80 : i32
        %mul3A_83 = arith.muli %add3A_81, %mul3A_82 : i32
        "tpu.region"() ({
          %run_scoped3A = tpu.sem_alloc : memref<!tpu.dma_semaphore, #tpu.memory_space<semaphore_mem>>
          %dma_start3A_84 = tpu.memref_slice %arg7[%mul3A_83] : memref<10000xi32, #tpu.memory_space<vmem>> -> memref<80xi32, #tpu.memory_space<vmem>>
          %dma_start3A_85 = arith.constant 0 : i32
          %dma_start3A_86 = arith.constant 0 : i32
          %dma_start3A_87 = tpu.memref_slice %arg10[%dma_start3A_85, %dma_start3A_86] : memref<10000x128xf32, #tpu.memory_space<vmem_shared>> -> memref<10000x128xf32, #tpu.memory_space<vmem_shared>>
          tpu.enqueue_indirect_dma source(%arg9 : memref<80x128xf32, #tpu.memory_space<vmem>>) target(%dma_start3A_87 : memref<10000x128xf32, #tpu.memory_space<vmem_shared>>) offsets(%dma_start3A_84 : memref<80xi32, #tpu.memory_space<vmem>>) semaphore(%run_scoped3A : memref<!tpu.dma_semaphore, #tpu.memory_space<semaphore_mem>>) {add = true}
          %dma_wait3A_88 = tpu.memref_slice %arg7[%mul3A_83] : memref<10000xi32, #tpu.memory_space<vmem>> -> memref<80xi32, #tpu.memory_space<vmem>>
          %dma_wait3A_89 = arith.constant 0 : i32
          %dma_wait3A_90 = arith.constant 0 : i32
          %dma_wait3A_91 = tpu.memref_slice %arg10[%dma_wait3A_89, %dma_wait3A_90] : memref<10000x128xf32, #tpu.memory_space<vmem_shared>> -> memref<10000x128xf32, #tpu.memory_space<vmem_shared>>
          tpu.wait_indirect_dma semaphore(%run_scoped3A : memref<!tpu.dma_semaphore, #tpu.memory_space<semaphore_mem>>) src(%arg9 : memref<80x128xf32, #tpu.memory_space<vmem>>) dst(%dma_wait3A_91 : memref<10000x128xf32, #tpu.memory_space<vmem_shared>>)
          tpu.yield
        }) : () -> ()
      } else {
      }
    }
    %scan3A_37 = arith.constant 63 : i32
    %barrier3A_38 = arith.constant 0 : index
    tpu.barrier barrier_id(%barrier3A_38)
    "tpu.region"() ({
      %run_scoped3A = tpu.sem_alloc : memref<!tpu.dma_semaphore, #tpu.memory_space<semaphore_mem>>
      %dma_start3A_44 = arith.constant 0 : i32
      %dma_start3A_45 = tpu.memref_slice %arg5[%arg0, %mul3A_4, %dma_start3A_44] : memref<2x10000x128xf32, #tpu.memory_space<hbm>> -> memref<1x624x128xf32, #tpu.memory_space<hbm>>
      %dma_start3A_46 = tpu.memref_squeeze %dma_start3A_45 : memref<1x624x128xf32, #tpu.memory_space<hbm>> -> memref<624x128xf32, #tpu.memory_space<hbm>>
      %dma_start3A_47 = arith.constant 0 : i32
      %dma_start3A_48 = tpu.memref_slice %arg10[%mul3A_4, %dma_start3A_47] : memref<10000x128xf32, #tpu.memory_space<vmem_shared>> -> memref<624x128xf32, #tpu.memory_space<vmem_shared>>
      tpu.enqueue_dma source(%dma_start3A_48 : memref<624x128xf32, #tpu.memory_space<vmem_shared>>) target(%dma_start3A_46 : memref<624x128xf32, #tpu.memory_space<hbm>>) target_semaphore(%run_scoped3A : memref<!tpu.dma_semaphore, #tpu.memory_space<semaphore_mem>>)
      %dma_wait3A = arith.constant 0 : i32
      %dma_wait3A_49 = tpu.memref_slice %arg5[%arg0, %mul3A_4, %dma_wait3A] : memref<2x10000x128xf32, #tpu.memory_space<hbm>> -> memref<1x624x128xf32, #tpu.memory_space<hbm>>
      %dma_wait3A_50 = tpu.memref_squeeze %dma_wait3A_49 : memref<1x624x128xf32, #tpu.memory_space<hbm>> -> memref<624x128xf32, #tpu.memory_space<hbm>>
      %dma_wait3A_51 = arith.constant 0 : i32
      %dma_wait3A_52 = tpu.memref_slice %arg10[%mul3A_4, %dma_wait3A_51] : memref<10000x128xf32, #tpu.memory_space<vmem_shared>> -> memref<624x128xf32, #tpu.memory_space<vmem_shared>>
      tpu.wait_dma2 semaphore(%run_scoped3A : memref<!tpu.dma_semaphore, #tpu.memory_space<semaphore_mem>>) src(%dma_wait3A_52 : memref<624x128xf32, #tpu.memory_space<vmem_shared>>) dst(%dma_wait3A_50 : memref<624x128xf32, #tpu.memory_space<hbm>>)
      tpu.yield
    }) : () -> ()
    %eq3A_39 = arith.constant 15 : i32
    %eq3A_40 = arith.cmpi eq, %arg1, %eq3A_39 : i32
    %convert_element_type3A_41 = arith.extui %eq3A_40 : i1 to i32
    %cond3A_42 = arith.constant 0 : i32
    %cond3A_43 = arith.cmpi ne, %convert_element_type3A_41, %cond3A_42 : i32
    scf.if %cond3A_43 {
      "tpu.region"() ({
        %run_scoped3A = tpu.sem_alloc : memref<!tpu.dma_semaphore, #tpu.memory_space<semaphore_mem>>
        %dma_start3A_44 = arith.constant 9984 : i32
        %dma_start3A_45 = arith.constant 0 : i32
        %dma_start3A_46 = tpu.memref_slice %arg5[%arg0, %dma_start3A_44, %dma_start3A_45] : memref<2x10000x128xf32, #tpu.memory_space<hbm>> -> memref<1x16x128xf32, #tpu.memory_space<hbm>>
        %dma_start3A_47 = tpu.memref_squeeze %dma_start3A_46 : memref<1x16x128xf32, #tpu.memory_space<hbm>> -> memref<16x128xf32, #tpu.memory_space<hbm>>
        %dma_start3A_48 = arith.constant 9984 : i32
        %dma_start3A_49 = arith.constant 0 : i32
        %dma_start3A_50 = tpu.memref_slice %arg10[%dma_start3A_48, %dma_start3A_49] : memref<10000x128xf32, #tpu.memory_space<vmem_shared>> -> memref<16x128xf32, #tpu.memory_space<vmem_shared>>
        tpu.enqueue_dma source(%dma_start3A_50 : memref<16x128xf32, #tpu.memory_space<vmem_shared>>) target(%dma_start3A_47 : memref<16x128xf32, #tpu.memory_space<hbm>>) target_semaphore(%run_scoped3A : memref<!tpu.dma_semaphore, #tpu.memory_space<semaphore_mem>>)
        %dma_wait3A = arith.constant 9984 : i32
        %dma_wait3A_51 = arith.constant 0 : i32
        %dma_wait3A_52 = tpu.memref_slice %arg5[%arg0, %dma_wait3A, %dma_wait3A_51] : memref<2x10000x128xf32, #tpu.memory_space<hbm>> -> memref<1x16x128xf32, #tpu.memory_space<hbm>>
        %dma_wait3A_53 = tpu.memref_squeeze %dma_wait3A_52 : memref<1x16x128xf32, #tpu.memory_space<hbm>> -> memref<16x128xf32, #tpu.memory_space<hbm>>
        %dma_wait3A_54 = arith.constant 9984 : i32
        %dma_wait3A_55 = arith.constant 0 : i32
        %dma_wait3A_56 = tpu.memref_slice %arg10[%dma_wait3A_54, %dma_wait3A_55] : memref<10000x128xf32, #tpu.memory_space<vmem_shared>> -> memref<16x128xf32, #tpu.memory_space<vmem_shared>>
        tpu.wait_dma2 semaphore(%run_scoped3A : memref<!tpu.dma_semaphore, #tpu.memory_space<semaphore_mem>>) src(%dma_wait3A_56 : memref<16x128xf32, #tpu.memory_space<vmem_shared>>) dst(%dma_wait3A_53 : memref<16x128xf32, #tpu.memory_space<hbm>>)
        tpu.yield
      }) : () -> ()
    } else {
    }
    return
  }
}

module attributes {stable_mosaic.version = 14 : i64} {
  func.func @_tc1_body(%arg0: i32, %arg1: memref<400x128xf32, #tpu.memory_space<vmem>>, %arg2: memref<2x400x128xf32, #tpu.memory_space<vmem>>, %arg3: memref<2x400x128xf32, #tpu.memory_space<vmem>>, %arg4: memref<128x128xf32, #tpu.memory_space<vmem>>, %arg5: memref<128x128xf32, #tpu.memory_space<vmem>>, %arg6: memref<1x128xf32, #tpu.memory_space<vmem>>, %arg7: memref<400x128xf32, #tpu.memory_space<vmem>>) attributes {dimension_semantics = [#tpu.dimension_semantics<arbitrary>], iteration_bounds = array<i64: 25>, scalar_prefetch = 0 : i64, scratch_operands = 0 : i64, tpu.core_type = #tpu.core_type<tc>, window_params = [{transform_indices = @transform_0, window_bounds = array<i64: 400, 128>}, {transform_indices = @transform_1, window_bounds = array<i64: 2, 400, 128>}, {transform_indices = @transform_2, window_bounds = array<i64: 2, 400, 128>}, {pipeline_mode = #tpu.pipeline_mode<synchronous>, transform_indices = @transform_3, window_bounds = array<i64: 128, 128>}, {pipeline_mode = #tpu.pipeline_mode<synchronous>, transform_indices = @transform_4, window_bounds = array<i64: 128, 128>}, {pipeline_mode = #tpu.pipeline_mode<synchronous>, transform_indices = @transform_5, window_bounds = array<i64: 1, 128>}, {transform_indices = @transform_6, window_bounds = array<i64: 400, 128>}]} {
    %get3A = arith.constant 0 : index
    %get3A_0 = arith.constant 0 : index
    %get3A_1 = arith.constant 0 : index
    %get3A_2 = vector.load %arg2[%get3A, %get3A_0, %get3A_1] : memref<2x400x128xf32, #tpu.memory_space<vmem>>, vector<1x400x128xf32>
    %get3A_3 = vector.shape_cast %get3A_2 : vector<1x400x128xf32> to vector<400x128xf32>
    %get3A_4 = arith.constant 1 : index
    %get3A_5 = arith.constant 0 : index
    %get3A_6 = arith.constant 0 : index
    %get3A_7 = vector.load %arg2[%get3A_4, %get3A_5, %get3A_6] : memref<2x400x128xf32, #tpu.memory_space<vmem>>, vector<1x400x128xf32>
    %get3A_8 = vector.shape_cast %get3A_7 : vector<1x400x128xf32> to vector<400x128xf32>
    %add3A = arith.addf %get3A_3, %get3A_8 : vector<400x128xf32>
    %get3A_9 = arith.constant 0 : index
    %get3A_10 = arith.constant 0 : index
    %get3A_11 = arith.constant 0 : index
    %get3A_12 = vector.load %arg3[%get3A_9, %get3A_10, %get3A_11] : memref<2x400x128xf32, #tpu.memory_space<vmem>>, vector<1x400x1xf32>
    %get3A_13 = vector.shape_cast %get3A_12 : vector<1x400x1xf32> to vector<400x1xf32>
    %get3A_14 = arith.constant 1 : index
    %get3A_15 = arith.constant 0 : index
    %get3A_16 = arith.constant 0 : index
    %get3A_17 = vector.load %arg3[%get3A_14, %get3A_15, %get3A_16] : memref<2x400x128xf32, #tpu.memory_space<vmem>>, vector<1x400x1xf32>
    %get3A_18 = vector.shape_cast %get3A_17 : vector<1x400x1xf32> to vector<400x1xf32>
    %add3A_19 = arith.addf %get3A_13, %get3A_18 : vector<400x1xf32>
    %max3A = arith.constant 1.000000e+00 : f32
    %max3A_20 = vector.broadcast %max3A : f32 to vector<400x1xf32>
    %max3A_21 = arith.maximumf %add3A_19, %max3A_20 : vector<400x1xf32>
    %div3A = vector.broadcast %max3A_21 : vector<400x1xf32> to vector<400x128xf32>
    %div3A_22 = arith.divf %add3A, %div3A : vector<400x128xf32>
    %get3A_23 = arith.constant 0 : index
    %get3A_24 = arith.constant 0 : index
    %get3A_25 = vector.load %arg1[%get3A_23, %get3A_24] : memref<400x128xf32, #tpu.memory_space<vmem>>, vector<400x128xf32>
    %get3A_26 = arith.constant 0 : index
    %get3A_27 = arith.constant 0 : index
    %get3A_28 = vector.load %arg4[%get3A_26, %get3A_27] : memref<128x128xf32, #tpu.memory_space<vmem>>, vector<128x128xf32>
    %dot_general3A = arith.constant dense<0.000000e+00> : vector<400x128xf32>
    %dot_general3A_29 = tpu.matmul %get3A_25, %get3A_28, %dot_general3A {dimension_numbers = #tpu.dot_dimension_numbers<[1], [0], [0], [1], [0, 0, 1, 1], [], []>, transpose_lhs_hint = false} : vector<400x128xf32>, vector<128x128xf32>, vector<400x128xf32> -> vector<400x128xf32>
    %get3A_30 = arith.constant 0 : index
    %get3A_31 = arith.constant 0 : index
    %get3A_32 = vector.load %arg5[%get3A_30, %get3A_31] : memref<128x128xf32, #tpu.memory_space<vmem>>, vector<128x128xf32>
    %dot_general3A_33 = arith.constant dense<0.000000e+00> : vector<400x128xf32>
    %dot_general3A_34 = tpu.matmul %div3A_22, %get3A_32, %dot_general3A_33 {dimension_numbers = #tpu.dot_dimension_numbers<[1], [0], [0], [1], [0, 0, 1, 1], [], []>, transpose_lhs_hint = false} : vector<400x128xf32>, vector<128x128xf32>, vector<400x128xf32> -> vector<400x128xf32>
    %add3A_35 = arith.addf %dot_general3A_29, %dot_general3A_34 : vector<400x128xf32>
    %get3A_36 = arith.constant 0 : index
    %get3A_37 = arith.constant 0 : index
    %get3A_38 = vector.load %arg6[%get3A_36, %get3A_37] : memref<1x128xf32, #tpu.memory_space<vmem>>, vector<1x128xf32>
    %add3A_39 = vector.broadcast %get3A_38 : vector<1x128xf32> to vector<400x128xf32>
    %add3A_40 = arith.addf %add3A_35, %add3A_39 : vector<400x128xf32>
    %max3A_41 = arith.constant 0.000000e+00 : f32
    %max3A_42 = vector.broadcast %max3A_41 : f32 to vector<400x128xf32>
    %max3A_43 = arith.maximumf %add3A_40, %max3A_42 : vector<400x128xf32>
    %swap3A = arith.constant 0 : index
    %swap3A_44 = arith.constant 0 : index
    %swap3A_45 = vector.load %arg7[%swap3A, %swap3A_44] : memref<400x128xf32, #tpu.memory_space<vmem>>, vector<400x128xf32>
    tpu.vector_store %arg7[%swap3A, %swap3A_44], %max3A_43 {strides = array<i32>} : memref<400x128xf32, #tpu.memory_space<vmem>>, vector<400x128xf32>,
    return
  }
  func.func @transform_0(%arg0: i32) -> (i32, i32) {
    %c0_i32 = arith.constant 0 : i32
    %c0_i32_0 = arith.constant 0 : i32
    return %arg0, %c0_i32 : i32, i32
  }
  func.func @transform_1(%arg0: i32) -> (i32, i32, i32) {
    %c0_i32 = arith.constant 0 : i32
    %c0_i32_0 = arith.constant 0 : i32
    %c0_i32_1 = arith.constant 0 : i32
    return %c0_i32, %arg0, %c0_i32_0 : i32, i32, i32
  }
  func.func @transform_2(%arg0: i32) -> (i32, i32, i32) {
    %c0_i32 = arith.constant 0 : i32
    %c0_i32_0 = arith.constant 0 : i32
    %c0_i32_1 = arith.constant 0 : i32
    return %c0_i32, %arg0, %c0_i32_0 : i32, i32, i32
  }
  func.func @transform_3(%arg0: i32) -> (i32, i32) {
    %c0_i32 = arith.constant 0 : i32
    %c0_i32_0 = arith.constant 0 : i32
    %c0_i32_1 = arith.constant 0 : i32
    return %c0_i32, %c0_i32_0 : i32, i32
  }
  func.func @transform_4(%arg0: i32) -> (i32, i32) {
    %c0_i32 = arith.constant 0 : i32
    %c0_i32_0 = arith.constant 0 : i32
    %c0_i32_1 = arith.constant 0 : i32
    return %c0_i32, %c0_i32_0 : i32, i32
  }
  func.func @transform_5(%arg0: i32) -> (i32, i32) {
    %c0_i32 = arith.constant 0 : i32
    %c0_i32_0 = arith.constant 0 : i32
    %c0_i32_1 = arith.constant 0 : i32
    return %c0_i32, %c0_i32_0 : i32, i32
  }
  func.func @transform_6(%arg0: i32) -> (i32, i32) {
    %c0_i32 = arith.constant 0 : i32
    %c0_i32_0 = arith.constant 0 : i32
    return %arg0, %c0_i32 : i32, i32
  }
}

module attributes {stable_mosaic.version = 14 : i64} {
  func.func @_tc2_body(%arg0: i32, %arg1: memref<400x128xf32, #tpu.memory_space<vmem>>, %arg2: memref<400x128xf32, #tpu.memory_space<vmem>>, %arg3: memref<2x400x128xf32, #tpu.memory_space<vmem>>, %arg4: memref<2x400x128xf32, #tpu.memory_space<vmem>>, %arg5: memref<128x128xf32, #tpu.memory_space<vmem>>, %arg6: memref<128x128xf32, #tpu.memory_space<vmem>>, %arg7: memref<1x128xf32, #tpu.memory_space<vmem>>, %arg8: memref<128x128xf32, #tpu.memory_space<vmem>>, %arg9: memref<128x128xf32, #tpu.memory_space<vmem>>, %arg10: memref<128x128xf32, #tpu.memory_space<vmem>>, %arg11: memref<128x128xf32, #tpu.memory_space<vmem>>, %arg12: memref<400x128xi32, #tpu.memory_space<vmem>>, %arg13: memref<400x128xi32, #tpu.memory_space<vmem>>) attributes {dimension_semantics = [#tpu.dimension_semantics<arbitrary>], iteration_bounds = array<i64: 25>, scalar_prefetch = 0 : i64, scratch_operands = 0 : i64, tpu.core_type = #tpu.core_type<tc>, window_params = [{transform_indices = @transform_0, window_bounds = array<i64: 400, 128>}, {transform_indices = @transform_1, window_bounds = array<i64: 400, 128>}, {transform_indices = @transform_2, window_bounds = array<i64: 2, 400, 128>}, {transform_indices = @transform_3, window_bounds = array<i64: 2, 400, 128>}, {pipeline_mode = #tpu.pipeline_mode<synchronous>, transform_indices = @transform_4, window_bounds = array<i64: 128, 128>}, {pipeline_mode = #tpu.pipeline_mode<synchronous>, transform_indices = @transform_5, window_bounds = array<i64: 128, 128>}, {pipeline_mode = #tpu.pipeline_mode<synchronous>, transform_indices = @transform_6, window_bounds = array<i64: 1, 128>}, {pipeline_mode = #tpu.pipeline_mode<synchronous>, transform_indices = @transform_7, window_bounds = array<i64: 128, 128>}, {pipeline_mode = #tpu.pipeline_mode<synchronous>, transform_indices = @transform_8, window_bounds = array<i64: 128, 128>}, {pipeline_mode = #tpu.pipeline_mode<synchronous>, transform_indices = @transform_9, window_bounds = array<i64: 128, 128>}, {pipeline_mode = #tpu.pipeline_mode<synchronous>, transform_indices = @transform_10, window_bounds = array<i64: 128, 128>}, {transform_indices = @transform_11, window_bounds = array<i64: 400, 128>}, {transform_indices = @transform_12, window_bounds = array<i64: 400, 128>}]} {
    %get3A = arith.constant 0 : index
    %get3A_0 = arith.constant 0 : index
    %get3A_1 = arith.constant 0 : index
    %get3A_2 = vector.load %arg3[%get3A, %get3A_0, %get3A_1] : memref<2x400x128xf32, #tpu.memory_space<vmem>>, vector<1x400x128xf32>
    %get3A_3 = vector.shape_cast %get3A_2 : vector<1x400x128xf32> to vector<400x128xf32>
    %get3A_4 = arith.constant 1 : index
    %get3A_5 = arith.constant 0 : index
    %get3A_6 = arith.constant 0 : index
    %get3A_7 = vector.load %arg3[%get3A_4, %get3A_5, %get3A_6] : memref<2x400x128xf32, #tpu.memory_space<vmem>>, vector<1x400x128xf32>
    %get3A_8 = vector.shape_cast %get3A_7 : vector<1x400x128xf32> to vector<400x128xf32>
    %add3A = arith.addf %get3A_3, %get3A_8 : vector<400x128xf32>
    %get3A_9 = arith.constant 0 : index
    %get3A_10 = arith.constant 0 : index
    %get3A_11 = arith.constant 0 : index
    %get3A_12 = vector.load %arg4[%get3A_9, %get3A_10, %get3A_11] : memref<2x400x128xf32, #tpu.memory_space<vmem>>, vector<1x400x1xf32>
    %get3A_13 = vector.shape_cast %get3A_12 : vector<1x400x1xf32> to vector<400x1xf32>
    %get3A_14 = arith.constant 1 : index
    %get3A_15 = arith.constant 0 : index
    %get3A_16 = arith.constant 0 : index
    %get3A_17 = vector.load %arg4[%get3A_14, %get3A_15, %get3A_16] : memref<2x400x128xf32, #tpu.memory_space<vmem>>, vector<1x400x1xf32>
    %get3A_18 = vector.shape_cast %get3A_17 : vector<1x400x1xf32> to vector<400x1xf32>
    %add3A_19 = arith.addf %get3A_13, %get3A_18 : vector<400x1xf32>
    %max3A = arith.constant 1.000000e+00 : f32
    %max3A_20 = vector.broadcast %max3A : f32 to vector<400x1xf32>
    %max3A_21 = arith.maximumf %add3A_19, %max3A_20 : vector<400x1xf32>
    %div3A = vector.broadcast %max3A_21 : vector<400x1xf32> to vector<400x128xf32>
    %div3A_22 = arith.divf %add3A, %div3A : vector<400x128xf32>
    %get3A_23 = arith.constant 0 : index
    %get3A_24 = arith.constant 0 : index
    %get3A_25 = vector.load %arg2[%get3A_23, %get3A_24] : memref<400x128xf32, #tpu.memory_space<vmem>>, vector<400x128xf32>
    %get3A_26 = arith.constant 0 : index
    %get3A_27 = arith.constant 0 : index
    %get3A_28 = vector.load %arg5[%get3A_26, %get3A_27] : memref<128x128xf32, #tpu.memory_space<vmem>>, vector<128x128xf32>
    %dot_general3A = arith.constant dense<0.000000e+00> : vector<400x128xf32>
    %dot_general3A_29 = tpu.matmul %get3A_25, %get3A_28, %dot_general3A {dimension_numbers = #tpu.dot_dimension_numbers<[1], [0], [0], [1], [0, 0, 1, 1], [], []>, transpose_lhs_hint = false} : vector<400x128xf32>, vector<128x128xf32>, vector<400x128xf32> -> vector<400x128xf32>
    %get3A_30 = arith.constant 0 : index
    %get3A_31 = arith.constant 0 : index
    %get3A_32 = vector.load %arg6[%get3A_30, %get3A_31] : memref<128x128xf32, #tpu.memory_space<vmem>>, vector<128x128xf32>
    %dot_general3A_33 = arith.constant dense<0.000000e+00> : vector<400x128xf32>
    %dot_general3A_34 = tpu.matmul %div3A_22, %get3A_32, %dot_general3A_33 {dimension_numbers = #tpu.dot_dimension_numbers<[1], [0], [0], [1], [0, 0, 1, 1], [], []>, transpose_lhs_hint = false} : vector<400x128xf32>, vector<128x128xf32>, vector<400x128xf32> -> vector<400x128xf32>
    %add3A_35 = arith.addf %dot_general3A_29, %dot_general3A_34 : vector<400x128xf32>
    %get3A_36 = arith.constant 0 : index
    %get3A_37 = arith.constant 0 : index
    %get3A_38 = vector.load %arg7[%get3A_36, %get3A_37] : memref<1x128xf32, #tpu.memory_space<vmem>>, vector<1x128xf32>
    %add3A_39 = vector.broadcast %get3A_38 : vector<1x128xf32> to vector<400x128xf32>
    %add3A_40 = arith.addf %add3A_35, %add3A_39 : vector<400x128xf32>
    %get3A_41 = arith.constant 0 : index
    %get3A_42 = arith.constant 0 : index
    %get3A_43 = vector.load %arg1[%get3A_41, %get3A_42] : memref<400x128xf32, #tpu.memory_space<vmem>>, vector<400x128xf32>
    %get3A_44 = arith.constant 0 : index
    %get3A_45 = arith.constant 0 : index
    %get3A_46 = vector.load %arg8[%get3A_44, %get3A_45] : memref<128x128xf32, #tpu.memory_space<vmem>>, vector<128x128xf32>
    %dot_general3A_47 = arith.constant dense<0.000000e+00> : vector<400x128xf32>
    %dot_general3A_48 = tpu.matmul %get3A_43, %get3A_46, %dot_general3A_47 {dimension_numbers = #tpu.dot_dimension_numbers<[1], [0], [0], [1], [0, 0, 1, 1], [], []>, transpose_lhs_hint = false} : vector<400x128xf32>, vector<128x128xf32>, vector<400x128xf32> -> vector<400x128xf32>
    %get3A_49 = arith.constant 0 : index
    %get3A_50 = arith.constant 0 : index
    %get3A_51 = vector.load %arg9[%get3A_49, %get3A_50] : memref<128x128xf32, #tpu.memory_space<vmem>>, vector<128x128xf32>
    %dot_general3A_52 = arith.constant dense<0.000000e+00> : vector<400x128xf32>
    %dot_general3A_53 = tpu.matmul %get3A_43, %get3A_51, %dot_general3A_52 {dimension_numbers = #tpu.dot_dimension_numbers<[1], [0], [0], [1], [0, 0, 1, 1], [], []>, transpose_lhs_hint = false} : vector<400x128xf32>, vector<128x128xf32>, vector<400x128xf32> -> vector<400x128xf32>
    %get3A_54 = arith.constant 0 : index
    %get3A_55 = arith.constant 0 : index
    %get3A_56 = vector.load %arg10[%get3A_54, %get3A_55] : memref<128x128xf32, #tpu.memory_space<vmem>>, vector<128x128xf32>
    %dot_general3A_57 = arith.constant dense<0.000000e+00> : vector<400x128xf32>
    %dot_general3A_58 = tpu.matmul %add3A_40, %get3A_56, %dot_general3A_57 {dimension_numbers = #tpu.dot_dimension_numbers<[1], [0], [0], [1], [0, 0, 1, 1], [], []>, transpose_lhs_hint = false} : vector<400x128xf32>, vector<128x128xf32>, vector<400x128xf32> -> vector<400x128xf32>
    %get3A_59 = arith.constant 0 : index
    %get3A_60 = arith.constant 0 : index
    %get3A_61 = vector.load %arg11[%get3A_59, %get3A_60] : memref<128x128xf32, #tpu.memory_space<vmem>>, vector<128x128xf32>
    %dot_general3A_62 = arith.constant dense<0.000000e+00> : vector<400x128xf32>
    %dot_general3A_63 = tpu.matmul %add3A_40, %get3A_61, %dot_general3A_62 {dimension_numbers = #tpu.dot_dimension_numbers<[1], [0], [0], [1], [0, 0, 1, 1], [], []>, transpose_lhs_hint = false} : vector<400x128xf32>, vector<128x128xf32>, vector<400x128xf32> -> vector<400x128xf32>
    %bitcast_convert_type3A = tpu.bitcast %dot_general3A_48 : vector<400x128xf32> -> vector<400x128xi32>
    %add3A_64 = arith.constant 32767 : i32
    %add3A_65 = vector.broadcast %add3A_64 : i32 to vector<400x128xi32>
    %add3A_66 = arith.addi %bitcast_convert_type3A, %add3A_65 : vector<400x128xi32>
    %shift_right_arithmetic3A = arith.constant 16 : i32
    %shift_right_arithmetic3A_67 = vector.broadcast %shift_right_arithmetic3A : i32 to vector<400x128xi32>
    %shift_right_arithmetic3A_68 = arith.shrsi %bitcast_convert_type3A, %shift_right_arithmetic3A_67 : vector<400x128xi32>
    %and3A = arith.constant 1 : i32
    %and3A_69 = vector.broadcast %and3A : i32 to vector<400x128xi32>
    %and3A_70 = arith.andi %shift_right_arithmetic3A_68, %and3A_69 : vector<400x128xi32>
    %add3A_71 = arith.addi %add3A_66, %and3A_70 : vector<400x128xi32>
    %shift_right_arithmetic3A_72 = arith.constant 16 : i32
    %shift_right_arithmetic3A_73 = vector.broadcast %shift_right_arithmetic3A_72 : i32 to vector<400x128xi32>
    %shift_right_arithmetic3A_74 = arith.shrsi %add3A_71, %shift_right_arithmetic3A_73 : vector<400x128xi32>
    %and3A_75 = arith.constant 65535 : i32
    %and3A_76 = vector.broadcast %and3A_75 : i32 to vector<400x128xi32>
    %and3A_77 = arith.andi %shift_right_arithmetic3A_74, %and3A_76 : vector<400x128xi32>
    %bitcast_convert_type3A_78 = tpu.bitcast %dot_general3A_58 : vector<400x128xf32> -> vector<400x128xi32>
    %add3A_79 = arith.constant 32767 : i32
    %add3A_80 = vector.broadcast %add3A_79 : i32 to vector<400x128xi32>
    %add3A_81 = arith.addi %bitcast_convert_type3A_78, %add3A_80 : vector<400x128xi32>
    %shift_right_arithmetic3A_82 = arith.constant 16 : i32
    %shift_right_arithmetic3A_83 = vector.broadcast %shift_right_arithmetic3A_82 : i32 to vector<400x128xi32>
    %shift_right_arithmetic3A_84 = arith.shrsi %bitcast_convert_type3A_78, %shift_right_arithmetic3A_83 : vector<400x128xi32>
    %and3A_85 = arith.constant 1 : i32
    %and3A_86 = vector.broadcast %and3A_85 : i32 to vector<400x128xi32>
    %and3A_87 = arith.andi %shift_right_arithmetic3A_84, %and3A_86 : vector<400x128xi32>
    %add3A_88 = arith.addi %add3A_81, %and3A_87 : vector<400x128xi32>
    %shift_right_arithmetic3A_89 = arith.constant 16 : i32
    %shift_right_arithmetic3A_90 = vector.broadcast %shift_right_arithmetic3A_89 : i32 to vector<400x128xi32>
    %shift_right_arithmetic3A_91 = arith.shrsi %add3A_88, %shift_right_arithmetic3A_90 : vector<400x128xi32>
    %and3A_92 = arith.constant 65535 : i32
    %and3A_93 = vector.broadcast %and3A_92 : i32 to vector<400x128xi32>
    %and3A_94 = arith.andi %shift_right_arithmetic3A_91, %and3A_93 : vector<400x128xi32>
    %shift_left3A = arith.constant 16 : i32
    %shift_left3A_95 = vector.broadcast %shift_left3A : i32 to vector<400x128xi32>
    %shift_left3A_96 = arith.shli %and3A_94, %shift_left3A_95 : vector<400x128xi32>
    %or3A = arith.ori %and3A_77, %shift_left3A_96 : vector<400x128xi32>
    %swap3A = arith.constant 0 : index
    %swap3A_97 = arith.constant 0 : index
    %swap3A_98 = vector.load %arg12[%swap3A, %swap3A_97] : memref<400x128xi32, #tpu.memory_space<vmem>>, vector<400x128xi32>
    tpu.vector_store %arg12[%swap3A, %swap3A_97], %or3A {strides = array<i32>} : memref<400x128xi32, #tpu.memory_space<vmem>>, vector<400x128xi32>,
    %bitcast_convert_type3A_99 = tpu.bitcast %dot_general3A_53 : vector<400x128xf32> -> vector<400x128xi32>
    %add3A_100 = arith.constant 32767 : i32
    %add3A_101 = vector.broadcast %add3A_100 : i32 to vector<400x128xi32>
    %add3A_102 = arith.addi %bitcast_convert_type3A_99, %add3A_101 : vector<400x128xi32>
    %shift_right_arithmetic3A_103 = arith.constant 16 : i32
    %shift_right_arithmetic3A_104 = vector.broadcast %shift_right_arithmetic3A_103 : i32 to vector<400x128xi32>
    %shift_right_arithmetic3A_105 = arith.shrsi %bitcast_convert_type3A_99, %shift_right_arithmetic3A_104 : vector<400x128xi32>
    %and3A_106 = arith.constant 1 : i32
    %and3A_107 = vector.broadcast %and3A_106 : i32 to vector<400x128xi32>
    %and3A_108 = arith.andi %shift_right_arithmetic3A_105, %and3A_107 : vector<400x128xi32>
    %add3A_109 = arith.addi %add3A_102, %and3A_108 : vector<400x128xi32>
    %shift_right_arithmetic3A_110 = arith.constant 16 : i32
    %shift_right_arithmetic3A_111 = vector.broadcast %shift_right_arithmetic3A_110 : i32 to vector<400x128xi32>
    %shift_right_arithmetic3A_112 = arith.shrsi %add3A_109, %shift_right_arithmetic3A_111 : vector<400x128xi32>
    %and3A_113 = arith.constant 65535 : i32
    %and3A_114 = vector.broadcast %and3A_113 : i32 to vector<400x128xi32>
    %and3A_115 = arith.andi %shift_right_arithmetic3A_112, %and3A_114 : vector<400x128xi32>
    %bitcast_convert_type3A_116 = tpu.bitcast %dot_general3A_63 : vector<400x128xf32> -> vector<400x128xi32>
    %add3A_117 = arith.constant 32767 : i32
    %add3A_118 = vector.broadcast %add3A_117 : i32 to vector<400x128xi32>
    %add3A_119 = arith.addi %bitcast_convert_type3A_116, %add3A_118 : vector<400x128xi32>
    %shift_right_arithmetic3A_120 = arith.constant 16 : i32
    %shift_right_arithmetic3A_121 = vector.broadcast %shift_right_arithmetic3A_120 : i32 to vector<400x128xi32>
    %shift_right_arithmetic3A_122 = arith.shrsi %bitcast_convert_type3A_116, %shift_right_arithmetic3A_121 : vector<400x128xi32>
    %and3A_123 = arith.constant 1 : i32
    %and3A_124 = vector.broadcast %and3A_123 : i32 to vector<400x128xi32>
    %and3A_125 = arith.andi %shift_right_arithmetic3A_122, %and3A_124 : vector<400x128xi32>
    %add3A_126 = arith.addi %add3A_119, %and3A_125 : vector<400x128xi32>
    %shift_right_arithmetic3A_127 = arith.constant 16 : i32
    %shift_right_arithmetic3A_128 = vector.broadcast %shift_right_arithmetic3A_127 : i32 to vector<400x128xi32>
    %shift_right_arithmetic3A_129 = arith.shrsi %add3A_126, %shift_right_arithmetic3A_128 : vector<400x128xi32>
    %and3A_130 = arith.constant 65535 : i32
    %and3A_131 = vector.broadcast %and3A_130 : i32 to vector<400x128xi32>
    %and3A_132 = arith.andi %shift_right_arithmetic3A_129, %and3A_131 : vector<400x128xi32>
    %shift_left3A_133 = arith.constant 16 : i32
    %shift_left3A_134 = vector.broadcast %shift_left3A_133 : i32 to vector<400x128xi32>
    %shift_left3A_135 = arith.shli %and3A_132, %shift_left3A_134 : vector<400x128xi32>
    %or3A_136 = arith.ori %and3A_115, %shift_left3A_135 : vector<400x128xi32>
    %swap3A_137 = arith.constant 0 : index
    %swap3A_138 = arith.constant 0 : index
    %swap3A_139 = vector.load %arg13[%swap3A_137, %swap3A_138] : memref<400x128xi32, #tpu.memory_space<vmem>>, vector<400x128xi32>
    tpu.vector_store %arg13[%swap3A_137, %swap3A_138], %or3A_136 {strides = array<i32>} : memref<400x128xi32, #tpu.memory_space<vmem>>, vector<400x128xi32>,
    return
  }
  func.func @transform_0(%arg0: i32) -> (i32, i32) {
    %c0_i32 = arith.constant 0 : i32
    %c0_i32_0 = arith.constant 0 : i32
    return %arg0, %c0_i32 : i32, i32
  }
  func.func @transform_1(%arg0: i32) -> (i32, i32) {
    %c0_i32 = arith.constant 0 : i32
    %c0_i32_0 = arith.constant 0 : i32
    return %arg0, %c0_i32 : i32, i32
  }
  func.func @transform_2(%arg0: i32) -> (i32, i32, i32) {
    %c0_i32 = arith.constant 0 : i32
    %c0_i32_0 = arith.constant 0 : i32
    %c0_i32_1 = arith.constant 0 : i32
    return %c0_i32, %arg0, %c0_i32_0 : i32, i32, i32
  }
  func.func @transform_3(%arg0: i32) -> (i32, i32, i32) {
    %c0_i32 = arith.constant 0 : i32
    %c0_i32_0 = arith.constant 0 : i32
    %c0_i32_1 = arith.constant 0 : i32
    return %c0_i32, %arg0, %c0_i32_0 : i32, i32, i32
  }
  func.func @transform_4(%arg0: i32) -> (i32, i32) {
    %c0_i32 = arith.constant 0 : i32
    %c0_i32_0 = arith.constant 0 : i32
    %c0_i32_1 = arith.constant 0 : i32
    return %c0_i32, %c0_i32_0 : i32, i32
  }
  func.func @transform_5(%arg0: i32) -> (i32, i32) {
    %c0_i32 = arith.constant 0 : i32
    %c0_i32_0 = arith.constant 0 : i32
    %c0_i32_1 = arith.constant 0 : i32
    return %c0_i32, %c0_i32_0 : i32, i32
  }
  func.func @transform_6(%arg0: i32) -> (i32, i32) {
    %c0_i32 = arith.constant 0 : i32
    %c0_i32_0 = arith.constant 0 : i32
    %c0_i32_1 = arith.constant 0 : i32
    return %c0_i32, %c0_i32_0 : i32, i32
  }
  func.func @transform_7(%arg0: i32) -> (i32, i32) {
    %c0_i32 = arith.constant 0 : i32
    %c0_i32_0 = arith.constant 0 : i32
    %c0_i32_1 = arith.constant 0 : i32
    return %c0_i32, %c0_i32_0 : i32, i32
  }
  func.func @transform_8(%arg0: i32) -> (i32, i32) {
    %c0_i32 = arith.constant 0 : i32
    %c0_i32_0 = arith.constant 0 : i32
    %c0_i32_1 = arith.constant 0 : i32
    return %c0_i32, %c0_i32_0 : i32, i32
  }
  func.func @transform_9(%arg0: i32) -> (i32, i32) {
    %c0_i32 = arith.constant 0 : i32
    %c0_i32_0 = arith.constant 0 : i32
    %c0_i32_1 = arith.constant 0 : i32
    return %c0_i32, %c0_i32_0 : i32, i32
  }
  func.func @transform_10(%arg0: i32) -> (i32, i32) {
    %c0_i32 = arith.constant 0 : i32
    %c0_i32_0 = arith.constant 0 : i32
    %c0_i32_1 = arith.constant 0 : i32
    return %c0_i32, %c0_i32_0 : i32, i32
  }
  func.func @transform_11(%arg0: i32) -> (i32, i32) {
    %c0_i32 = arith.constant 0 : i32
    %c0_i32_0 = arith.constant 0 : i32
    return %arg0, %c0_i32 : i32, i32
  }
  func.func @transform_12(%arg0: i32) -> (i32, i32) {
    %c0_i32 = arith.constant 0 : i32
    %c0_i32_0 = arith.constant 0 : i32
    return %arg0, %c0_i32 : i32, i32
  }
}

module attributes {stable_mosaic.version = 14 : i64} {
  func.func @_tc3_body(%arg0: i32, %arg1: memref<512x128xf32, #tpu.memory_space<vmem>>, %arg2: memref<512x128xi32, #tpu.memory_space<vmem>>, %arg3: memref<512x128xi32, #tpu.memory_space<vmem>>, %arg4: memref<128x128xf32, #tpu.memory_space<vmem>>, %arg5: memref<1x128xf32, #tpu.memory_space<vmem>>, %arg6: memref<128x16xf32, #tpu.memory_space<vmem>>, %arg7: memref<1x16xf32, #tpu.memory_space<vmem>>, %arg8: memref<512x16xf32, #tpu.memory_space<vmem>>) attributes {dimension_semantics = [#tpu.dimension_semantics<arbitrary>], iteration_bounds = array<i64: 625>, scalar_prefetch = 0 : i64, scratch_operands = 0 : i64, tpu.core_type = #tpu.core_type<tc>, window_params = [{transform_indices = @transform_0, window_bounds = array<i64: 512, 128>}, {transform_indices = @transform_1, window_bounds = array<i64: 512, 128>}, {transform_indices = @transform_2, window_bounds = array<i64: 512, 128>}, {pipeline_mode = #tpu.pipeline_mode<synchronous>, transform_indices = @transform_3, window_bounds = array<i64: 128, 128>}, {pipeline_mode = #tpu.pipeline_mode<synchronous>, transform_indices = @transform_4, window_bounds = array<i64: 1, 128>}, {pipeline_mode = #tpu.pipeline_mode<synchronous>, transform_indices = @transform_5, window_bounds = array<i64: 128, 16>}, {pipeline_mode = #tpu.pipeline_mode<synchronous>, transform_indices = @transform_6, window_bounds = array<i64: 1, 16>}, {transform_indices = @transform_7, window_bounds = array<i64: 512, 16>}]} {
    %get3A = arith.constant 0 : index
    %get3A_0 = arith.constant 0 : index
    %get3A_1 = vector.load %arg2[%get3A, %get3A_0] : memref<512x128xi32, #tpu.memory_space<vmem>>, vector<512x128xi32>
    %get3A_2 = arith.constant 0 : index
    %get3A_3 = arith.constant 0 : index
    %get3A_4 = vector.load %arg3[%get3A_2, %get3A_3] : memref<512x128xi32, #tpu.memory_space<vmem>>, vector<512x128xi32>
    %shift_left3A = arith.constant 16 : i32
    %shift_left3A_5 = vector.broadcast %shift_left3A : i32 to vector<512x128xi32>
    %shift_left3A_6 = arith.shli %get3A_1, %shift_left3A_5 : vector<512x128xi32>
    %bitcast_convert_type3A = tpu.bitcast %shift_left3A_6 : vector<512x128xi32> -> vector<512x128xf32>
    %shift_left3A_7 = arith.constant 16 : i32
    %shift_left3A_8 = vector.broadcast %shift_left3A_7 : i32 to vector<512x128xi32>
    %shift_left3A_9 = arith.shli %get3A_4, %shift_left3A_8 : vector<512x128xi32>
    %bitcast_convert_type3A_10 = tpu.bitcast %shift_left3A_9 : vector<512x128xi32> -> vector<512x128xf32>
    %add3A = arith.addf %bitcast_convert_type3A, %bitcast_convert_type3A_10 : vector<512x128xf32>
    %and3A = arith.constant -65536 : i32
    %and3A_11 = vector.broadcast %and3A : i32 to vector<512x128xi32>
    %and3A_12 = arith.andi %get3A_1, %and3A_11 : vector<512x128xi32>
    %bitcast_convert_type3A_13 = tpu.bitcast %and3A_12 : vector<512x128xi32> -> vector<512x128xf32>
    %slice3A = vector.extract_strided_slice %bitcast_convert_type3A_13 {offsets = [0, 0], sizes = [512, 16], strides = [1, 1]} : vector<512x128xf32> to vector<512x16xf32>
    %and3A_14 = arith.constant -65536 : i32
    %and3A_15 = vector.broadcast %and3A_14 : i32 to vector<512x128xi32>
    %and3A_16 = arith.andi %get3A_4, %and3A_15 : vector<512x128xi32>
    %bitcast_convert_type3A_17 = tpu.bitcast %and3A_16 : vector<512x128xi32> -> vector<512x128xf32>
    %slice3A_18 = vector.extract_strided_slice %bitcast_convert_type3A_17 {offsets = [0, 0], sizes = [512, 16], strides = [1, 1]} : vector<512x128xf32> to vector<512x16xf32>
    %add3A_19 = arith.addf %slice3A, %slice3A_18 : vector<512x16xf32>
    %get3A_20 = arith.constant 0 : index
    %get3A_21 = arith.constant 0 : index
    %get3A_22 = vector.load %arg1[%get3A_20, %get3A_21] : memref<512x128xf32, #tpu.memory_space<vmem>>, vector<512x128xf32>
    %get3A_23 = arith.constant 0 : index
    %get3A_24 = arith.constant 0 : index
    %get3A_25 = vector.load %arg4[%get3A_23, %get3A_24] : memref<128x128xf32, #tpu.memory_space<vmem>>, vector<128x128xf32>
    %dot_general3A = arith.constant dense<0.000000e+00> : vector<512x128xf32>
    %dot_general3A_26 = tpu.matmul %get3A_22, %get3A_25, %dot_general3A {dimension_numbers = #tpu.dot_dimension_numbers<[1], [0], [0], [1], [0, 0, 1, 1], [], []>, transpose_lhs_hint = false} : vector<512x128xf32>, vector<128x128xf32>, vector<512x128xf32> -> vector<512x128xf32>
    %add3A_27 = arith.addf %dot_general3A_26, %add3A : vector<512x128xf32>
    %get3A_28 = arith.constant 0 : index
    %get3A_29 = arith.constant 0 : index
    %get3A_30 = vector.load %arg5[%get3A_28, %get3A_29] : memref<1x128xf32, #tpu.memory_space<vmem>>, vector<1x128xf32>
    %add3A_31 = vector.broadcast %get3A_30 : vector<1x128xf32> to vector<512x128xf32>
    %add3A_32 = arith.addf %add3A_27, %add3A_31 : vector<512x128xf32>
    %mul3A = arith.constant 0.00999999977 : f32
    %mul3A_33 = vector.broadcast %mul3A : f32 to vector<512x128xf32>
    %mul3A_34 = arith.mulf %mul3A_33, %add3A_32 : vector<512x128xf32>
    %max3A = arith.maximumf %add3A_32, %mul3A_34 : vector<512x128xf32>
    %get3A_35 = arith.constant 0 : index
    %get3A_36 = arith.constant 0 : index
    %get3A_37 = vector.load %arg6[%get3A_35, %get3A_36] : memref<128x16xf32, #tpu.memory_space<vmem>>, vector<128x16xf32>
    %dot_general3A_38 = arith.constant dense<0.000000e+00> : vector<512x16xf32>
    %dot_general3A_39 = tpu.matmul %max3A, %get3A_37, %dot_general3A_38 {dimension_numbers = #tpu.dot_dimension_numbers<[1], [0], [0], [1], [0, 0, 1, 1], [], []>, transpose_lhs_hint = false} : vector<512x128xf32>, vector<128x16xf32>, vector<512x16xf32> -> vector<512x16xf32>
    %add3A_40 = arith.addf %dot_general3A_39, %add3A_19 : vector<512x16xf32>
    %get3A_41 = arith.constant 0 : index
    %get3A_42 = arith.constant 0 : index
    %get3A_43 = vector.load %arg7[%get3A_41, %get3A_42] : memref<1x16xf32, #tpu.memory_space<vmem>>, vector<1x16xf32>
    %add3A_44 = vector.broadcast %get3A_43 : vector<1x16xf32> to vector<512x16xf32>
    %add3A_45 = arith.addf %add3A_40, %add3A_44 : vector<512x16xf32>
    %swap3A = arith.constant 0 : index
    %swap3A_46 = arith.constant 0 : index
    %swap3A_47 = vector.load %arg8[%swap3A, %swap3A_46] : memref<512x16xf32, #tpu.memory_space<vmem>>, vector<512x16xf32>
    tpu.vector_store %arg8[%swap3A, %swap3A_46], %add3A_45 {strides = array<i32>} : memref<512x16xf32, #tpu.memory_space<vmem>>, vector<512x16xf32>,
    return
  }
  func.func @transform_0(%arg0: i32) -> (i32, i32) {
    %c0_i32 = arith.constant 0 : i32
    %c0_i32_0 = arith.constant 0 : i32
    return %arg0, %c0_i32 : i32, i32
  }
  func.func @transform_1(%arg0: i32) -> (i32, i32) {
    %c0_i32 = arith.constant 0 : i32
    %c0_i32_0 = arith.constant 0 : i32
    return %arg0, %c0_i32 : i32, i32
  }
  func.func @transform_2(%arg0: i32) -> (i32, i32) {
    %c0_i32 = arith.constant 0 : i32
    %c0_i32_0 = arith.constant 0 : i32
    return %arg0, %c0_i32 : i32, i32
  }
  func.func @transform_3(%arg0: i32) -> (i32, i32) {
    %c0_i32 = arith.constant 0 : i32
    %c0_i32_0 = arith.constant 0 : i32
    %c0_i32_1 = arith.constant 0 : i32
    return %c0_i32, %c0_i32_0 : i32, i32
  }
  func.func @transform_4(%arg0: i32) -> (i32, i32) {
    %c0_i32 = arith.constant 0 : i32
    %c0_i32_0 = arith.constant 0 : i32
    %c0_i32_1 = arith.constant 0 : i32
    return %c0_i32, %c0_i32_0 : i32, i32
  }
  func.func @transform_5(%arg0: i32) -> (i32, i32) {
    %c0_i32 = arith.constant 0 : i32
    %c0_i32_0 = arith.constant 0 : i32
    %c0_i32_1 = arith.constant 0 : i32
    return %c0_i32, %c0_i32_0 : i32, i32
  }
  func.func @transform_6(%arg0: i32) -> (i32, i32) {
    %c0_i32 = arith.constant 0 : i32
    %c0_i32_0 = arith.constant 0 : i32
    %c0_i32_1 = arith.constant 0 : i32
    return %c0_i32, %c0_i32_0 : i32, i32
  }
  func.func @transform_7(%arg0: i32) -> (i32, i32) {
    %c0_i32 = arith.constant 0 : i32
    %c0_i32_0 = arith.constant 0 : i32
    return %arg0, %c0_i32 : i32, i32
  }
}

</mosaic_0001>

<sc_bundles>
// kernel: deg_count.3.cloned.1.call-start
scs
__scs_entry_jumppad:
0x0: {  	(pc) =	sbr.rel $0x88, $3  }
0x1: {  	(tag) =	ssettag $0x0;
	lr =	simm.s32 $0x1  }
0x2: {  	[smem:$0x3F92] =	sst lr;
	_ =	strace $0xD0000000  }
0x3: {  	_ = 	snop  }
0x4: {  	_ = 	snop  }
0x5: {  	_ = 	snop  }
0x6: {  	_ = 	snop  }
0x7: {  	_ = 	snop  }
__scs_overlays_trampoline_lowered:
0x8: {  	[smem:$0x3FA1] =	sst s0  }
0x9: {  	[smem:$0x3FA2] =	sst s1  }
0xa: {  	[smem:$0x3FA3] =	sst s2  }
0xb: {  	[smem:$0x3FA4] =	sst s3  }
0xc: {  	[smem:$0x3FA5] =	sst s4  }
0xd: {  	[smem:$0x3FA6] =	sst s5  }
0xe: {  	[smem:$0x3FA7] =	sst s6  }
0xf: {  	[smem:$0x3FA8] =	sst s7  }
0x10: {  	[smem:$0x3FA9] =	sst s8  }
0x11: {  	[smem:$0x3FAA] =	sst s9;
	s0 =	simm.s32 @!p0 $0x0  }
0x12: {  	s1 =	sld [smem:$0x3F90];
	s0 =	simm.s32 @p0 $0x1  }
0x13: {  	[smem:$0x3FAB] =	sst s0;
	s0 =	simm.s32 @!p1 $0x0  }
0x14: {  	s2 =	sld [smem:$0x3F8F];
	s0 =	simm.s32 @p1 $0x1  }
0x15: {  	[smem:$0x3FAC] =	sst s0;
	s0 =	simm.s32 @!p2 $0x0  }
0x16: {  	s3 =	sld [smem:$0x3FDB];
	s0 =	simm.s32 @p2 $0x1  }
0x17: {  	s4 =	simm.s32 $0x1BF5;
	[smem:$0x3FAE] =	sst s0  }
0x18: {  	s0 =	sld [smem:$0x3F91];
	_ =	swait.ge [sflag:s4], $0x0  }
0x19: {  	s7 =	sld [smem:$0x3F92]  }
0x1a: {  	s8 =	sadd.s32 $0xFFFFE003, lr  }
0x1b: {  	s9 =	sadd.s32 $0xFFFFFEF7, lr;
	s5 =	simm.s32 $0xFFFFFFFF;
	p2 =	slt.u32 s8, $0xFFFFF086  }
0x1c: {  	p1 =	slt.u32 s9, $0xF7A;
	s5 =	simm.s32 @!p2 $0x0  }
0x1d: {  	s5 =	simm.s32 @p1 $0x1;
	p0 =	seq.s32 s7, s2  }
0x1e: {  	s7 =	smul.u32 @!p0 $0xF7A, s2;
	p2 =	seq.s32 @!p0 s5, $0x0  }
0x1f: {  	s9 =	smul.u32 $0xF7A, s1;
	s8 =	simm.s32 @!p0 $0x1BF5;
	p2 =	por !p2, p0  }
0x20: {  	[sflag:s8] =	ssyncset.s32 @!p0 $0xFFFFF086;
	s6 =	sadd.s32 @!p0 s3, s7;
	s7 =	simm.s32 @!p0 $0x108  }
0x21: {  	s3 =	sadd.s32 s3, s9;
	s6 =	sadd.s32 @!p0 $0x88, s6;
	s7 =	simm.s32 @p2 $0x1082  }
0x22: {  	[simem:s7], [sflag:s8] =	dma.local @!p0 [hbm:s6], $0xF7A  }
0x23: {  	s9 =	sor.u32 $0xD0000000, s2;
	s6 =	simm.s32 $0x108;
	_ =	swait.ge @!p0 [sflag:s8], $0x0  }
0x24: {  	s3 =	sadd.s32 $0x88, s3;
	s6 =	simm.s32 @!p1 $0x1082;
	[sflag:s4] =	ssyncset.s32 $0xFFFFF086  }
0x25: {  	[simem:s6], [sflag:s4] =	dma.local [hbm:s3], $0xF7A  }
0x26: {  	[smem:$0x3F92] =	sst s1;
	(tag) =	ssettag s2;
	_ =	strace s9  }
0x27: {  	s1 =	sld [smem:$0x3FA2]  }
0x28: {  	s2 =	sld [smem:$0x3FA3]  }
0x29: {  	s4 =	sld [smem:$0x3FA5]  }
0x2a: {  	p0 =	seq.s32 s5, $0x0;
	s5 =	sld [smem:$0x3FA6]  }
0x2b: {  	s6 =	sld [smem:$0x3FA7]  }
0x2c: {  	s7 =	sld [smem:$0x3FA8]  }
0x2d: {  	s3 =	simm.s32 $0x108;
	s8 =	sld [smem:$0x3FA9]  }
0x2e: {  	s3 =	simm.s32 @!p0 $0x1082;
	s9 =	sld [smem:$0x3FAA]  }
0x2f: {  	lr =	sadd.s32 s0, s3;
	s0 =	sld [smem:$0x3FA1]  }
0x30: {  	s3 =	sld [smem:$0x3FA4]  }
0x31: {  	[smem:$0x3FAD] =	sst s10  }
0x32: {  	s10 =	sld [smem:$0x3FAB];
	_ =	sdelay $0x3  }
0x33: {  	p0 =	seq.s32 s10, $0x1;
	s10 =	sld [smem:$0x3FAD];
	_ =	sdelay $0x3  }
0x34: {  	[smem:$0x3FAD] =	sst s10  }
0x35: {  	s10 =	sld [smem:$0x3FAC];
	_ =	sdelay $0x3  }
0x36: {  	p1 =	seq.s32 s10, $0x1;
	s10 =	sld [smem:$0x3FAD];
	_ =	sdelay $0x3  }
0x37: {  	[smem:$0x3FAD] =	sst s10  }
0x38: {  	s10 =	sld [smem:$0x3FAE]  }
0x39: {  	_ = 	snop;
	(pc) =	sbr.ind lr, $3  }
0x3a: {  	_ = 	snop  }
0x3b: {  	_ = 	snop  }
0x3c: {  	p2 =	seq.s32 s10, $0x1;
	s10 =	sld [smem:$0x3FAD]  }
0x3d: {  	_ =	shalt  }
0x3e: {  	_ =	shalt  }
0x3f: {  	_ =	shalt  }
0x40: {  	_ =	shalt  }
0x41: {  	_ =	shalt  }
0x42: {  	_ =	shalt  }
0x43: {  	_ =	shalt  }
0x44: {  	_ =	shalt  }
0x45: {  	_ =	shalt  }
0x46: {  	_ =	shalt  }
0x47: {  	_ =	shalt  }
0x48: {  	_ =	shalt  }
0x49: {  	_ =	shalt  }
0x4a: {  	_ =	shalt  }
0x4b: {  	_ =	shalt  }
0x4c: {  	_ =	shalt  }
0x4d: {  	_ =	shalt  }
0x4e: {  	_ =	shalt  }
0x4f: {  	_ =	shalt  }
0x50: {  	_ =	shalt  }
0x51: {  	_ =	shalt  }
0x52: {  	_ =	shalt  }
0x53: {  	_ =	shalt  }
0x54: {  	_ =	shalt  }
0x55: {  	_ =	shalt  }
0x56: {  	_ =	shalt  }
0x57: {  	_ =	shalt  }
0x58: {  	_ =	shalt  }
0x59: {  	_ =	shalt  }
0x5a: {  	_ =	shalt  }
0x5b: {  	_ =	shalt  }
0x5c: {  	_ =	shalt  }
0x5d: {  	_ =	shalt  }
0x5e: {  	_ =	shalt  }
0x5f: {  	_ =	shalt  }
0x60: {  	_ =	shalt  }
0x61: {  	_ =	shalt  }
0x62: {  	_ =	shalt  }
0x63: {  	_ =	shalt  }
0x64: {  	_ =	shalt  }
0x65: {  	_ =	shalt  }
0x66: {  	_ =	shalt  }
0x67: {  	_ =	shalt  }
0x68: {  	_ =	shalt  }
0x69: {  	_ =	shalt  }
0x6a: {  	_ =	shalt  }
0x6b: {  	_ =	shalt  }
0x6c: {  	_ =	shalt  }
0x6d: {  	_ =	shalt  }
0x6e: {  	_ =	shalt  }
0x6f: {  	_ =	shalt  }
0x70: {  	_ =	shalt  }
0x71: {  	_ =	shalt  }
0x72: {  	_ =	shalt  }
0x73: {  	_ =	shalt  }
0x74: {  	_ =	shalt  }
0x75: {  	_ =	shalt  }
0x76: {  	_ =	shalt  }
0x77: {  	_ =	shalt  }
0x78: {  	_ =	shalt  }
0x79: {  	_ =	shalt  }
0x7a: {  	_ =	shalt  }
0x7b: {  	_ =	shalt  }
0x7c: {  	_ =	shalt  }
0x7d: {  	_ =	shalt  }
0x7e: {  	_ =	shalt  }
0x7f: {  	_ =	shalt  }
0x80: {  	_ =	shalt  }
0x81: {  	_ =	shalt  }
0x82: {  	_ =	shalt  }
0x83: {  	_ =	shalt  }
0x84: {  	_ =	shalt  }
0x85: {  	_ =	shalt  }
0x86: {  	_ =	shalt  }
0x87: {  	_ =	shalt  }
.Lfunc_end0:
.L_simem_size_0:
called_computation_lowered:
.L_overlay_start_0:
0x88: {  	s2 =	sld [smem:$0x3FD9]  }
0x89: {  	s3 =	sld [smem:$0x3FFE];
	_ =	sdelay $0x1  }
0x8a: {  	s1 =	srdreg.scid  }
0x8b: {  	s0 =	sand.u32 $0x1, s1  }
0x8c: {  	s17 =	sshll.u32 s0, $0xA;
	s2 =	sadd.s32 s3, s2  }
0x8d: {  	s2 =	sadd.s32 s2, s17  }
0x8e: {  	[smem:$0x3FB9] =	sst s2  }
0x8f: {  	_ = 	snop  }
0x90: {  	(tm) =	ssettm $0x1  }
0x91: {  	s18 =	sld [smem:$0x3FFB];
	_ =	sdelay $0x3  }
0x92: {  	_ =	strace s18  }
0x93: {  	s2 =	sld [smem:$0x3FFC];
	_ =	sdelay $0x3  }
0x94: {  	_ =	strace s2  }
0x95: {  	s2 =	sld [smem:$0x3FFD];
	_ =	sdelay $0x3  }
0x96: {  	_ =	strace s2  }
0x97: {  	_ =	strace $0x8FFFFFFF  }
0x98: {  	s19 =	sld [smem:$0x3FDB];
	_ =	sdelay $0x1  }
0x99: {  	s20 =	simm.s32 $_scs_section_size  }
0x9a: {  	s4 =	simm.s32 $_size__tile_overlayer_lowered;
	s5 =	simm.s32 $_tile_overlayer_lowered  }
0x9b: {  	s6 =	simm.s32 $0x1BFF;
	s21 =	sshll.u32 s5, $0x1;
	s3 =	sadd.s32 s20, s19  }
0x9c: {  	s22 =	simm.s32 $0x0;
	s4 =	sshll.u32 s4, $0x1;
	s5 =	sadd.s32 s21, s3  }
0x9d: {  	[timem:s22], [sflag:s6] =	dma.local [hbm:s5], s4  }
0x9e: {  	_ =	swait.ge [sflag:s6], s4  }
0x9f: {  	s4 =	ssub.s32 $0x0, s4;
	[sflag:s6] =	ssyncset.done $0x0  }
0xa0: {  	[sflag:s6] =	ssyncadd.s32 s4;
	_ =	sdelay $0x1  }
0xa1: {  	s23 =	simm.s32 $0x1B8B  }
0xa2: {  	_ =	swait.ge [sflag:s23], $0x1  }
0xa3: {  	[sflag:s23] =	ssyncset.done $0x0  }
0xa4: {  	[sflag:s23] =	ssyncadd.s32 $0xFFFFFFFF  }
0xa5: {  	s4 =	sld [smem:$0x0]  }
0xa6: {  	s5 =	sand.u32 $0xFFFFFFFE, s1  }
0xa7: {  	p0 =	sne.s32 s1, s5  }
0xa8: {  	s5 =	sshll.u32 @p0 s5, $0xE  }
0xa9: {  	s5 =	sadd.s32 @p0 $0x11B8D, s5;
	s6 =	sshll.u32 @p0 s4, $0x11  }
0xaa: {  	s5 =	sor.u32 @p0 s6, s5  }
0xab: {  	[sflag:s5] =	ssyncadd.remote.s32 @p0 $0x1;
	_ =	sdelay $0x1  }
0xac: {  	s5 =	simm.s32 @p0 $0x1B8D  }
0xad: {  	_ =	swait.eq @p0 [sflag:s5], $0x1  }
0xae: {  	[sflag:s5] =	ssyncadd.s32 @p0 $0xFFFFFFFF  }
0xaf: {  	s6 =	sshll.u32 @!p0 s1, $0xE  }
0xb0: {  	s6 =	sor.u32 @!p0 $0x4000, s6;
	s5 =	simm.s32 @!p0 $0x1B8D  }
0xb1: {  	s4 =	sshll.u32 @!p0 s4, $0x11;
	s6 =	sadd.s32 @!p0 $0x11B8D, s6;
	_ =	swait.eq @!p0 [sflag:s5], $0x1  }
0xb2: {  	s4 =	sor.u32 @!p0 s4, s6;
	[sflag:s5] =	ssyncadd.s32 @!p0 $0xFFFFFFFF  }
0xb3: {  	s25 =	simm.s32 $0x1B8E;
	s24 =	sld [smem:$0x3FFE];
	[sflag:s4] =	ssyncadd.remote.s32 @!p0 $0x1  }
0xb4: {  	s26 =	simm.s32 $execute0_lowered;
	[smem:$0x3FD2] =	sst s25  }
0xb5: {  	s5 =	sshll.u32 s26, $0x1;
	_ =	strace $0x80000049;
	[dreg:$0x1] =	wrdreg $0xFFFFFFFF  }
0xb6: {  	s28 =	simm.s32 $_size_execute0_lowered;
	s3 =	sadd.s32 s3, s5;
	[dreg:$0x0] =	wrdreg $0x0  }
0xb7: {  	s5 =	sshll.u32 s28, $0x1;
	[dreg:$0x2] =	wrdreg s3  }
0xb8: {  	[dreg:$0x3] =	wrdreg s5  }
0xb9: {  	[dreg:$0x4] =	wrdreg $0xC0  }
0xba: {  	_ =	task [dreg:s22], $0x5FFFF  }
0xbb: {  	[dreg:$0x1] =	wrdreg $0xFFFFFFFF  }
0xbc: {  	[dreg:$0x0] =	wrdreg $0x60  }
0xbd: {  	[dreg:$0x2] =	wrdreg s24  }
0xbe: {  	[dreg:$0x3] =	wrdreg $0x4F800  }
0xbf: {  	[dreg:$0x4] =	wrdreg $0x9  }
0xc0: {  	_ =	task.clear_ibuf [dreg:s22], $0x5FFFF;
	_ =	strace $0x90000049  }
0xc1: {  	s29 =	simm.s32 $0x9;
	_ =	strace $0x8000004B  }
0xc2: {  	_ =	swait.ge [sflag:s29], $0x1  }
0xc3: {  	[sflag:s29] =	ssyncadd.s32 $0xFFFFFFFF  }
0xc4: {  	_ =	strace $0x9000004B  }
0xc5: {  	_ =	sfence  }
0xc6: {  	s30 =	sld [smem:$0x0];
	_ =	sdelay $0x2  }
0xc7: {  	s31 =	sshll.u32 s1, $0xD;
	s1 =	sshrl.u32 s1, $0x2  }
0xc8: {  	s4 =	sand.u32 $0x4000, s31;
	s1 =	sadd.s32 s1, s30  }
0xc9: {  	s0 =	sor.u32 s4, s0;
	s1 =	sshll.u32 s1, $0x11  }
0xca: {  	s0 =	sor.u32 s1, s0  }
0xcb: {  	s0 =	sadd.s32 $0x8F2B, s0  }
0xcc: {  	[sflag:s0] =	ssyncadd.remote.s32 $0x1  }
0xcd: {  	_ =	sfence.sel $0xFFFF  }
0xce: {  	[dreg:$0x0] =	wrdreg $0xFFFFFFFF;
	(pc) =	sbr.abs _section_cstart, $3  }
0xcf: {  	[dreg:$0x1] =	wrdreg $0xFFFFFFFF  }
0xd0: {  	_ =	task.clear_ibuf [dreg:s22], $0x2FFFF;
	_ =	strace $0x9FFFFFFF  }
0xd1: {  	(tm) =	ssettm $0x7FFFFFFF  }
tec
execute0_lowered:
.L_overlay_start_1:
0x0: {  	(tag) =	ssettag $0x1  }
0x1: {  	s1 =	srdreg.scid;
	s4 =	rddreg [dreg:$0x0]  }
0x2: {  	s0 =	stileid.u32;
	s2 =	rddreg [dreg:$0x1]  }
0x3: {  	s3 =	simm.s32 $0x0;
	s18 =	simm.s32 $0x2780;
	s19 =	simm.s32 $0x50  }
0x4: {  	s22 =	simm.s32 $0x0;
	s6 =	sand.u32 $0x1, s1;
	s1 =	rddreg [dreg:$0x2]  }
0x5: {  	s30 =	sshll.u32 s0, $0x1;
	[smem:$0x7FF] =	sst s3;
	s8 =	smul.u32 $0x4E000, s0  }
0x6: {  	s14 =	sadd.s32 $0x65800, s4;
	s13 =	smul.u32 $0x13800, s0;
	p0 =	sne.s32 s0, $0xF  }
0x7: {  	s20 =	sshll.u32 s0, $0x6;
	s5 =	sor.u32 s6, s30;
	_ =	strace $0x8000004A  }
0x8: {  	s7 =	ssub.s32 $0x2, s6;
	s12 =	smul.u32 $0x138800, s6;
	s20 =	sor.u32 $0x1C01, s20  }
0x9: {  	s5 =	smul.u32 $0x4E2, s5;
	s9 =	sshrl.u32 s7, $0x1;
	s31 =	sshrl.u32 s8, $0x2  }
0xa: {  	s16 =	ssub.s32 s7, s9;
	s13 =	sadd.s32 s13, s12;
	s15 =	sshrl.u32 s12, $0x3  }
0xb: {  	s5 =	sadd.s32 s5, s4;
	s17 =	sshrl.u32 s13, $0x3;
	s15 =	sadd.s32 s14, s15  }
0xc: {  	s13 =	sadd.s32 $0x138000, s2;
	s16 =	smax.u32 s16, $0x1;
	s4 =	sadd.s32 $0x3A00, s5  }
0xd: {  	s5 =	sadd.s32 s31, s2;
	s14 =	sadd.s32 s14, s17;
	s15 =	sadd.s32 $0x27000, s15  }
0xe: {  	s17 =	simm.s32 $0x1;
	s6 =	sadd.s32 $0x2800, s5;
	s7 =	sadd.s32 $0x5000, s5  }
0xf: {  	s8 =	sadd.s32 $0x7800, s5;
	s9 =	sadd.s32 $0xA000, s5;
	s10 =	sadd.s32 $0xC800, s5  }
0x10: {  	v0 =	vimm.f32 $0.0e+00;
	v1 =	vimm.f32 $1.000000000e+00;
	s11 =	sadd.s32 $0xF000, s5;
	s12 =	sadd.s32 $0x11800, s5;
	s21 =	sshrl.u32 s5, $0x3  }
.LBB2_1:
0x11: {  	[tilespmem:s3], [sflag:$0x1] =	stream.linear.gather [hbm4b:s4+s3], $0x2710, $0x38;
	[tilespmem:$0x18800] =	vst v63  }
0x12: {  	_ =	swait.ge [sflag:s17], $0x2710  }
0x13: {  	[sflag:s17] =	ssyncset.done $0x0  }
0x14: {  	s23 =	simm.s32 $0x0;
	s24 =	simm.s32 $0x200;
	[sflag:s17] =	ssyncadd.s32 $0xFFFFD8F0  }
.LBB2_2:
0x15: {  	p1 =	sne.s32 s24, $0x9E00;
	[tilespmem:s23+$0x27F0] =	vst v0  }
0x16: {  	[tilespmem:s23+$0x2780] =	vst v0  }
0x17: {  	[tilespmem:s23+$0x2790] =	vst v0  }
.Ltmp0:
0x18: {  	[tilespmem:s23+$0x27A0] =	vst v0;
	(pc) =	sbr.rel @p1 .LBB2_2-.Ltmp0, $4  }
0x19: {  	[tilespmem:s23+$0x27B0] =	vst v0  }
0x1a: {  	[tilespmem:s23+$0x27C0] =	vst v0  }
0x1b: {  	[tilespmem:s23+$0x27D0] =	vst v0  }
0x1c: {  	[tilespmem:s23+$0x27E0] =	vst v0;
	s23 =	sshra.s32 s24, $0x2;
	s24 =	sadd.s32 $0x200, s24  }
0x1d: {  	[tilespmem:s23+$0x27F0] =	vst v0  }
0x1e: {  	[tilespmem:s23+$0x2780] =	vst v0  }
0x1f: {  	[tilespmem:s23+$0x2790] =	vst v0  }
0x20: {  	[tilespmem:s23+$0x27A0] =	vst v0  }
0x21: {  	[tilespmem:s23+$0x27B0] =	vst v0  }
0x22: {  	[tilespmem:s23+$0x27C0] =	vst v0  }
0x23: {  	[tilespmem:s23+$0x27D0] =	vst v0  }
0x24: {  	[tilespmem:s23+$0x27E0] =	vst v0  }
0x25: {  	[spmem:s5] =	stream.linear.scatter [tilespmem:s18], [sflag:$0x1], $0x2800, $0x38;
	[tilespmem:$0x18800] =	vst v63  }
0x26: {  	_ =	swait.ge [sflag:s17], $0x2800  }
0x27: {  	[sflag:s17] =	ssyncset.done $0x0  }
0x28: {  	[sflag:s17] =	ssyncadd.s32 $0xFFFFD800  }
0x29: {  	[spmem:s6] =	stream.linear.scatter [tilespmem:s18], [sflag:$0x1], $0x2800, $0x38;
	[tilespmem:$0x18800] =	vst v63  }
0x2a: {  	_ =	swait.ge [sflag:s17], $0x2800  }
0x2b: {  	[sflag:s17] =	ssyncset.done $0x0  }
0x2c: {  	[sflag:s17] =	ssyncadd.s32 $0xFFFFD800  }
0x2d: {  	[spmem:s7] =	stream.linear.scatter [tilespmem:s18], [sflag:$0x1], $0x2800, $0x38;
	[tilespmem:$0x18800] =	vst v63  }
0x2e: {  	_ =	swait.ge [sflag:s17], $0x2800  }
0x2f: {  	[sflag:s17] =	ssyncset.done $0x0  }
0x30: {  	[sflag:s17] =	ssyncadd.s32 $0xFFFFD800  }
0x31: {  	[spmem:s8] =	stream.linear.scatter [tilespmem:s18], [sflag:$0x1], $0x2800, $0x38;
	[tilespmem:$0x18800] =	vst v63  }
0x32: {  	_ =	swait.ge [sflag:s17], $0x2800  }
0x33: {  	[sflag:s17] =	ssyncset.done $0x0  }
0x34: {  	[sflag:s17] =	ssyncadd.s32 $0xFFFFD800  }
0x35: {  	[spmem:s9] =	stream.linear.scatter [tilespmem:s18], [sflag:$0x1], $0x2800, $0x38;
	[tilespmem:$0x18800] =	vst v63  }
0x36: {  	_ =	swait.ge [sflag:s17], $0x2800  }
0x37: {  	[sflag:s17] =	ssyncset.done $0x0  }
0x38: {  	[sflag:s17] =	ssyncadd.s32 $0xFFFFD800  }
0x39: {  	[spmem:s10] =	stream.linear.scatter [tilespmem:s18], [sflag:$0x1], $0x2800, $0x38;
	[tilespmem:$0x18800] =	vst v63  }
0x3a: {  	_ =	swait.ge [sflag:s17], $0x2800  }
0x3b: {  	[sflag:s17] =	ssyncset.done $0x0  }
0x3c: {  	[sflag:s17] =	ssyncadd.s32 $0xFFFFD800  }
0x3d: {  	[spmem:s11] =	stream.linear.scatter [tilespmem:s18], [sflag:$0x1], $0x2800, $0x38;
	[tilespmem:$0x18800] =	vst v63  }
0x3e: {  	_ =	swait.ge [sflag:s17], $0x2800  }
0x3f: {  	[sflag:s17] =	ssyncset.done $0x0  }
0x40: {  	[sflag:s17] =	ssyncadd.s32 $0xFFFFD800  }
0x41: {  	[spmem:s12] =	stream.linear.scatter [tilespmem:s18], [sflag:$0x1], $0x2000, $0x38;
	[tilespmem:$0x18800] =	vst v63  }
0x42: {  	_ =	swait.ge [sflag:s17], $0x2000  }
0x43: {  	[sflag:s17] =	ssyncset.done $0x0  }
0x44: {  	s23 =	simm.s32 @!p0 $0x2780;
	[sflag:s17] =	ssyncadd.s32 $0xFFFFE000  }
0x45: {  	[spmem:s13] =	stream.linear.scatter @!p0 [tilespmem:s23], [sflag:$0x1], $0x800, $0x38;
	[tilespmem:$0x18800] =	vst v63  }
0x46: {  	s23 =	simm.s32 @!p0 $0x1  }
0x47: {  	_ =	swait.ge @!p0 [sflag:s23], $0x800  }
0x48: {  	[sflag:s23] =	ssyncset.done @!p0 $0x0  }
0x49: {  	s24 =	simm.s32 $0x200;
	[sflag:s23] =	ssyncadd.s32 @!p0 $0xFFFFF800;
	s23 =	simm.s32 $0x0  }
.LBB2_4:
0x4a: {  	p1 =	sne.s32 s24, $0x9E00;
	[tilespmem:s23+$0x27F0] =	vst v1  }
0x4b: {  	[tilespmem:s23+$0x2780] =	vst v1  }
0x4c: {  	[tilespmem:s23+$0x2790] =	vst v1  }
.Ltmp1:
0x4d: {  	[tilespmem:s23+$0x27A0] =	vst v1;
	(pc) =	sbr.rel @p1 .LBB2_4-.Ltmp1, $4  }
0x4e: {  	[tilespmem:s23+$0x27B0] =	vst v1  }
0x4f: {  	[tilespmem:s23+$0x27C0] =	vst v1  }
0x50: {  	[tilespmem:s23+$0x27D0] =	vst v1  }
0x51: {  	[tilespmem:s23+$0x27E0] =	vst v1;
	s23 =	sshra.s32 s24, $0x2;
	s24 =	sadd.s32 $0x200, s24  }
0x52: {  	[tilespmem:s23+$0x27F0] =	vst v1  }
0x53: {  	[tilespmem:s23+$0x2780] =	vst v1  }
0x54: {  	[tilespmem:s23+$0x2790] =	vst v1  }
0x55: {  	[tilespmem:s23+$0x27A0] =	vst v1  }
0x56: {  	[tilespmem:s23+$0x27B0] =	vst v1  }
0x57: {  	[tilespmem:s23+$0x27C0] =	vst v1  }
0x58: {  	[tilespmem:s23+$0x27D0] =	vst v1  }
0x59: {  	[tilespmem:s23+$0x27E0] =	vst v1  }
0x5a: {  	s31 =	simm.s32 $0x0;
	[bflag:$0x0] =	sbarrier.arrive $0xFFFF  }
0x5b: {  	[spmem:s2] =	stream.indirect.scatter.add.f32 [tilespmem:s18], [sflag:$0x1], $0x80, s31, s19, $0xb8;
	[tilespmem:$0x18800] =	vst v63  }
0x5c: {  	_ =	swait.ge [sflag:s17], $0x2800  }
0x5d: {  	s23 =	simm.s32 $0x140;
	[sflag:s17] =	ssyncset.done $0x0  }
.LBB2_6:
0x5e: {  	s24 =	sshra.s32 s23, $0x2;
	[sflag:s17] =	ssyncadd.s32 $0xFFFFD800;
	p1 =	sne.s32 s23, $0x9B00  }
0x5f: {  	[spmem:s2] =	stream.indirect.scatter.add.f32 [tilespmem:s18], [sflag:$0x1], $0x80, s24, s19, $0xb8;
	[tilespmem:$0x18800] =	vst v63  }
.Ltmp2:
0x60: {  	_ = 	snop;
	(pc) =	sbr.rel @p1 .LBB2_6-.Ltmp2, $4  }
0x61: {  	_ = 	snop  }
0x62: {  	s23 =	sadd.s32 $0x140, s23  }
0x63: {  	_ =	swait.ge [sflag:s17], $0x2800  }
0x64: {  	[sflag:s17] =	ssyncset.done $0x0  }
0x65: {  	[sflag:s17] =	ssyncadd.s32 $0xFFFFD800  }
0x66: {  	[bflag:$0x0] =	sbarrier.arrive $0xFFFF  }
0x67: {  	[hbm:s14], [sflag:s20] =	dma.local [spmem:s21], $0x2700  }
0x68: {  	_ =	swait.ge [sflag:s17], $0x2700  }
0x69: {  	s22 =	sadd.s32 $0x1, s22;
	[sflag:s17] =	ssyncset.done $0x0  }
0x6a: {  	s23 =	sshrl.u32 @!p0 s13, $0x3;
	p1 =	sne.s32 s22, s16;
	[sflag:s17] =	ssyncadd.s32 $0xFFFFD900  }
0x6b: {  	[hbm:s15], [sflag:s20] =	dma.local @!p0 [spmem:s23], $0x100  }
.Ltmp3:
0x6c: {  	_ = 	snop;
	(pc) =	sbr.rel @p1 .LBB2_1-.Ltmp3, $4  }
0x6d: {  	s23 =	simm.s32 @!p0 $0x1  }
0x6e: {  	_ =	swait.ge @!p0 [sflag:s23], $0x100  }
0x6f: {  	[sflag:s23] =	ssyncset.done @!p0 $0x0  }
0x70: {  	[sflag:s23] =	ssyncadd.s32 @!p0 $0xFFFFFF00  }
0x71: {  	_ =	sfence.sel $0x180000  }
0x72: {  	[bflag:$0x0] =	sbarrier.arrive $0xFFFF  }
0x73: {  	p0 =	sne.s32 s0, $0x0;
	_ =	strace $0x9000004A  }
0x74: {  	s0 =	sadd.s32 @!p0 $0x100000, s1;
	[bflag:$0x2] =	sbarrier.arrive $0xFFFF  }
0x75: {  	[sflag:s0] =	ssyncadd.tile.s32 @!p0 $0x1;
	_ =	shalt  }
.Lfunc_end2:
_tile_overlayer_lowered:
.L_overlay_start_2:
0x76: {  	(tag) =	ssettag $0x2  }
0x77: {  	s0 =	rddreg [dreg:$0x0];
	s2 =	stileid.u32  }
0x78: {  	s1 =	rddreg [dreg:$0x1];
	p0 =	sne.s32 s2, $0x0  }
0x79: {  	s3 =	rddreg [dreg:$0x2];
	[bflag:$0x3] =	sbarrier.arrive $0xFFFF;
	s2 =	simm.s32 @!p0 $0x1C01  }
0x7a: {  	[timem:s3], [sflag:s2] =	dma.local @!p0 [hbm:s0], s1  }
0x7b: {  	s0 =	simm.s32 @!p0 $0x1  }
0x7c: {  	_ =	swait.ge @!p0 [sflag:s0], s1  }
0x7d: {  	s1 =	ssub.s32 @!p0 $0x0, s1;
	[sflag:s0] =	ssyncset.done @!p0 $0x0  }
0x7e: {  	[sflag:s0] =	ssyncadd.s32 @!p0 s1  }
0x7f: {  	[bflag:$0x3] =	sbarrier.arrive $0xFFFF  }
0x80: {  	_ =	shalt  }

// kernel: edge_gather.3.cloned.1.call-start
scs
__scs_entry_jumppad:
0x0: {  	(pc) =	sbr.rel $0x88, $3  }
0x1: {  	(tag) =	ssettag $0x0;
	lr =	simm.s32 $0x1  }
0x2: {  	[smem:$0x3F92] =	sst lr;
	_ =	strace $0xD0000000  }
0x3: {  	_ = 	snop  }
0x4: {  	_ = 	snop  }
0x5: {  	_ = 	snop  }
0x6: {  	_ = 	snop  }
0x7: {  	_ = 	snop  }
__scs_overlays_trampoline_lowered:
0x8: {  	[smem:$0x3FA1] =	sst s0  }
0x9: {  	[smem:$0x3FA2] =	sst s1  }
0xa: {  	[smem:$0x3FA3] =	sst s2  }
0xb: {  	[smem:$0x3FA4] =	sst s3  }
0xc: {  	[smem:$0x3FA5] =	sst s4  }
0xd: {  	[smem:$0x3FA6] =	sst s5  }
0xe: {  	[smem:$0x3FA7] =	sst s6  }
0xf: {  	[smem:$0x3FA8] =	sst s7  }
0x10: {  	[smem:$0x3FA9] =	sst s8  }
0x11: {  	[smem:$0x3FAA] =	sst s9;
	s0 =	simm.s32 @!p0 $0x0  }
0x12: {  	s1 =	sld [smem:$0x3F90];
	s0 =	simm.s32 @p0 $0x1  }
0x13: {  	[smem:$0x3FAB] =	sst s0;
	s0 =	simm.s32 @!p1 $0x0  }
0x14: {  	s2 =	sld [smem:$0x3F8F];
	s0 =	simm.s32 @p1 $0x1  }
0x15: {  	[smem:$0x3FAC] =	sst s0;
	s0 =	simm.s32 @!p2 $0x0  }
0x16: {  	s3 =	sld [smem:$0x3FDB];
	s0 =	simm.s32 @p2 $0x1  }
0x17: {  	s4 =	simm.s32 $0x1BF5;
	[smem:$0x3FAE] =	sst s0  }
0x18: {  	s0 =	sld [smem:$0x3F91];
	_ =	swait.ge [sflag:s4], $0x0  }
0x19: {  	s7 =	sld [smem:$0x3F92]  }
0x1a: {  	s8 =	sadd.s32 $0xFFFFE003, lr  }
0x1b: {  	s9 =	sadd.s32 $0xFFFFFEF7, lr;
	s5 =	simm.s32 $0xFFFFFFFF;
	p2 =	slt.u32 s8, $0xFFFFF086  }
0x1c: {  	p1 =	slt.u32 s9, $0xF7A;
	s5 =	simm.s32 @!p2 $0x0  }
0x1d: {  	s5 =	simm.s32 @p1 $0x1;
	p0 =	seq.s32 s7, s2  }
0x1e: {  	s7 =	smul.u32 @!p0 $0xF7A, s2;
	p2 =	seq.s32 @!p0 s5, $0x0  }
0x1f: {  	s9 =	smul.u32 $0xF7A, s1;
	s8 =	simm.s32 @!p0 $0x1BF5;
	p2 =	por !p2, p0  }
0x20: {  	[sflag:s8] =	ssyncset.s32 @!p0 $0xFFFFF086;
	s6 =	sadd.s32 @!p0 s3, s7;
	s7 =	simm.s32 @!p0 $0x108  }
0x21: {  	s3 =	sadd.s32 s3, s9;
	s6 =	sadd.s32 @!p0 $0x88, s6;
	s7 =	simm.s32 @p2 $0x1082  }
0x22: {  	[simem:s7], [sflag:s8] =	dma.local @!p0 [hbm:s6], $0xF7A  }
0x23: {  	s9 =	sor.u32 $0xD0000000, s2;
	s6 =	simm.s32 $0x108;
	_ =	swait.ge @!p0 [sflag:s8], $0x0  }
0x24: {  	s3 =	sadd.s32 $0x88, s3;
	s6 =	simm.s32 @!p1 $0x1082;
	[sflag:s4] =	ssyncset.s32 $0xFFFFF086  }
0x25: {  	[simem:s6], [sflag:s4] =	dma.local [hbm:s3], $0xF7A  }
0x26: {  	[smem:$0x3F92] =	sst s1;
	(tag) =	ssettag s2;
	_ =	strace s9  }
0x27: {  	s1 =	sld [smem:$0x3FA2]  }
0x28: {  	s2 =	sld [smem:$0x3FA3]  }
0x29: {  	s4 =	sld [smem:$0x3FA5]  }
0x2a: {  	p0 =	seq.s32 s5, $0x0;
	s5 =	sld [smem:$0x3FA6]  }
0x2b: {  	s6 =	sld [smem:$0x3FA7]  }
0x2c: {  	s7 =	sld [smem:$0x3FA8]  }
0x2d: {  	s3 =	simm.s32 $0x108;
	s8 =	sld [smem:$0x3FA9]  }
0x2e: {  	s3 =	simm.s32 @!p0 $0x1082;
	s9 =	sld [smem:$0x3FAA]  }
0x2f: {  	lr =	sadd.s32 s0, s3;
	s0 =	sld [smem:$0x3FA1]  }
0x30: {  	s3 =	sld [smem:$0x3FA4]  }
0x31: {  	[smem:$0x3FAD] =	sst s10  }
0x32: {  	s10 =	sld [smem:$0x3FAB];
	_ =	sdelay $0x3  }
0x33: {  	p0 =	seq.s32 s10, $0x1;
	s10 =	sld [smem:$0x3FAD];
	_ =	sdelay $0x3  }
0x34: {  	[smem:$0x3FAD] =	sst s10  }
0x35: {  	s10 =	sld [smem:$0x3FAC];
	_ =	sdelay $0x3  }
0x36: {  	p1 =	seq.s32 s10, $0x1;
	s10 =	sld [smem:$0x3FAD];
	_ =	sdelay $0x3  }
0x37: {  	[smem:$0x3FAD] =	sst s10  }
0x38: {  	s10 =	sld [smem:$0x3FAE]  }
0x39: {  	_ = 	snop;
	(pc) =	sbr.ind lr, $3  }
0x3a: {  	_ = 	snop  }
0x3b: {  	_ = 	snop  }
0x3c: {  	p2 =	seq.s32 s10, $0x1;
	s10 =	sld [smem:$0x3FAD]  }
0x3d: {  	_ =	shalt  }
0x3e: {  	_ =	shalt  }
0x3f: {  	_ =	shalt  }
0x40: {  	_ =	shalt  }
0x41: {  	_ =	shalt  }
0x42: {  	_ =	shalt  }
0x43: {  	_ =	shalt  }
0x44: {  	_ =	shalt  }
0x45: {  	_ =	shalt  }
0x46: {  	_ =	shalt  }
0x47: {  	_ =	shalt  }
0x48: {  	_ =	shalt  }
0x49: {  	_ =	shalt  }
0x4a: {  	_ =	shalt  }
0x4b: {  	_ =	shalt  }
0x4c: {  	_ =	shalt  }
0x4d: {  	_ =	shalt  }
0x4e: {  	_ =	shalt  }
0x4f: {  	_ =	shalt  }
0x50: {  	_ =	shalt  }
0x51: {  	_ =	shalt  }
0x52: {  	_ =	shalt  }
0x53: {  	_ =	shalt  }
0x54: {  	_ =	shalt  }
0x55: {  	_ =	shalt  }
0x56: {  	_ =	shalt  }
0x57: {  	_ =	shalt  }
0x58: {  	_ =	shalt  }
0x59: {  	_ =	shalt  }
0x5a: {  	_ =	shalt  }
0x5b: {  	_ =	shalt  }
0x5c: {  	_ =	shalt  }
0x5d: {  	_ =	shalt  }
0x5e: {  	_ =	shalt  }
0x5f: {  	_ =	shalt  }
0x60: {  	_ =	shalt  }
0x61: {  	_ =	shalt  }
0x62: {  	_ =	shalt  }
0x63: {  	_ =	shalt  }
0x64: {  	_ =	shalt  }
0x65: {  	_ =	shalt  }
0x66: {  	_ =	shalt  }
0x67: {  	_ =	shalt  }
0x68: {  	_ =	shalt  }
0x69: {  	_ =	shalt  }
0x6a: {  	_ =	shalt  }
0x6b: {  	_ =	shalt  }
0x6c: {  	_ =	shalt  }
0x6d: {  	_ =	shalt  }
0x6e: {  	_ =	shalt  }
0x6f: {  	_ =	shalt  }
0x70: {  	_ =	shalt  }
0x71: {  	_ =	shalt  }
0x72: {  	_ =	shalt  }
0x73: {  	_ =	shalt  }
0x74: {  	_ =	shalt  }
0x75: {  	_ =	shalt  }
0x76: {  	_ =	shalt  }
0x77: {  	_ =	shalt  }
0x78: {  	_ =	shalt  }
0x79: {  	_ =	shalt  }
0x7a: {  	_ =	shalt  }
0x7b: {  	_ =	shalt  }
0x7c: {  	_ =	shalt  }
0x7d: {  	_ =	shalt  }
0x7e: {  	_ =	shalt  }
0x7f: {  	_ =	shalt  }
0x80: {  	_ =	shalt  }
0x81: {  	_ =	shalt  }
0x82: {  	_ =	shalt  }
0x83: {  	_ =	shalt  }
0x84: {  	_ =	shalt  }
0x85: {  	_ =	shalt  }
0x86: {  	_ =	shalt  }
0x87: {  	_ =	shalt  }
.Lfunc_end0:
.L_simem_size_0:
called_computation.3_lowered:
.L_overlay_start_0:
0x88: {  	s2 =	sld [smem:$0x3FD9]  }
0x89: {  	s3 =	sld [smem:$0x3FFE];
	_ =	sdelay $0x1  }
0x8a: {  	s1 =	srdreg.scid  }
0x8b: {  	s0 =	sand.u32 $0x1, s1  }
0x8c: {  	s17 =	sshll.u32 s0, $0xA;
	s2 =	sadd.s32 s3, s2  }
0x8d: {  	s2 =	sadd.s32 s2, s17  }
0x8e: {  	[smem:$0x3FB9] =	sst s2  }
0x8f: {  	_ = 	snop  }
0x90: {  	s2 =	sld [smem:$0x3FD0];
	(tm) =	ssettm $0x1  }
0x91: {  	s18 =	sld [smem:$0x3FFB];
	_ =	sdelay $0x3  }
0x92: {  	_ =	strace s18  }
0x93: {  	s3 =	sld [smem:$0x3FFC];
	_ =	sdelay $0x3  }
0x94: {  	_ =	strace s3  }
0x95: {  	s3 =	sld [smem:$0x3FFD];
	_ =	sdelay $0x3  }
0x96: {  	_ =	strace s3  }
0x97: {  	_ =	strace $0x8FFFFFFF  }
0x98: {  	s19 =	sld [smem:$0x3FDB];
	_ =	sdelay $0x1  }
0x99: {  	s4 =	simm.s32 $_scs_section_size  }
0x9a: {  	s5 =	simm.s32 $_size__tile_overlayer_lowered;
	s6 =	simm.s32 $_tile_overlayer_lowered  }
0x9b: {  	s22 =	simm.s32 $0x1BFF;
	s21 =	sshll.u32 s6, $0x1;
	s3 =	sadd.s32 s4, s19  }
0x9c: {  	s7 =	simm.s32 $0x0;
	s20 =	sshll.u32 s5, $0x1;
	s5 =	sadd.s32 s21, s3  }
0x9d: {  	[timem:s7], [sflag:s22] =	dma.local [hbm:s5], s20  }
0x9e: {  	_ =	swait.ge [sflag:s22], s20  }
0x9f: {  	s4 =	ssub.s32 $0x0, s20;
	[sflag:s22] =	ssyncset.done $0x0  }
0xa0: {  	[sflag:s22] =	ssyncadd.s32 s4;
	_ =	sdelay $0x1  }
0xa1: {  	s23 =	simm.s32 $0x1B8B  }
0xa2: {  	_ =	swait.ge [sflag:s23], $0x1  }
0xa3: {  	[sflag:s23] =	ssyncset.done $0x0  }
0xa4: {  	s25 =	simm.s32 $0x1B8E;
	s24 =	sld [smem:$0x3FFE];
	[sflag:s23] =	ssyncadd.s32 $0xFFFFFFFF  }
0xa5: {  	s26 =	simm.s32 $execute0_lowered;
	[smem:$0x3FD2] =	sst s25  }
0xa6: {  	s5 =	sshll.u32 s26, $0x1;
	_ =	strace $0x8000004F;
	[dreg:$0x1] =	wrdreg $0xFFFFFFFF  }
0xa7: {  	s28 =	simm.s32 $_size_execute0_lowered;
	s3 =	sadd.s32 s3, s5;
	[dreg:$0x0] =	wrdreg $0x0  }
0xa8: {  	s5 =	sshll.u32 s28, $0x1;
	[dreg:$0x2] =	wrdreg s3  }
0xa9: {  	[dreg:$0x3] =	wrdreg s5  }
0xaa: {  	[dreg:$0x4] =	wrdreg $0xC0  }
0xab: {  	_ =	task [dreg:s7], $0x5FFFF  }
0xac: {  	[dreg:$0x1] =	wrdreg $0xFFFFFFFF  }
0xad: {  	[dreg:$0x0] =	wrdreg $0x60  }
0xae: {  	[dreg:$0x2] =	wrdreg s2  }
0xaf: {  	[dreg:$0x3] =	wrdreg s24  }
0xb0: {  	[dreg:$0x4] =	wrdreg $0x9  }
0xb1: {  	_ =	task.clear_ibuf [dreg:s7], $0x5FFFF;
	_ =	strace $0x9000004F  }
0xb2: {  	s29 =	simm.s32 $0x9;
	_ =	strace $0x80000051  }
0xb3: {  	_ =	swait.ge [sflag:s29], $0x1  }
0xb4: {  	[sflag:s29] =	ssyncadd.s32 $0xFFFFFFFF  }
0xb5: {  	_ =	strace $0x90000051  }
0xb6: {  	_ =	sfence  }
0xb7: {  	s30 =	sld [smem:$0x0];
	_ =	sdelay $0x2  }
0xb8: {  	s31 =	sshll.u32 s1, $0xD;
	s1 =	sshrl.u32 s1, $0x2  }
0xb9: {  	s3 =	sand.u32 $0x4000, s31;
	s1 =	sadd.s32 s1, s30  }
0xba: {  	s0 =	sor.u32 s3, s0;
	s1 =	sshll.u32 s1, $0x11  }
0xbb: {  	s0 =	sor.u32 s1, s0  }
0xbc: {  	s0 =	sadd.s32 $0x8F2B, s0  }
0xbd: {  	[sflag:s0] =	ssyncadd.remote.s32 $0x1  }
0xbe: {  	_ =	sfence.sel $0xFFFF  }
0xbf: {  	[dreg:$0x0] =	wrdreg $0xFFFFFFFF;
	(pc) =	sbr.abs _section_cstart, $3  }
0xc0: {  	[dreg:$0x1] =	wrdreg $0xFFFFFFFF  }
0xc1: {  	_ =	task.clear_ibuf [dreg:s7], $0x2FFFF;
	_ =	strace $0x9FFFFFFF  }
0xc2: {  	(tm) =	ssettm $0x7FFFFFFF  }
0xc3: {  	_ =	shalt  }
tec
execute0_lowered:
.L_overlay_start_1:
0x0: {  	(tag) =	ssettag $0x1  }
0x1: {  	s1 =	srdreg.scid;
	s2 =	rddreg [dreg:$0x0]  }
0x2: {  	s0 =	stileid.u32;
	s5 =	rddreg [dreg:$0x1]  }
0x3: {  	s3 =	simm.s32 $0x0;
	s15 =	simm.s32 $0x4F00;
	s16 =	simm.s32 $0x9F00  }
0x4: {  	s17 =	simm.s32 $0x7700;
	s18 =	simm.s32 $0xC700;
	s19 =	simm.s32 $0x1  }
0x5: {  	s20 =	simm.s32 $0x4;
	s21 =	simm.s32 $0x2;
	s22 =	simm.s32 $0x0  }
0x6: {  	s7 =	sand.u32 $0x1, s1;
	s26 =	sshll.u32 s0, $0x1;
	s1 =	rddreg [dreg:$0x2]  }
0x7: {  	[smem:$0x7FF] =	sst s3;
	s10 =	sadd.s32 $0x3E800, s5;
	s28 =	smul.u32 $0x4E200, s0  }
0x8: {  	s13 =	sadd.s32 $0x520800, s5;
	s6 =	sor.u32 s7, s26;
	s14 =	smul.u32 $0x27100, s7  }
0x9: {  	_ =	strace $0x80000050;
	s9 =	ssub.s32 $0x2, s7;
	s4 =	smul.u32 $0x2710, s6  }
0xa: {  	s11 =	sshrl.u32 s9, $0x1;
	s12 =	smul.u32 $0x27100, s6;
	s30 =	sadd.s32 s28, s10  }
0xb: {  	s9 =	ssub.s32 s9, s11;
	s31 =	sadd.s32 s14, s30;
	s11 =	sadd.s32 s28, s13  }
0xc: {  	s8 =	sshrl.u32 s4, $0x3;
	s4 =	sadd.s32 $0x17600, s5;
	s7 =	smax.u32 s9, $0x1  }
0xd: {  	s29 =	sadd.s32 $0x26C00, s12;
	s11 =	sadd.s32 s14, s11;
	s12 =	simm.s32 $0x3  }
0xe: {  	s14 =	simm.s32 $0x50;
	s8 =	sadd.s32 s8, s5;
	s9 =	sadd.s32 s13, s29  }
0xf: {  	s11 =	sadd.s32 $0x500, s11;
	s13 =	simm.s32 $0x2780;
	s5 =	sadd.s32 $0xD800, s8  }
0x10: {  	s6 =	sadd.s32 $0x3A00, s8;
	s8 =	sadd.s32 s10, s29;
	s10 =	sadd.s32 $0x500, s31  }
.LBB2_1:
0x11: {  	[tilespmem:s3], [sflag:$0x3] =	stream.linear.gather [hbm4b:s5+s3], $0x2710, $0x38;
	[tilespmem:$0xEF00] =	vst v63  }
0x12: {  	_ =	swait.ge [sflag:s12], $0x2710  }
0x13: {  	[sflag:s12] =	ssyncset.done $0x0  }
0x14: {  	[sflag:s12] =	ssyncadd.s32 $0xFFFFD8F0  }
0x15: {  	[tilespmem:s13], [sflag:$0x3] =	stream.linear.gather [hbm4b:s6+s3], $0x2710, $0x38;
	[tilespmem:$0xEF00] =	vst v63  }
0x16: {  	_ =	swait.ge [sflag:s12], $0x2710  }
0x17: {  	[sflag:s12] =	ssyncset.done $0x0  }
0x18: {  	[sflag:s12] =	ssyncadd.s32 $0xFFFFD8F0  }
0x19: {  	[tilespmem:s15], [sflag:$0x1] =	stream.indirect.gather [hbm4b:s2+s14], $0x80, s3, s14, $0xb8;
	[tilespmem:$0xEF00] =	vst v63  }
0x1a: {  	_ = 	snop  }
0x1b: {  	[tilespmem:s16], [sflag:$0x1] =	stream.indirect.gather [hbm4b:s4+s14], $0x80, s13, s14, $0xb8;
	[tilespmem:$0xEF00] =	vst v63  }
0x1c: {  	s23 =	simm.s32 $0x50  }
0x1d: {  	[tilespmem:s17], [sflag:$0x2] =	stream.indirect.gather [hbm4b:s2+s14], $0x80, s23, s14, $0xb8;
	[tilespmem:$0xEF00] =	vst v63  }
0x1e: {  	s25 =	simm.s32 $0x27D0  }
0x1f: {  	[tilespmem:s18], [sflag:$0x2] =	stream.indirect.gather [hbm4b:s4+s14], $0x80, s25, s14, $0xb8;
	[tilespmem:$0xEF00] =	vst v63  }
0x20: {  	_ =	swait.ge [sflag:s19], $0x2800  }
0x21: {  	[sflag:s19] =	ssyncset.done $0x0  }
0x22: {  	[sflag:s19] =	ssyncadd.s32 $0xFFFFD800  }
0x23: {  	_ =	swait.ge [sflag:s19], $0x2800  }
0x24: {  	[sflag:s19] =	ssyncset.done $0x0  }
0x25: {  	s26 =	sadd.s32 $0xFFFFFB00, s10;
	[sflag:s19] =	ssyncadd.s32 $0xFFFFD800  }
0x26: {  	[hbm4b:s26+s3] =	stream.linear.scatter [tilespmem:s15], [sflag:$0x4], $0x2800, $0x38;
	[tilespmem:$0xEF00] =	vst v63  }
0x27: {  	_ =	swait.ge [sflag:s20], $0x2800  }
0x28: {  	[sflag:s20] =	ssyncset.done $0x0  }
0x29: {  	s28 =	sadd.s32 $0xFFFFFB00, s11;
	[sflag:s20] =	ssyncadd.s32 $0xFFFFD800  }
0x2a: {  	[hbm4b:s28+s3] =	stream.linear.scatter [tilespmem:s16], [sflag:$0x4], $0x2800, $0x38;
	[tilespmem:$0xEF00] =	vst v63  }
0x2b: {  	_ =	swait.ge [sflag:s20], $0x2800  }
0x2c: {  	[sflag:s20] =	ssyncset.done $0x0  }
0x2d: {  	s30 =	simm.s32 $0xA0;
	[sflag:s20] =	ssyncadd.s32 $0xFFFFD800  }
0x2e: {  	[tilespmem:s15], [sflag:$0x1] =	stream.indirect.gather [hbm4b:s2+s14], $0x80, s30, s14, $0xb8;
	[tilespmem:$0xEF00] =	vst v63  }
0x2f: {  	s31 =	simm.s32 $0x2820  }
0x30: {  	[tilespmem:s16], [sflag:$0x1] =	stream.indirect.gather [hbm4b:s4+s14], $0x80, s31, s14, $0xb8;
	[tilespmem:$0xEF00] =	vst v63  }
0x31: {  	_ =	swait.ge [sflag:s21], $0x2800  }
0x32: {  	[sflag:s21] =	ssyncset.done $0x0  }
0x33: {  	[sflag:s21] =	ssyncadd.s32 $0xFFFFD800  }
0x34: {  	_ =	swait.ge [sflag:s21], $0x2800  }
0x35: {  	[sflag:s21] =	ssyncset.done $0x0  }
0x36: {  	[sflag:s21] =	ssyncadd.s32 $0xFFFFD800  }
0x37: {  	[hbm4b:s10+s3] =	stream.linear.scatter [tilespmem:s17], [sflag:$0x4], $0x2800, $0x38;
	[tilespmem:$0xEF00] =	vst v63  }
0x38: {  	_ =	swait.ge [sflag:s20], $0x2800  }
0x39: {  	[sflag:s20] =	ssyncset.done $0x0  }
0x3a: {  	[sflag:s20] =	ssyncadd.s32 $0xFFFFD800  }
0x3b: {  	[hbm4b:s11+s3] =	stream.linear.scatter [tilespmem:s18], [sflag:$0x3], $0x2800, $0x38;
	[tilespmem:$0xEF00] =	vst v63  }
0x3c: {  	s29 =	simm.s32 $0x500;
	s24 =	sadd.s32 $0xA00, s10;
	_ =	swait.ge [sflag:s12], $0x2800  }
0x3d: {  	s23 =	sadd.s32 $0xA00, s11;
	s25 =	simm.s32 $0xA0;
	[sflag:s12] =	ssyncset.done $0x0  }
.LBB2_2:
0x3e: {  	s30 =	sadd.s32 $0x50, s25  }
0x3f: {  	[sflag:s12] =	ssyncadd.s32 $0xFFFFD800;
	s28 =	smov.u32 s29;
	s26 =	sadd.s32 $0x280, s29  }
0x40: {  	[tilespmem:s17], [sflag:$0x2] =	stream.indirect.gather [hbm4b:s2+s14], $0x80, s30, s14, $0xb8;
	[tilespmem:$0xEF00] =	vst v63  }
0x41: {  	p0 =	sne.s32 s29, $0x9880;
	s29 =	sadd.s32 $0x27D0, s25  }
0x42: {  	[tilespmem:s18], [sflag:$0x2] =	stream.indirect.gather [hbm4b:s4+s14], $0x80, s29, s14, $0xb8;
	[tilespmem:$0xEF00] =	vst v63  }
0x43: {  	_ =	swait.ge [sflag:s19], $0x2800  }
0x44: {  	[sflag:s19] =	ssyncset.done $0x0  }
0x45: {  	[sflag:s19] =	ssyncadd.s32 $0xFFFFD800  }
0x46: {  	_ =	swait.ge [sflag:s19], $0x2800  }
0x47: {  	[sflag:s19] =	ssyncset.done $0x0  }
0x48: {  	s29 =	sadd.s32 $0xFFFFFB00, s24;
	[sflag:s19] =	ssyncadd.s32 $0xFFFFD800  }
0x49: {  	[hbm4b:s29+s3] =	stream.linear.scatter [tilespmem:s15], [sflag:$0x4], $0x2800, $0x38;
	[tilespmem:$0xEF00] =	vst v63  }
0x4a: {  	_ =	swait.ge [sflag:s20], $0x2800  }
0x4b: {  	[sflag:s20] =	ssyncset.done $0x0  }
0x4c: {  	s29 =	sadd.s32 $0xFFFFFB00, s23;
	[sflag:s20] =	ssyncadd.s32 $0xFFFFD800  }
0x4d: {  	[hbm4b:s29+s3] =	stream.linear.scatter [tilespmem:s16], [sflag:$0x4], $0x2800, $0x38;
	[tilespmem:$0xEF00] =	vst v63  }
0x4e: {  	_ =	swait.ge [sflag:s20], $0x2800  }
0x4f: {  	[sflag:s20] =	ssyncset.done $0x0  }
0x50: {  	s29 =	sadd.s32 $0xA0, s25;
	[sflag:s20] =	ssyncadd.s32 $0xFFFFD800  }
0x51: {  	[tilespmem:s15], [sflag:$0x1] =	stream.indirect.gather [hbm4b:s2+s14], $0x80, s29, s14, $0xb8;
	[tilespmem:$0xEF00] =	vst v63  }
0x52: {  	s25 =	sadd.s32 $0x2820, s25  }
0x53: {  	[tilespmem:s16], [sflag:$0x1] =	stream.indirect.gather [hbm4b:s4+s14], $0x80, s25, s14, $0xb8;
	[tilespmem:$0xEF00] =	vst v63  }
0x54: {  	_ =	swait.ge [sflag:s21], $0x2800  }
0x55: {  	[sflag:s21] =	ssyncset.done $0x0  }
0x56: {  	[sflag:s21] =	ssyncadd.s32 $0xFFFFD800  }
0x57: {  	_ =	swait.ge [sflag:s21], $0x2800  }
0x58: {  	[sflag:s21] =	ssyncset.done $0x0  }
0x59: {  	[sflag:s21] =	ssyncadd.s32 $0xFFFFD800  }
0x5a: {  	[hbm4b:s24+s3] =	stream.linear.scatter [tilespmem:s17], [sflag:$0x4], $0x2800, $0x38;
	[tilespmem:$0xEF00] =	vst v63  }
0x5b: {  	_ =	swait.ge [sflag:s20], $0x2800  }
.Ltmp0:
0x5c: {  	[sflag:s20] =	ssyncset.done $0x0;
	(pc) =	sbr.rel @p0 .LBB2_2-.Ltmp0, $4  }
0x5d: {  	[sflag:s20] =	ssyncadd.s32 $0xFFFFD800  }
0x5e: {  	[hbm4b:s23+s3] =	stream.linear.scatter [tilespmem:s18], [sflag:$0x3], $0x2800, $0x38;
	[tilespmem:$0xEF00] =	vst v63  }
0x5f: {  	s29 =	smov.u32 s26;
	s23 =	sadd.s32 $0xA00, s23;
	_ =	swait.ge [sflag:s12], $0x2800  }
0x60: {  	s25 =	sshra.s32 s28, $0x2;
	s24 =	sadd.s32 $0xA00, s24;
	[sflag:s12] =	ssyncset.done $0x0  }
0x61: {  	s26 =	sadd.s32 $0x50, s25;
	[sflag:s12] =	ssyncadd.s32 $0xFFFFD800  }
0x62: {  	[tilespmem:s17], [sflag:$0x2] =	stream.indirect.gather [hbm4b:s2+s14], $0x80, s26, s14, $0xb8;
	[tilespmem:$0xEF00] =	vst v63  }
0x63: {  	s31 =	sadd.s32 $0x27D0, s25  }
0x64: {  	[tilespmem:s18], [sflag:$0x2] =	stream.indirect.gather [hbm4b:s4+s14], $0x80, s31, s14, $0xb8;
	[tilespmem:$0xEF00] =	vst v63  }
0x65: {  	_ =	swait.ge [sflag:s19], $0x2800  }
0x66: {  	[sflag:s19] =	ssyncset.done $0x0  }
0x67: {  	[sflag:s19] =	ssyncadd.s32 $0xFFFFD800  }
0x68: {  	_ =	swait.ge [sflag:s19], $0x2800  }
0x69: {  	[sflag:s19] =	ssyncset.done $0x0  }
0x6a: {  	s28 =	sadd.s32 $0xFFFFFB00, s24;
	[sflag:s19] =	ssyncadd.s32 $0xFFFFD800  }
0x6b: {  	[hbm4b:s28+s3] =	stream.linear.scatter [tilespmem:s15], [sflag:$0x4], $0x2800, $0x38;
	[tilespmem:$0xEF00] =	vst v63  }
0x6c: {  	_ =	swait.ge [sflag:s20], $0x2800  }
0x6d: {  	[sflag:s20] =	ssyncset.done $0x0  }
0x6e: {  	s29 =	sadd.s32 $0xFFFFFB00, s23;
	[sflag:s20] =	ssyncadd.s32 $0xFFFFD800  }
0x6f: {  	[hbm4b:s29+s3] =	stream.linear.scatter [tilespmem:s16], [sflag:$0x4], $0x2800, $0x38;
	[tilespmem:$0xEF00] =	vst v63  }
0x70: {  	_ =	swait.ge [sflag:s20], $0x2800  }
0x71: {  	[sflag:s20] =	ssyncset.done $0x0  }
0x72: {  	s30 =	sadd.s32 $0xA0, s25;
	[sflag:s20] =	ssyncadd.s32 $0xFFFFD800  }
0x73: {  	[tilespmem:s15], [sflag:$0x1] =	stream.indirect.gather [hbm4b:s2+s14], $0x80, s30, s14, $0xb8;
	[tilespmem:$0xEF00] =	vst v63  }
0x74: {  	s31 =	sadd.s32 $0x2820, s25  }
0x75: {  	[tilespmem:s16], [sflag:$0x1] =	stream.indirect.gather [hbm4b:s4+s14], $0x80, s31, s14, $0xb8;
	[tilespmem:$0xEF00] =	vst v63  }
0x76: {  	_ =	swait.ge [sflag:s21], $0x2800  }
0x77: {  	[sflag:s21] =	ssyncset.done $0x0  }
0x78: {  	[sflag:s21] =	ssyncadd.s32 $0xFFFFD800  }
0x79: {  	_ =	swait.ge [sflag:s21], $0x2800  }
0x7a: {  	[sflag:s21] =	ssyncset.done $0x0  }
0x7b: {  	[sflag:s21] =	ssyncadd.s32 $0xFFFFD800  }
0x7c: {  	[hbm4b:s24+s3] =	stream.linear.scatter [tilespmem:s17], [sflag:$0x4], $0x2800, $0x38;
	[tilespmem:$0xEF00] =	vst v63  }
0x7d: {  	_ =	swait.ge [sflag:s20], $0x2800  }
0x7e: {  	[sflag:s20] =	ssyncset.done $0x0  }
0x7f: {  	[sflag:s20] =	ssyncadd.s32 $0xFFFFD800  }
0x80: {  	[hbm4b:s23+s3] =	stream.linear.scatter [tilespmem:s18], [sflag:$0x3], $0x2800, $0x38;
	[tilespmem:$0xEF00] =	vst v63  }
0x81: {  	_ =	swait.ge [sflag:s12], $0x2800  }
0x82: {  	[sflag:s12] =	ssyncset.done $0x0  }
0x83: {  	[sflag:s12] =	ssyncadd.s32 $0xFFFFD800  }
0x84: {  	_ =	swait.ge [sflag:s19], $0x2800  }
0x85: {  	[sflag:s19] =	ssyncset.done $0x0  }
0x86: {  	[sflag:s19] =	ssyncadd.s32 $0xFFFFD800  }
0x87: {  	_ =	swait.ge [sflag:s19], $0x2800  }
0x88: {  	[sflag:s19] =	ssyncset.done $0x0  }
0x89: {  	[sflag:s19] =	ssyncadd.s32 $0xFFFFD800  }
0x8a: {  	[hbm4b:s8+s3] =	stream.linear.scatter [tilespmem:s15], [sflag:$0x4], $0x2800, $0x38;
	[tilespmem:$0xEF00] =	vst v63  }
0x8b: {  	s22 =	sadd.s32 $0x1, s22;
	_ =	swait.ge [sflag:s20], $0x2800  }
0x8c: {  	p0 =	sne.s32 s22, s7;
	[sflag:s20] =	ssyncset.done $0x0  }
.Ltmp1:
0x8d: {  	[sflag:s20] =	ssyncadd.s32 $0xFFFFD800;
	(pc) =	sbr.rel @p0 .LBB2_1-.Ltmp1, $4  }
0x8e: {  	[hbm4b:s9+s3] =	stream.linear.scatter [tilespmem:s16], [sflag:$0x4], $0x2800, $0x38;
	[tilespmem:$0xEF00] =	vst v63  }
0x8f: {  	_ =	swait.ge [sflag:s20], $0x2800  }
0x90: {  	[sflag:s20] =	ssyncset.done $0x0  }
0x91: {  	[sflag:s20] =	ssyncadd.s32 $0xFFFFD800  }
0x92: {  	_ =	sfence.sel $0x180000  }
0x93: {  	[bflag:$0x0] =	sbarrier.arrive $0xFFFF  }
0x94: {  	p0 =	sne.s32 s0, $0x0;
	_ =	strace $0x90000050  }
0x95: {  	s0 =	sadd.s32 @!p0 $0x100000, s1;
	[bflag:$0x2] =	sbarrier.arrive $0xFFFF  }
0x96: {  	[sflag:s0] =	ssyncadd.tile.s32 @!p0 $0x1;
	_ =	shalt  }
.Lfunc_end2:
_tile_overlayer_lowered:
.L_overlay_start_2:
0x97: {  	(tag) =	ssettag $0x2  }
0x98: {  	s0 =	rddreg [dreg:$0x0];
	s2 =	stileid.u32  }
0x99: {  	s1 =	rddreg [dreg:$0x1];
	p0 =	sne.s32 s2, $0x0  }
0x9a: {  	s3 =	rddreg [dreg:$0x2];
	[bflag:$0x3] =	sbarrier.arrive $0xFFFF;
	s2 =	simm.s32 @!p0 $0x1C03  }
0x9b: {  	[timem:s3], [sflag:s2] =	dma.local @!p0 [hbm:s0], s1  }
0x9c: {  	s0 =	simm.s32 @!p0 $0x3  }
0x9d: {  	_ =	swait.ge @!p0 [sflag:s0], s1  }
0x9e: {  	s1 =	ssub.s32 @!p0 $0x0, s1;
	[sflag:s0] =	ssyncset.done @!p0 $0x0  }
0x9f: {  	[sflag:s0] =	ssyncadd.s32 @!p0 s1  }
0xa0: {  	[bflag:$0x3] =	sbarrier.arrive $0xFFFF  }
0xa1: {  	_ =	shalt  }

// kernel: seg_sum.4.cloned.1.call-start
scs
__scs_entry_jumppad:
0x0: {  	(pc) =	sbr.rel $0x88, $3  }
0x1: {  	(tag) =	ssettag $0x0;
	lr =	simm.s32 $0x1  }
0x2: {  	[smem:$0x3F92] =	sst lr;
	_ =	strace $0xD0000000  }
0x3: {  	_ = 	snop  }
0x4: {  	_ = 	snop  }
0x5: {  	_ = 	snop  }
0x6: {  	_ = 	snop  }
0x7: {  	_ = 	snop  }
__scs_overlays_trampoline_lowered:
0x8: {  	[smem:$0x3FA1] =	sst s0  }
0x9: {  	[smem:$0x3FA2] =	sst s1  }
0xa: {  	[smem:$0x3FA3] =	sst s2  }
0xb: {  	[smem:$0x3FA4] =	sst s3  }
0xc: {  	[smem:$0x3FA5] =	sst s4  }
0xd: {  	[smem:$0x3FA6] =	sst s5  }
0xe: {  	[smem:$0x3FA7] =	sst s6  }
0xf: {  	[smem:$0x3FA8] =	sst s7  }
0x10: {  	[smem:$0x3FA9] =	sst s8  }
0x11: {  	[smem:$0x3FAA] =	sst s9;
	s0 =	simm.s32 @!p0 $0x0  }
0x12: {  	s1 =	sld [smem:$0x3F90];
	s0 =	simm.s32 @p0 $0x1  }
0x13: {  	[smem:$0x3FAB] =	sst s0;
	s0 =	simm.s32 @!p1 $0x0  }
0x14: {  	s2 =	sld [smem:$0x3F8F];
	s0 =	simm.s32 @p1 $0x1  }
0x15: {  	[smem:$0x3FAC] =	sst s0;
	s0 =	simm.s32 @!p2 $0x0  }
0x16: {  	s3 =	sld [smem:$0x3FDB];
	s0 =	simm.s32 @p2 $0x1  }
0x17: {  	s4 =	simm.s32 $0x1BF5;
	[smem:$0x3FAE] =	sst s0  }
0x18: {  	s0 =	sld [smem:$0x3F91];
	_ =	swait.ge [sflag:s4], $0x0  }
0x19: {  	s7 =	sld [smem:$0x3F92]  }
0x1a: {  	s8 =	sadd.s32 $0xFFFFE003, lr  }
0x1b: {  	s9 =	sadd.s32 $0xFFFFFEF7, lr;
	s5 =	simm.s32 $0xFFFFFFFF;
	p2 =	slt.u32 s8, $0xFFFFF086  }
0x1c: {  	p1 =	slt.u32 s9, $0xF7A;
	s5 =	simm.s32 @!p2 $0x0  }
0x1d: {  	s5 =	simm.s32 @p1 $0x1;
	p0 =	seq.s32 s7, s2  }
0x1e: {  	s7 =	smul.u32 @!p0 $0xF7A, s2;
	p2 =	seq.s32 @!p0 s5, $0x0  }
0x1f: {  	s9 =	smul.u32 $0xF7A, s1;
	s8 =	simm.s32 @!p0 $0x1BF5;
	p2 =	por !p2, p0  }
0x20: {  	[sflag:s8] =	ssyncset.s32 @!p0 $0xFFFFF086;
	s6 =	sadd.s32 @!p0 s3, s7;
	s7 =	simm.s32 @!p0 $0x108  }
0x21: {  	s3 =	sadd.s32 s3, s9;
	s6 =	sadd.s32 @!p0 $0x88, s6;
	s7 =	simm.s32 @p2 $0x1082  }
0x22: {  	[simem:s7], [sflag:s8] =	dma.local @!p0 [hbm:s6], $0xF7A  }
0x23: {  	s9 =	sor.u32 $0xD0000000, s2;
	s6 =	simm.s32 $0x108;
	_ =	swait.ge @!p0 [sflag:s8], $0x0  }
0x24: {  	s3 =	sadd.s32 $0x88, s3;
	s6 =	simm.s32 @!p1 $0x1082;
	[sflag:s4] =	ssyncset.s32 $0xFFFFF086  }
0x25: {  	[simem:s6], [sflag:s4] =	dma.local [hbm:s3], $0xF7A  }
0x26: {  	[smem:$0x3F92] =	sst s1;
	(tag) =	ssettag s2;
	_ =	strace s9  }
0x27: {  	s1 =	sld [smem:$0x3FA2]  }
0x28: {  	s2 =	sld [smem:$0x3FA3]  }
0x29: {  	s4 =	sld [smem:$0x3FA5]  }
0x2a: {  	p0 =	seq.s32 s5, $0x0;
	s5 =	sld [smem:$0x3FA6]  }
0x2b: {  	s6 =	sld [smem:$0x3FA7]  }
0x2c: {  	s7 =	sld [smem:$0x3FA8]  }
0x2d: {  	s3 =	simm.s32 $0x108;
	s8 =	sld [smem:$0x3FA9]  }
0x2e: {  	s3 =	simm.s32 @!p0 $0x1082;
	s9 =	sld [smem:$0x3FAA]  }
0x2f: {  	lr =	sadd.s32 s0, s3;
	s0 =	sld [smem:$0x3FA1]  }
0x30: {  	s3 =	sld [smem:$0x3FA4]  }
0x31: {  	[smem:$0x3FAD] =	sst s10  }
0x32: {  	s10 =	sld [smem:$0x3FAB];
	_ =	sdelay $0x3  }
0x33: {  	p0 =	seq.s32 s10, $0x1;
	s10 =	sld [smem:$0x3FAD];
	_ =	sdelay $0x3  }
0x34: {  	[smem:$0x3FAD] =	sst s10  }
0x35: {  	s10 =	sld [smem:$0x3FAC];
	_ =	sdelay $0x3  }
0x36: {  	p1 =	seq.s32 s10, $0x1;
	s10 =	sld [smem:$0x3FAD];
	_ =	sdelay $0x3  }
0x37: {  	[smem:$0x3FAD] =	sst s10  }
0x38: {  	s10 =	sld [smem:$0x3FAE]  }
0x39: {  	_ = 	snop;
	(pc) =	sbr.ind lr, $3  }
0x3a: {  	_ = 	snop  }
0x3b: {  	_ = 	snop  }
0x3c: {  	p2 =	seq.s32 s10, $0x1;
	s10 =	sld [smem:$0x3FAD]  }
0x3d: {  	_ =	shalt  }
0x3e: {  	_ =	shalt  }
0x3f: {  	_ =	shalt  }
0x40: {  	_ =	shalt  }
0x41: {  	_ =	shalt  }
0x42: {  	_ =	shalt  }
0x43: {  	_ =	shalt  }
0x44: {  	_ =	shalt  }
0x45: {  	_ =	shalt  }
0x46: {  	_ =	shalt  }
0x47: {  	_ =	shalt  }
0x48: {  	_ =	shalt  }
0x49: {  	_ =	shalt  }
0x4a: {  	_ =	shalt  }
0x4b: {  	_ =	shalt  }
0x4c: {  	_ =	shalt  }
0x4d: {  	_ =	shalt  }
0x4e: {  	_ =	shalt  }
0x4f: {  	_ =	shalt  }
0x50: {  	_ =	shalt  }
0x51: {  	_ =	shalt  }
0x52: {  	_ =	shalt  }
0x53: {  	_ =	shalt  }
0x54: {  	_ =	shalt  }
0x55: {  	_ =	shalt  }
0x56: {  	_ =	shalt  }
0x57: {  	_ =	shalt  }
0x58: {  	_ =	shalt  }
0x59: {  	_ =	shalt  }
0x5a: {  	_ =	shalt  }
0x5b: {  	_ =	shalt  }
0x5c: {  	_ =	shalt  }
0x5d: {  	_ =	shalt  }
0x5e: {  	_ =	shalt  }
0x5f: {  	_ =	shalt  }
0x60: {  	_ =	shalt  }
0x61: {  	_ =	shalt  }
0x62: {  	_ =	shalt  }
0x63: {  	_ =	shalt  }
0x64: {  	_ =	shalt  }
0x65: {  	_ =	shalt  }
0x66: {  	_ =	shalt  }
0x67: {  	_ =	shalt  }
0x68: {  	_ =	shalt  }
0x69: {  	_ =	shalt  }
0x6a: {  	_ =	shalt  }
0x6b: {  	_ =	shalt  }
0x6c: {  	_ =	shalt  }
0x6d: {  	_ =	shalt  }
0x6e: {  	_ =	shalt  }
0x6f: {  	_ =	shalt  }
0x70: {  	_ =	shalt  }
0x71: {  	_ =	shalt  }
0x72: {  	_ =	shalt  }
0x73: {  	_ =	shalt  }
0x74: {  	_ =	shalt  }
0x75: {  	_ =	shalt  }
0x76: {  	_ =	shalt  }
0x77: {  	_ =	shalt  }
0x78: {  	_ =	shalt  }
0x79: {  	_ =	shalt  }
0x7a: {  	_ =	shalt  }
0x7b: {  	_ =	shalt  }
0x7c: {  	_ =	shalt  }
0x7d: {  	_ =	shalt  }
0x7e: {  	_ =	shalt  }
0x7f: {  	_ =	shalt  }
0x80: {  	_ =	shalt  }
0x81: {  	_ =	shalt  }
0x82: {  	_ =	shalt  }
0x83: {  	_ =	shalt  }
0x84: {  	_ =	shalt  }
0x85: {  	_ =	shalt  }
0x86: {  	_ =	shalt  }
0x87: {  	_ =	shalt  }
.Lfunc_end0:
.L_simem_size_0:
called_computation.1_lowered:
.L_overlay_start_0:
0x88: {  	s2 =	sld [smem:$0x3FD9]  }
0x89: {  	s3 =	sld [smem:$0x3FFE];
	_ =	sdelay $0x1  }
0x8a: {  	s1 =	srdreg.scid  }
0x8b: {  	s0 =	sand.u32 $0x1, s1  }
0x8c: {  	s17 =	sshll.u32 s0, $0xA;
	s2 =	sadd.s32 s3, s2  }
0x8d: {  	s2 =	sadd.s32 s2, s17  }
0x8e: {  	[smem:$0x3FB9] =	sst s2  }
0x8f: {  	_ = 	snop  }
0x90: {  	s2 =	sld [smem:$0x3FC9];
	(tm) =	ssettm $0x1  }
0x91: {  	s18 =	sld [smem:$0x3FFB];
	_ =	sdelay $0x3  }
0x92: {  	_ =	strace s18  }
0x93: {  	s3 =	sld [smem:$0x3FFC];
	_ =	sdelay $0x3  }
0x94: {  	_ =	strace s3  }
0x95: {  	s3 =	sld [smem:$0x3FFD];
	_ =	sdelay $0x3  }
0x96: {  	_ =	strace s3  }
0x97: {  	_ =	strace $0x8FFFFFFF  }
0x98: {  	s19 =	sld [smem:$0x3FDB];
	_ =	sdelay $0x1  }
0x99: {  	s4 =	simm.s32 $_scs_section_size  }
0x9a: {  	s5 =	simm.s32 $_size__tile_overlayer_lowered;
	s6 =	simm.s32 $_tile_overlayer_lowered  }
0x9b: {  	s22 =	simm.s32 $0x1BFF;
	s21 =	sshll.u32 s6, $0x1;
	s3 =	sadd.s32 s4, s19  }
0x9c: {  	s7 =	simm.s32 $0x0;
	s20 =	sshll.u32 s5, $0x1;
	s5 =	sadd.s32 s21, s3  }
0x9d: {  	[timem:s7], [sflag:s22] =	dma.local [hbm:s5], s20  }
0x9e: {  	_ =	swait.ge [sflag:s22], s20  }
0x9f: {  	s4 =	ssub.s32 $0x0, s20;
	[sflag:s22] =	ssyncset.done $0x0  }
0xa0: {  	[sflag:s22] =	ssyncadd.s32 s4;
	_ =	sdelay $0x1  }
0xa1: {  	s23 =	simm.s32 $0x1B8B  }
0xa2: {  	_ =	swait.ge [sflag:s23], $0x1  }
0xa3: {  	[sflag:s23] =	ssyncset.done $0x0  }
0xa4: {  	s25 =	simm.s32 $0x1B8E;
	s24 =	sld [smem:$0x3FFE];
	[sflag:s23] =	ssyncadd.s32 $0xFFFFFFFF  }
0xa5: {  	s26 =	simm.s32 $execute0_lowered;
	[smem:$0x3FD2] =	sst s25  }
0xa6: {  	s5 =	sshll.u32 s26, $0x1;
	_ =	strace $0x80000046;
	[dreg:$0x1] =	wrdreg $0xFFFFFFFF  }
0xa7: {  	s28 =	simm.s32 $_size_execute0_lowered;
	s3 =	sadd.s32 s3, s5;
	[dreg:$0x0] =	wrdreg $0x0  }
0xa8: {  	s5 =	sshll.u32 s28, $0x1;
	[dreg:$0x2] =	wrdreg s3  }
0xa9: {  	[dreg:$0x3] =	wrdreg s5  }
0xaa: {  	[dreg:$0x4] =	wrdreg $0xC0  }
0xab: {  	_ =	task [dreg:s7], $0x5FFFF  }
0xac: {  	[dreg:$0x1] =	wrdreg $0xFFFFFFFF  }
0xad: {  	[dreg:$0x0] =	wrdreg $0x60  }
0xae: {  	[dreg:$0x2] =	wrdreg s2  }
0xaf: {  	[dreg:$0x3] =	wrdreg s24  }
0xb0: {  	[dreg:$0x4] =	wrdreg $0x9F000  }
0xb1: {  	[dreg:$0x5] =	wrdreg $0xA  }
0xb2: {  	_ =	task.clear_ibuf [dreg:s7], $0x6FFFF;
	_ =	strace $0x90000046  }
0xb3: {  	s29 =	simm.s32 $0xA;
	_ =	strace $0x80000048  }
0xb4: {  	_ =	swait.ge [sflag:s29], $0x1  }
0xb5: {  	[sflag:s29] =	ssyncadd.s32 $0xFFFFFFFF  }
0xb6: {  	_ =	strace $0x90000048  }
0xb7: {  	_ =	sfence  }
0xb8: {  	s30 =	sld [smem:$0x0];
	_ =	sdelay $0x2  }
0xb9: {  	s31 =	sshll.u32 s1, $0xD;
	s1 =	sshrl.u32 s1, $0x2  }
0xba: {  	s3 =	sand.u32 $0x4000, s31;
	s1 =	sadd.s32 s1, s30  }
0xbb: {  	s0 =	sor.u32 s3, s0;
	s1 =	sshll.u32 s1, $0x11  }
0xbc: {  	s0 =	sor.u32 s1, s0  }
0xbd: {  	s0 =	sadd.s32 $0x8F2B, s0  }
0xbe: {  	[sflag:s0] =	ssyncadd.remote.s32 $0x1  }
0xbf: {  	_ =	sfence.sel $0xFFFF  }
0xc0: {  	[dreg:$0x0] =	wrdreg $0xFFFFFFFF;
	(pc) =	sbr.abs _section_cstart, $3  }
0xc1: {  	[dreg:$0x1] =	wrdreg $0xFFFFFFFF  }
0xc2: {  	_ =	task.clear_ibuf [dreg:s7], $0x2FFFF;
	_ =	strace $0x9FFFFFFF  }
0xc3: {  	(tm) =	ssettm $0x7FFFFFFF  }
tec
execute0_lowered:
.L_overlay_start_1:
0x0: {  	(tag) =	ssettag $0x1  }
0x1: {  	s1 =	rddreg [dreg:$0x0]  }
0x2: {  	s5 =	rddreg [dreg:$0x1]  }
0x3: {  	s2 =	srdreg.scid;
	s0 =	stileid.u32  }
0x4: {  	s3 =	rddreg [dreg:$0x2];
	s4 =	simm.s32 $0x0;
	s21 =	simm.s32 $0x4F00  }
0x5: {  	s22 =	simm.s32 $0x50;
	s23 =	simm.s32 $0x7700;
	s24 =	simm.s32 $0x1  }
0x6: {  	s25 =	simm.s32 $0x4;
	s26 =	simm.s32 $0x2;
	s28 =	simm.s32 $0x4E40  }
0x7: {  	s29 =	simm.s32 $0x0;
	s8 =	sand.u32 $0x1, s2;
	s6 =	sshll.u32 s0, $0x1  }
0x8: {  	[smem:$0x7FF] =	sst s4;
	s9 =	smul.u32 $0x4E000, s0;
	s16 =	sadd.s32 $0x17600, s5  }
0x9: {  	s15 =	smul.u32 $0x13800, s0;
	p0 =	sne.s32 s0, $0xF;
	s6 =	sor.u32 s8, s6  }
0xa: {  	_ =	strace $0x80000047;
	s7 =	ssub.s32 $0x2, s8;
	s14 =	smul.u32 $0x138800, s8  }
0xb: {  	s6 =	smul.u32 $0x4E2, s6;
	s30 =	sshrl.u32 s7, $0x1;
	s31 =	sshrl.u32 s9, $0x2  }
0xc: {  	s18 =	ssub.s32 s7, s30;
	s7 =	sadd.s32 s31, s3;
	s15 =	sadd.s32 s15, s14  }
0xd: {  	s17 =	sshrl.u32 s14, $0x3;
	s6 =	sadd.s32 s6, s5;
	s8 =	sadd.s32 $0x2800, s7  }
0xe: {  	s9 =	sadd.s32 $0x5000, s7;
	s10 =	sadd.s32 $0x7800, s7;
	s11 =	sadd.s32 $0xA000, s7  }
0xf: {  	s12 =	sadd.s32 $0xC800, s7;
	s13 =	sadd.s32 $0xF000, s7;
	s14 =	sadd.s32 $0x11800, s7  }
0x10: {  	s19 =	sshrl.u32 s15, $0x3;
	s17 =	sadd.s32 s16, s17;
	s15 =	sadd.s32 $0x138000, s3  }
0x11: {  	s18 =	smax.u32 s18, $0x1;
	s5 =	sadd.s32 $0xD800, s6;
	s6 =	sadd.s32 $0x3A00, s6  }
0x12: {  	v0 =	vimm.f32 $0.0e+00;
	s16 =	sadd.s32 s16, s19;
	s17 =	sadd.s32 $0x27000, s17;
	s19 =	simm.s32 $0x3  }
.LBB2_1:
0x13: {  	[tilespmem:s4], [sflag:$0x3] =	stream.linear.gather [hbm4b:s5+s4], $0x2710, $0x38;
	[tilespmem:$0x1D780] =	vst v63  }
0x14: {  	_ =	swait.ge [sflag:s19], $0x2710  }
0x15: {  	[sflag:s19] =	ssyncset.done $0x0  }
0x16: {  	s0 =	simm.s32 $0x2780;
	[sflag:s19] =	ssyncadd.s32 $0xFFFFD8F0  }
0x17: {  	[tilespmem:s0], [sflag:$0x3] =	stream.linear.gather [hbm4b:s6+s4], $0x2710, $0x38;
	[tilespmem:$0x1D780] =	vst v63  }
0x18: {  	_ =	swait.ge [sflag:s19], $0x2710  }
0x19: {  	[sflag:s19] =	ssyncset.done $0x0  }
0x1a: {  	s30 =	simm.s32 $0x0;
	s31 =	simm.s32 $0x200;
	[sflag:s19] =	ssyncadd.s32 $0xFFFFD8F0  }
.LBB2_2:
0x1b: {  	p1 =	sne.s32 s31, $0x9E00;
	[tilespmem:s30+$0x4F70] =	vst v0  }
0x1c: {  	[tilespmem:s30+$0x4F00] =	vst v0  }
0x1d: {  	[tilespmem:s30+$0x4F10] =	vst v0  }
.Ltmp0:
0x1e: {  	[tilespmem:s30+$0x4F20] =	vst v0;
	(pc) =	sbr.rel @p1 .LBB2_2-.Ltmp0, $4  }
0x1f: {  	[tilespmem:s30+$0x4F30] =	vst v0  }
0x20: {  	[tilespmem:s30+$0x4F40] =	vst v0  }
0x21: {  	[tilespmem:s30+$0x4F50] =	vst v0  }
0x22: {  	[tilespmem:s30+$0x4F60] =	vst v0;
	s30 =	sshra.s32 s31, $0x2;
	s31 =	sadd.s32 $0x200, s31  }
0x23: {  	[tilespmem:s30+$0x4F70] =	vst v0  }
0x24: {  	[tilespmem:s30+$0x4F00] =	vst v0  }
0x25: {  	[tilespmem:s30+$0x4F10] =	vst v0  }
0x26: {  	[tilespmem:s30+$0x4F20] =	vst v0  }
0x27: {  	[tilespmem:s30+$0x4F30] =	vst v0  }
0x28: {  	[tilespmem:s30+$0x4F40] =	vst v0  }
0x29: {  	[tilespmem:s30+$0x4F50] =	vst v0  }
0x2a: {  	[tilespmem:s30+$0x4F60] =	vst v0  }
0x2b: {  	[spmem:s7] =	stream.linear.scatter [tilespmem:s21], [sflag:$0x3], $0x2800, $0x38;
	[tilespmem:$0x1D780] =	vst v63  }
0x2c: {  	_ =	swait.ge [sflag:s19], $0x2800  }
0x2d: {  	[sflag:s19] =	ssyncset.done $0x0  }
0x2e: {  	[sflag:s19] =	ssyncadd.s32 $0xFFFFD800  }
0x2f: {  	[spmem:s8] =	stream.linear.scatter [tilespmem:s21], [sflag:$0x3], $0x2800, $0x38;
	[tilespmem:$0x1D780] =	vst v63  }
0x30: {  	_ =	swait.ge [sflag:s19], $0x2800  }
0x31: {  	[sflag:s19] =	ssyncset.done $0x0  }
0x32: {  	[sflag:s19] =	ssyncadd.s32 $0xFFFFD800  }
0x33: {  	[spmem:s9] =	stream.linear.scatter [tilespmem:s21], [sflag:$0x3], $0x2800, $0x38;
	[tilespmem:$0x1D780] =	vst v63  }
0x34: {  	_ =	swait.ge [sflag:s19], $0x2800  }
0x35: {  	[sflag:s19] =	ssyncset.done $0x0  }
0x36: {  	[sflag:s19] =	ssyncadd.s32 $0xFFFFD800  }
0x37: {  	[spmem:s10] =	stream.linear.scatter [tilespmem:s21], [sflag:$0x3], $0x2800, $0x38;
	[tilespmem:$0x1D780] =	vst v63  }
0x38: {  	_ =	swait.ge [sflag:s19], $0x2800  }
0x39: {  	[sflag:s19] =	ssyncset.done $0x0  }
0x3a: {  	[sflag:s19] =	ssyncadd.s32 $0xFFFFD800  }
0x3b: {  	[spmem:s11] =	stream.linear.scatter [tilespmem:s21], [sflag:$0x3], $0x2800, $0x38;
	[tilespmem:$0x1D780] =	vst v63  }
0x3c: {  	_ =	swait.ge [sflag:s19], $0x2800  }
0x3d: {  	[sflag:s19] =	ssyncset.done $0x0  }
0x3e: {  	[sflag:s19] =	ssyncadd.s32 $0xFFFFD800  }
0x3f: {  	[spmem:s12] =	stream.linear.scatter [tilespmem:s21], [sflag:$0x3], $0x2800, $0x38;
	[tilespmem:$0x1D780] =	vst v63  }
0x40: {  	_ =	swait.ge [sflag:s19], $0x2800  }
0x41: {  	[sflag:s19] =	ssyncset.done $0x0  }
0x42: {  	[sflag:s19] =	ssyncadd.s32 $0xFFFFD800  }
0x43: {  	[spmem:s13] =	stream.linear.scatter [tilespmem:s21], [sflag:$0x3], $0x2800, $0x38;
	[tilespmem:$0x1D780] =	vst v63  }
0x44: {  	_ =	swait.ge [sflag:s19], $0x2800  }
0x45: {  	[sflag:s19] =	ssyncset.done $0x0  }
0x46: {  	[sflag:s19] =	ssyncadd.s32 $0xFFFFD800  }
0x47: {  	[spmem:s14] =	stream.linear.scatter [tilespmem:s21], [sflag:$0x3], $0x2000, $0x38;
	[tilespmem:$0x1D780] =	vst v63  }
0x48: {  	_ =	swait.ge [sflag:s19], $0x2000  }
0x49: {  	[sflag:s19] =	ssyncset.done $0x0  }
0x4a: {  	s30 =	simm.s32 @!p0 $0x4F00;
	[sflag:s19] =	ssyncadd.s32 $0xFFFFE000  }
0x4b: {  	[spmem:s15] =	stream.linear.scatter @!p0 [tilespmem:s30], [sflag:$0x3], $0x800, $0x38;
	[tilespmem:$0x1D780] =	vst v63  }
0x4c: {  	s30 =	simm.s32 @!p0 $0x3  }
0x4d: {  	_ =	swait.ge @!p0 [sflag:s30], $0x800  }
0x4e: {  	[sflag:s30] =	ssyncset.done @!p0 $0x0  }
0x4f: {  	[sflag:s30] =	ssyncadd.s32 @!p0 $0xFFFFF800  }
0x50: {  	s30 =	simm.s32 $0x0;
	[bflag:$0x0] =	sbarrier.arrive $0xFFFF  }
0x51: {  	[tilespmem:s21], [sflag:$0x1] =	stream.indirect.gather [hbm4b:s1+s22], $0x80, s30, s22, $0xb8;
	[tilespmem:$0x1D780] =	vst v63  }
0x52: {  	s30 =	simm.s32 $0x50  }
0x53: {  	[tilespmem:s23], [sflag:$0x2] =	stream.indirect.gather [hbm4b:s1+s22], $0x80, s30, s22, $0xb8;
	[tilespmem:$0x1D780] =	vst v63  }
0x54: {  	_ =	swait.ge [sflag:s24], $0x2800  }
0x55: {  	[sflag:s24] =	ssyncset.done $0x0  }
0x56: {  	s30 =	simm.s32 $0x2780;
	[sflag:s24] =	ssyncadd.s32 $0xFFFFD800  }
0x57: {  	[spmem:s3] =	stream.indirect.scatter.add.f32 [tilespmem:s21], [sflag:$0x4], $0x80, s30, s22, $0xb8;
	[tilespmem:$0x1D780] =	vst v63  }
0x58: {  	_ =	swait.ge [sflag:s25], $0x2800  }
0x59: {  	[sflag:s25] =	ssyncset.done $0x0  }
0x5a: {  	s30 =	simm.s32 $0xA0;
	[sflag:s25] =	ssyncadd.s32 $0xFFFFD800  }
0x5b: {  	[tilespmem:s21], [sflag:$0x1] =	stream.indirect.gather [hbm4b:s1+s22], $0x80, s30, s22, $0xb8;
	[tilespmem:$0x1D780] =	vst v63  }
0x5c: {  	_ =	swait.ge [sflag:s26], $0x2800  }
0x5d: {  	[sflag:s26] =	ssyncset.done $0x0  }
0x5e: {  	s30 =	simm.s32 $0x27D0;
	[sflag:s26] =	ssyncadd.s32 $0xFFFFD800  }
0x5f: {  	[spmem:s3] =	stream.indirect.scatter.add.f32 [tilespmem:s23], [sflag:$0x3], $0x80, s30, s22, $0xb8;
	[tilespmem:$0x1D780] =	vst v63  }
0x60: {  	_ =	swait.ge [sflag:s19], $0x2800  }
0x61: {  	s31 =	simm.s32 $0x500;
	s30 =	simm.s32 $0xA0;
	[sflag:s19] =	ssyncset.done $0x0  }
.LBB2_4:
0x62: {  	s2 =	sadd.s32 $0x50, s30  }
0x63: {  	[sflag:s19] =	ssyncadd.s32 $0xFFFFD800;
	s0 =	smov.u32 s31;
	s20 =	sadd.s32 $0x280, s31  }
0x64: {  	[tilespmem:s23], [sflag:$0x2] =	stream.indirect.gather [hbm4b:s1+s22], $0x80, s2, s22, $0xb8;
	[tilespmem:$0x1D780] =	vst v63  }
0x65: {  	p1 =	sne.s32 s31, $0x9880;
	_ =	swait.ge [sflag:s24], $0x2800  }
0x66: {  	[sflag:s24] =	ssyncset.done $0x0  }
0x67: {  	s2 =	sadd.s32 $0x2780, s30;
	[sflag:s24] =	ssyncadd.s32 $0xFFFFD800  }
0x68: {  	[spmem:s3] =	stream.indirect.scatter.add.f32 [tilespmem:s21], [sflag:$0x4], $0x80, s2, s22, $0xb8;
	[tilespmem:$0x1D780] =	vst v63  }
0x69: {  	_ =	swait.ge [sflag:s25], $0x2800  }
0x6a: {  	[sflag:s25] =	ssyncset.done $0x0  }
0x6b: {  	s2 =	sadd.s32 $0xA0, s30;
	[sflag:s25] =	ssyncadd.s32 $0xFFFFD800  }
0x6c: {  	[tilespmem:s21], [sflag:$0x1] =	stream.indirect.gather [hbm4b:s1+s22], $0x80, s2, s22, $0xb8;
	[tilespmem:$0x1D780] =	vst v63  }
0x6d: {  	_ =	swait.ge [sflag:s26], $0x2800  }
.Ltmp1:
0x6e: {  	[sflag:s26] =	ssyncset.done $0x0;
	(pc) =	sbr.rel @p1 .LBB2_4-.Ltmp1, $4  }
0x6f: {  	s2 =	sadd.s32 $0x27D0, s30;
	[sflag:s26] =	ssyncadd.s32 $0xFFFFD800  }
0x70: {  	[spmem:s3] =	stream.indirect.scatter.add.f32 [tilespmem:s23], [sflag:$0x3], $0x80, s2, s22, $0xb8;
	[tilespmem:$0x1D780] =	vst v63  }
0x71: {  	_ =	swait.ge [sflag:s19], $0x2800  }
0x72: {  	s31 =	smov.u32 s20;
	s30 =	sshra.s32 s0, $0x2;
	[sflag:s19] =	ssyncset.done $0x0  }
0x73: {  	s0 =	sadd.s32 $0x50, s30;
	[sflag:s19] =	ssyncadd.s32 $0xFFFFD800  }
0x74: {  	[tilespmem:s23], [sflag:$0x2] =	stream.indirect.gather [hbm4b:s1+s22], $0x80, s0, s22, $0xb8;
	[tilespmem:$0x1D780] =	vst v63  }
0x75: {  	_ =	swait.ge [sflag:s24], $0x2800  }
0x76: {  	[sflag:s24] =	ssyncset.done $0x0  }
0x77: {  	s2 =	sadd.s32 $0x2780, s30;
	[sflag:s24] =	ssyncadd.s32 $0xFFFFD800  }
0x78: {  	[spmem:s3] =	stream.indirect.scatter.add.f32 [tilespmem:s21], [sflag:$0x4], $0x80, s2, s22, $0xb8;
	[tilespmem:$0x1D780] =	vst v63  }
0x79: {  	_ =	swait.ge [sflag:s25], $0x2800  }
0x7a: {  	[sflag:s25] =	ssyncset.done $0x0  }
0x7b: {  	s20 =	sadd.s32 $0xA0, s30;
	[sflag:s25] =	ssyncadd.s32 $0xFFFFD800  }
0x7c: {  	[tilespmem:s21], [sflag:$0x1] =	stream.indirect.gather [hbm4b:s1+s22], $0x80, s20, s22, $0xb8;
	[tilespmem:$0x1D780] =	vst v63  }
0x7d: {  	_ =	swait.ge [sflag:s26], $0x2800  }
0x7e: {  	[sflag:s26] =	ssyncset.done $0x0  }
0x7f: {  	s30 =	sadd.s32 $0x27D0, s30;
	[sflag:s26] =	ssyncadd.s32 $0xFFFFD800  }
0x80: {  	[spmem:s3] =	stream.indirect.scatter.add.f32 [tilespmem:s23], [sflag:$0x3], $0x80, s30, s22, $0xb8;
	[tilespmem:$0x1D780] =	vst v63  }
0x81: {  	_ =	swait.ge [sflag:s19], $0x2800  }
0x82: {  	[sflag:s19] =	ssyncset.done $0x0  }
0x83: {  	[sflag:s19] =	ssyncadd.s32 $0xFFFFD800  }
0x84: {  	_ =	swait.ge [sflag:s24], $0x2800  }
0x85: {  	[sflag:s24] =	ssyncset.done $0x0  }
0x86: {  	[sflag:s24] =	ssyncadd.s32 $0xFFFFD800  }
0x87: {  	[spmem:s3] =	stream.indirect.scatter.add.f32 [tilespmem:s21], [sflag:$0x4], $0x80, s28, s22, $0xb8;
	[tilespmem:$0x1D780] =	vst v63  }
0x88: {  	_ =	swait.ge [sflag:s25], $0x2800  }
0x89: {  	s31 =	stileid.u32;
	[sflag:s25] =	ssyncset.done $0x0  }
0x8a: {  	s0 =	sshll.u32 s31, $0x6;
	[sflag:s25] =	ssyncadd.s32 $0xFFFFD800  }
0x8b: {  	s0 =	sor.u32 $0x1C03, s0;
	s2 =	sshrl.u32 s7, $0x3;
	[bflag:$0x0] =	sbarrier.arrive $0xFFFF  }
0x8c: {  	[hbm:s16], [sflag:s0] =	dma.local [spmem:s2], $0x2700  }
0x8d: {  	_ =	swait.ge [sflag:s19], $0x2700  }
0x8e: {  	s29 =	sadd.s32 $0x1, s29;
	[sflag:s19] =	ssyncset.done $0x0  }
0x8f: {  	p1 =	sne.s32 s29, s18;
	s2 =	sshrl.u32 @!p0 s15, $0x3;
	[sflag:s19] =	ssyncadd.s32 $0xFFFFD900  }
0x90: {  	[hbm:s17], [sflag:s0] =	dma.local @!p0 [spmem:s2], $0x100  }
.Ltmp2:
0x91: {  	_ = 	snop;
	(pc) =	sbr.rel @p1 .LBB2_1-.Ltmp2, $4  }
0x92: {  	s0 =	simm.s32 @!p0 $0x3  }
0x93: {  	_ =	swait.ge @!p0 [sflag:s0], $0x100  }
0x94: {  	[sflag:s0] =	ssyncset.done @!p0 $0x0  }
0x95: {  	[sflag:s0] =	ssyncadd.s32 @!p0 $0xFFFFFF00  }
0x96: {  	_ =	sfence.sel $0x180000  }
0x97: {  	[bflag:$0x0] =	sbarrier.arrive $0xFFFF  }
0x98: {  	_ =	strace $0x90000047  }
0x99: {  	s0 =	stileid.u32;
	[bflag:$0x2] =	sbarrier.arrive $0xFFFF  }
0x9a: {  	p0 =	sne.s32 s0, $0x0;
	s0 =	rddreg [dreg:$0x3]  }
0x9b: {  	s0 =	sadd.s32 @!p0 $0x100000, s0  }
0x9c: {  	[sflag:s0] =	ssyncadd.tile.s32 @!p0 $0x1;
	_ =	shalt  }
.Lfunc_end2:
_tile_overlayer_lowered:
.L_overlay_start_2:
0x9d: {  	(tag) =	ssettag $0x2  }
0x9e: {  	s0 =	rddreg [dreg:$0x0];
	s2 =	stileid.u32  }
0x9f: {  	s1 =	rddreg [dreg:$0x1];
	p0 =	sne.s32 s2, $0x0  }
0xa0: {  	s3 =	rddreg [dreg:$0x2];
	[bflag:$0x3] =	sbarrier.arrive $0xFFFF;
	s2 =	simm.s32 @!p0 $0x1C03  }
0xa1: {  	[timem:s3], [sflag:s2] =	dma.local @!p0 [hbm:s0], s1  }
0xa2: {  	s0 =	simm.s32 @!p0 $0x3  }
0xa3: {  	_ =	swait.ge @!p0 [sflag:s0], s1  }
0xa4: {  	s1 =	ssub.s32 @!p0 $0x0, s1;
	[sflag:s0] =	ssyncset.done @!p0 $0x0  }
0xa5: {  	[sflag:s0] =	ssyncadd.s32 @!p0 s1  }
0xa6: {  	[bflag:$0x3] =	sbarrier.arrive $0xFFFF  }
0xa7: {  	_ =	shalt  }

// kernel: seg_sum.7.cloned.1.call-start
scs
__scs_entry_jumppad:
0x0: {  	(pc) =	sbr.rel $0x88, $3  }
0x1: {  	(tag) =	ssettag $0x0;
	lr =	simm.s32 $0x1  }
0x2: {  	[smem:$0x3F92] =	sst lr;
	_ =	strace $0xD0000000  }
0x3: {  	_ = 	snop  }
0x4: {  	_ = 	snop  }
0x5: {  	_ = 	snop  }
0x6: {  	_ = 	snop  }
0x7: {  	_ = 	snop  }
__scs_overlays_trampoline_lowered:
0x8: {  	[smem:$0x3FA1] =	sst s0  }
0x9: {  	[smem:$0x3FA2] =	sst s1  }
0xa: {  	[smem:$0x3FA3] =	sst s2  }
0xb: {  	[smem:$0x3FA4] =	sst s3  }
0xc: {  	[smem:$0x3FA5] =	sst s4  }
0xd: {  	[smem:$0x3FA6] =	sst s5  }
0xe: {  	[smem:$0x3FA7] =	sst s6  }
0xf: {  	[smem:$0x3FA8] =	sst s7  }
0x10: {  	[smem:$0x3FA9] =	sst s8  }
0x11: {  	[smem:$0x3FAA] =	sst s9;
	s0 =	simm.s32 @!p0 $0x0  }
0x12: {  	s1 =	sld [smem:$0x3F90];
	s0 =	simm.s32 @p0 $0x1  }
0x13: {  	[smem:$0x3FAB] =	sst s0;
	s0 =	simm.s32 @!p1 $0x0  }
0x14: {  	s2 =	sld [smem:$0x3F8F];
	s0 =	simm.s32 @p1 $0x1  }
0x15: {  	[smem:$0x3FAC] =	sst s0;
	s0 =	simm.s32 @!p2 $0x0  }
0x16: {  	s3 =	sld [smem:$0x3FDB];
	s0 =	simm.s32 @p2 $0x1  }
0x17: {  	s4 =	simm.s32 $0x1BF5;
	[smem:$0x3FAE] =	sst s0  }
0x18: {  	s0 =	sld [smem:$0x3F91];
	_ =	swait.ge [sflag:s4], $0x0  }
0x19: {  	s7 =	sld [smem:$0x3F92]  }
0x1a: {  	s8 =	sadd.s32 $0xFFFFE003, lr  }
0x1b: {  	s9 =	sadd.s32 $0xFFFFFEF7, lr;
	s5 =	simm.s32 $0xFFFFFFFF;
	p2 =	slt.u32 s8, $0xFFFFF086  }
0x1c: {  	p1 =	slt.u32 s9, $0xF7A;
	s5 =	simm.s32 @!p2 $0x0  }
0x1d: {  	s5 =	simm.s32 @p1 $0x1;
	p0 =	seq.s32 s7, s2  }
0x1e: {  	s7 =	smul.u32 @!p0 $0xF7A, s2;
	p2 =	seq.s32 @!p0 s5, $0x0  }
0x1f: {  	s9 =	smul.u32 $0xF7A, s1;
	s8 =	simm.s32 @!p0 $0x1BF5;
	p2 =	por !p2, p0  }
0x20: {  	[sflag:s8] =	ssyncset.s32 @!p0 $0xFFFFF086;
	s6 =	sadd.s32 @!p0 s3, s7;
	s7 =	simm.s32 @!p0 $0x108  }
0x21: {  	s3 =	sadd.s32 s3, s9;
	s6 =	sadd.s32 @!p0 $0x88, s6;
	s7 =	simm.s32 @p2 $0x1082  }
0x22: {  	[simem:s7], [sflag:s8] =	dma.local @!p0 [hbm:s6], $0xF7A  }
0x23: {  	s9 =	sor.u32 $0xD0000000, s2;
	s6 =	simm.s32 $0x108;
	_ =	swait.ge @!p0 [sflag:s8], $0x0  }
0x24: {  	s3 =	sadd.s32 $0x88, s3;
	s6 =	simm.s32 @!p1 $0x1082;
	[sflag:s4] =	ssyncset.s32 $0xFFFFF086  }
0x25: {  	[simem:s6], [sflag:s4] =	dma.local [hbm:s3], $0xF7A  }
0x26: {  	[smem:$0x3F92] =	sst s1;
	(tag) =	ssettag s2;
	_ =	strace s9  }
0x27: {  	s1 =	sld [smem:$0x3FA2]  }
0x28: {  	s2 =	sld [smem:$0x3FA3]  }
0x29: {  	s4 =	sld [smem:$0x3FA5]  }
0x2a: {  	p0 =	seq.s32 s5, $0x0;
	s5 =	sld [smem:$0x3FA6]  }
0x2b: {  	s6 =	sld [smem:$0x3FA7]  }
0x2c: {  	s7 =	sld [smem:$0x3FA8]  }
0x2d: {  	s3 =	simm.s32 $0x108;
	s8 =	sld [smem:$0x3FA9]  }
0x2e: {  	s3 =	simm.s32 @!p0 $0x1082;
	s9 =	sld [smem:$0x3FAA]  }
0x2f: {  	lr =	sadd.s32 s0, s3;
	s0 =	sld [smem:$0x3FA1]  }
0x30: {  	s3 =	sld [smem:$0x3FA4]  }
0x31: {  	[smem:$0x3FAD] =	sst s10  }
0x32: {  	s10 =	sld [smem:$0x3FAB];
	_ =	sdelay $0x3  }
0x33: {  	p0 =	seq.s32 s10, $0x1;
	s10 =	sld [smem:$0x3FAD];
	_ =	sdelay $0x3  }
0x34: {  	[smem:$0x3FAD] =	sst s10  }
0x35: {  	s10 =	sld [smem:$0x3FAC];
	_ =	sdelay $0x3  }
0x36: {  	p1 =	seq.s32 s10, $0x1;
	s10 =	sld [smem:$0x3FAD];
	_ =	sdelay $0x3  }
0x37: {  	[smem:$0x3FAD] =	sst s10  }
0x38: {  	s10 =	sld [smem:$0x3FAE]  }
0x39: {  	_ = 	snop;
	(pc) =	sbr.ind lr, $3  }
0x3a: {  	_ = 	snop  }
0x3b: {  	_ = 	snop  }
0x3c: {  	p2 =	seq.s32 s10, $0x1;
	s10 =	sld [smem:$0x3FAD]  }
0x3d: {  	_ =	shalt  }
0x3e: {  	_ =	shalt  }
0x3f: {  	_ =	shalt  }
0x40: {  	_ =	shalt  }
0x41: {  	_ =	shalt  }
0x42: {  	_ =	shalt  }
0x43: {  	_ =	shalt  }
0x44: {  	_ =	shalt  }
0x45: {  	_ =	shalt  }
0x46: {  	_ =	shalt  }
0x47: {  	_ =	shalt  }
0x48: {  	_ =	shalt  }
0x49: {  	_ =	shalt  }
0x4a: {  	_ =	shalt  }
0x4b: {  	_ =	shalt  }
0x4c: {  	_ =	shalt  }
0x4d: {  	_ =	shalt  }
0x4e: {  	_ =	shalt  }
0x4f: {  	_ =	shalt  }
0x50: {  	_ =	shalt  }
0x51: {  	_ =	shalt  }
0x52: {  	_ =	shalt  }
0x53: {  	_ =	shalt  }
0x54: {  	_ =	shalt  }
0x55: {  	_ =	shalt  }
0x56: {  	_ =	shalt  }
0x57: {  	_ =	shalt  }
0x58: {  	_ =	shalt  }
0x59: {  	_ =	shalt  }
0x5a: {  	_ =	shalt  }
0x5b: {  	_ =	shalt  }
0x5c: {  	_ =	shalt  }
0x5d: {  	_ =	shalt  }
0x5e: {  	_ =	shalt  }
0x5f: {  	_ =	shalt  }
0x60: {  	_ =	shalt  }
0x61: {  	_ =	shalt  }
0x62: {  	_ =	shalt  }
0x63: {  	_ =	shalt  }
0x64: {  	_ =	shalt  }
0x65: {  	_ =	shalt  }
0x66: {  	_ =	shalt  }
0x67: {  	_ =	shalt  }
0x68: {  	_ =	shalt  }
0x69: {  	_ =	shalt  }
0x6a: {  	_ =	shalt  }
0x6b: {  	_ =	shalt  }
0x6c: {  	_ =	shalt  }
0x6d: {  	_ =	shalt  }
0x6e: {  	_ =	shalt  }
0x6f: {  	_ =	shalt  }
0x70: {  	_ =	shalt  }
0x71: {  	_ =	shalt  }
0x72: {  	_ =	shalt  }
0x73: {  	_ =	shalt  }
0x74: {  	_ =	shalt  }
0x75: {  	_ =	shalt  }
0x76: {  	_ =	shalt  }
0x77: {  	_ =	shalt  }
0x78: {  	_ =	shalt  }
0x79: {  	_ =	shalt  }
0x7a: {  	_ =	shalt  }
0x7b: {  	_ =	shalt  }
0x7c: {  	_ =	shalt  }
0x7d: {  	_ =	shalt  }
0x7e: {  	_ =	shalt  }
0x7f: {  	_ =	shalt  }
0x80: {  	_ =	shalt  }
0x81: {  	_ =	shalt  }
0x82: {  	_ =	shalt  }
0x83: {  	_ =	shalt  }
0x84: {  	_ =	shalt  }
0x85: {  	_ =	shalt  }
0x86: {  	_ =	shalt  }
0x87: {  	_ =	shalt  }
.Lfunc_end0:
.L_simem_size_0:
called_computation.2_lowered:
.L_overlay_start_0:
0x88: {  	s2 =	sld [smem:$0x3FD9]  }
0x89: {  	s3 =	sld [smem:$0x3FFE];
	_ =	sdelay $0x1  }
0x8a: {  	s1 =	srdreg.scid  }
0x8b: {  	s0 =	sand.u32 $0x1, s1  }
0x8c: {  	s17 =	sshll.u32 s0, $0xA;
	s2 =	sadd.s32 s3, s2  }
0x8d: {  	s2 =	sadd.s32 s2, s17  }
0x8e: {  	[smem:$0x3FB9] =	sst s2  }
0x8f: {  	_ = 	snop  }
0x90: {  	s2 =	sld [smem:$0x3FD0];
	(tm) =	ssettm $0x1  }
0x91: {  	s18 =	sld [smem:$0x3FFB];
	_ =	sdelay $0x3  }
0x92: {  	_ =	strace s18  }
0x93: {  	s3 =	sld [smem:$0x3FFC];
	_ =	sdelay $0x3  }
0x94: {  	_ =	strace s3  }
0x95: {  	s3 =	sld [smem:$0x3FFD];
	_ =	sdelay $0x3  }
0x96: {  	_ =	strace s3  }
0x97: {  	_ =	strace $0x8FFFFFFF  }
0x98: {  	s19 =	sld [smem:$0x3FDB];
	_ =	sdelay $0x1  }
0x99: {  	s4 =	simm.s32 $_scs_section_size  }
0x9a: {  	s5 =	simm.s32 $_size__tile_overlayer_lowered;
	s6 =	simm.s32 $_tile_overlayer_lowered  }
0x9b: {  	s22 =	simm.s32 $0x1BFF;
	s21 =	sshll.u32 s6, $0x1;
	s3 =	sadd.s32 s4, s19  }
0x9c: {  	s7 =	simm.s32 $0x0;
	s20 =	sshll.u32 s5, $0x1;
	s5 =	sadd.s32 s21, s3  }
0x9d: {  	[timem:s7], [sflag:s22] =	dma.local [hbm:s5], s20  }
0x9e: {  	_ =	swait.ge [sflag:s22], s20  }
0x9f: {  	s4 =	ssub.s32 $0x0, s20;
	[sflag:s22] =	ssyncset.done $0x0  }
0xa0: {  	[sflag:s22] =	ssyncadd.s32 s4;
	_ =	sdelay $0x1  }
0xa1: {  	s23 =	simm.s32 $0x1B8B  }
0xa2: {  	_ =	swait.ge [sflag:s23], $0x1  }
0xa3: {  	[sflag:s23] =	ssyncset.done $0x0  }
0xa4: {  	s25 =	simm.s32 $0x1B8E;
	s24 =	sld [smem:$0x3FFE];
	[sflag:s23] =	ssyncadd.s32 $0xFFFFFFFF  }
0xa5: {  	s26 =	simm.s32 $execute0_lowered;
	[smem:$0x3FD2] =	sst s25  }
0xa6: {  	s5 =	sshll.u32 s26, $0x1;
	_ =	strace $0x8000004C;
	[dreg:$0x1] =	wrdreg $0xFFFFFFFF  }
0xa7: {  	s28 =	simm.s32 $_size_execute0_lowered;
	s3 =	sadd.s32 s3, s5;
	[dreg:$0x0] =	wrdreg $0x0  }
0xa8: {  	s5 =	sshll.u32 s28, $0x1;
	[dreg:$0x2] =	wrdreg s3  }
0xa9: {  	[dreg:$0x3] =	wrdreg s5  }
0xaa: {  	[dreg:$0x4] =	wrdreg $0xC0  }
0xab: {  	_ =	task [dreg:s7], $0x5FFFF  }
0xac: {  	[dreg:$0x1] =	wrdreg $0xFFFFFFFF  }
0xad: {  	[dreg:$0x0] =	wrdreg $0x60  }
0xae: {  	[dreg:$0x2] =	wrdreg s2  }
0xaf: {  	[dreg:$0x3] =	wrdreg s24  }
0xb0: {  	[dreg:$0x4] =	wrdreg $0x9F000  }
0xb1: {  	[dreg:$0x5] =	wrdreg $0x9  }
0xb2: {  	_ =	task.clear_ibuf [dreg:s7], $0x6FFFF;
	_ =	strace $0x9000004C  }
0xb3: {  	s29 =	simm.s32 $0x9;
	_ =	strace $0x8000004E  }
0xb4: {  	_ =	swait.ge [sflag:s29], $0x1  }
0xb5: {  	[sflag:s29] =	ssyncadd.s32 $0xFFFFFFFF  }
0xb6: {  	_ =	strace $0x9000004E  }
0xb7: {  	_ =	sfence  }
0xb8: {  	s30 =	sld [smem:$0x0];
	_ =	sdelay $0x2  }
0xb9: {  	s31 =	sshll.u32 s1, $0xD;
	s1 =	sshrl.u32 s1, $0x2  }
0xba: {  	s3 =	sand.u32 $0x4000, s31;
	s1 =	sadd.s32 s1, s30  }
0xbb: {  	s0 =	sor.u32 s3, s0;
	s1 =	sshll.u32 s1, $0x11  }
0xbc: {  	s0 =	sor.u32 s1, s0  }
0xbd: {  	s0 =	sadd.s32 $0x8F2B, s0  }
0xbe: {  	[sflag:s0] =	ssyncadd.remote.s32 $0x1  }
0xbf: {  	_ =	sfence.sel $0xFFFF  }
0xc0: {  	[dreg:$0x0] =	wrdreg $0xFFFFFFFF;
	(pc) =	sbr.abs _section_cstart, $3  }
0xc1: {  	[dreg:$0x1] =	wrdreg $0xFFFFFFFF  }
0xc2: {  	_ =	task.clear_ibuf [dreg:s7], $0x2FFFF;
	_ =	strace $0x9FFFFFFF  }
0xc3: {  	(tm) =	ssettm $0x7FFFFFFF  }
tec
execute0_lowered:
.L_overlay_start_1:
0x0: {  	(tag) =	ssettag $0x1  }
0x1: {  	s1 =	rddreg [dreg:$0x0]  }
0x2: {  	s5 =	rddreg [dreg:$0x1]  }
0x3: {  	s2 =	srdreg.scid;
	s0 =	stileid.u32  }
0x4: {  	s3 =	rddreg [dreg:$0x2];
	s4 =	simm.s32 $0x0;
	s21 =	simm.s32 $0x4F00  }
0x5: {  	s22 =	simm.s32 $0x50;
	s23 =	simm.s32 $0x7700;
	s24 =	simm.s32 $0x1  }
0x6: {  	s25 =	simm.s32 $0x4;
	s26 =	simm.s32 $0x2;
	s28 =	simm.s32 $0x4E40  }
0x7: {  	s29 =	simm.s32 $0x0;
	s8 =	sand.u32 $0x1, s2;
	s6 =	sshll.u32 s0, $0x1  }
0x8: {  	[smem:$0x7FF] =	sst s4;
	s9 =	smul.u32 $0x4E000, s0;
	s16 =	sadd.s32 $0x17600, s5  }
0x9: {  	s15 =	smul.u32 $0x13800, s0;
	p0 =	sne.s32 s0, $0xF;
	s6 =	sor.u32 s8, s6  }
0xa: {  	_ =	strace $0x8000004D;
	s7 =	ssub.s32 $0x2, s8;
	s14 =	smul.u32 $0x138800, s8  }
0xb: {  	s6 =	smul.u32 $0x4E2, s6;
	s30 =	sshrl.u32 s7, $0x1;
	s31 =	sshrl.u32 s9, $0x2  }
0xc: {  	s18 =	ssub.s32 s7, s30;
	s7 =	sadd.s32 s31, s3;
	s15 =	sadd.s32 s15, s14  }
0xd: {  	s17 =	sshrl.u32 s14, $0x3;
	s6 =	sadd.s32 s6, s5;
	s8 =	sadd.s32 $0x2800, s7  }
0xe: {  	s9 =	sadd.s32 $0x5000, s7;
	s10 =	sadd.s32 $0x7800, s7;
	s11 =	sadd.s32 $0xA000, s7  }
0xf: {  	s12 =	sadd.s32 $0xC800, s7;
	s13 =	sadd.s32 $0xF000, s7;
	s14 =	sadd.s32 $0x11800, s7  }
0x10: {  	s19 =	sshrl.u32 s15, $0x3;
	s17 =	sadd.s32 s16, s17;
	s15 =	sadd.s32 $0x138000, s3  }
0x11: {  	s18 =	smax.u32 s18, $0x1;
	s5 =	sadd.s32 $0xD800, s6;
	s6 =	sadd.s32 $0x3A00, s6  }
0x12: {  	v0 =	vimm.f32 $0.0e+00;
	s16 =	sadd.s32 s16, s19;
	s17 =	sadd.s32 $0x27000, s17;
	s19 =	simm.s32 $0x3  }
.LBB2_1:
0x13: {  	[tilespmem:s4], [sflag:$0x3] =	stream.linear.gather [hbm4b:s5+s4], $0x2710, $0x38;
	[tilespmem:$0x1D780] =	vst v63  }
0x14: {  	_ =	swait.ge [sflag:s19], $0x2710  }
0x15: {  	[sflag:s19] =	ssyncset.done $0x0  }
0x16: {  	s0 =	simm.s32 $0x2780;
	[sflag:s19] =	ssyncadd.s32 $0xFFFFD8F0  }
0x17: {  	[tilespmem:s0], [sflag:$0x3] =	stream.linear.gather [hbm4b:s6+s4], $0x2710, $0x38;
	[tilespmem:$0x1D780] =	vst v63  }
0x18: {  	_ =	swait.ge [sflag:s19], $0x2710  }
0x19: {  	[sflag:s19] =	ssyncset.done $0x0  }
0x1a: {  	s30 =	simm.s32 $0x0;
	s31 =	simm.s32 $0x200;
	[sflag:s19] =	ssyncadd.s32 $0xFFFFD8F0  }
.LBB2_2:
0x1b: {  	p1 =	sne.s32 s31, $0x9E00;
	[tilespmem:s30+$0x4F70] =	vst v0  }
0x1c: {  	[tilespmem:s30+$0x4F00] =	vst v0  }
0x1d: {  	[tilespmem:s30+$0x4F10] =	vst v0  }
.Ltmp0:
0x1e: {  	[tilespmem:s30+$0x4F20] =	vst v0;
	(pc) =	sbr.rel @p1 .LBB2_2-.Ltmp0, $4  }
0x1f: {  	[tilespmem:s30+$0x4F30] =	vst v0  }
0x20: {  	[tilespmem:s30+$0x4F40] =	vst v0  }
0x21: {  	[tilespmem:s30+$0x4F50] =	vst v0  }
0x22: {  	[tilespmem:s30+$0x4F60] =	vst v0;
	s30 =	sshra.s32 s31, $0x2;
	s31 =	sadd.s32 $0x200, s31  }
0x23: {  	[tilespmem:s30+$0x4F70] =	vst v0  }
0x24: {  	[tilespmem:s30+$0x4F00] =	vst v0  }
0x25: {  	[tilespmem:s30+$0x4F10] =	vst v0  }
0x26: {  	[tilespmem:s30+$0x4F20] =	vst v0  }
0x27: {  	[tilespmem:s30+$0x4F30] =	vst v0  }
0x28: {  	[tilespmem:s30+$0x4F40] =	vst v0  }
0x29: {  	[tilespmem:s30+$0x4F50] =	vst v0  }
0x2a: {  	[tilespmem:s30+$0x4F60] =	vst v0  }
0x2b: {  	[spmem:s7] =	stream.linear.scatter [tilespmem:s21], [sflag:$0x3], $0x2800, $0x38;
	[tilespmem:$0x1D780] =	vst v63  }
0x2c: {  	_ =	swait.ge [sflag:s19], $0x2800  }
0x2d: {  	[sflag:s19] =	ssyncset.done $0x0  }
0x2e: {  	[sflag:s19] =	ssyncadd.s32 $0xFFFFD800  }
0x2f: {  	[spmem:s8] =	stream.linear.scatter [tilespmem:s21], [sflag:$0x3], $0x2800, $0x38;
	[tilespmem:$0x1D780] =	vst v63  }
0x30: {  	_ =	swait.ge [sflag:s19], $0x2800  }
0x31: {  	[sflag:s19] =	ssyncset.done $0x0  }
0x32: {  	[sflag:s19] =	ssyncadd.s32 $0xFFFFD800  }
0x33: {  	[spmem:s9] =	stream.linear.scatter [tilespmem:s21], [sflag:$0x3], $0x2800, $0x38;
	[tilespmem:$0x1D780] =	vst v63  }
0x34: {  	_ =	swait.ge [sflag:s19], $0x2800  }
0x35: {  	[sflag:s19] =	ssyncset.done $0x0  }
0x36: {  	[sflag:s19] =	ssyncadd.s32 $0xFFFFD800  }
0x37: {  	[spmem:s10] =	stream.linear.scatter [tilespmem:s21], [sflag:$0x3], $0x2800, $0x38;
	[tilespmem:$0x1D780] =	vst v63  }
0x38: {  	_ =	swait.ge [sflag:s19], $0x2800  }
0x39: {  	[sflag:s19] =	ssyncset.done $0x0  }
0x3a: {  	[sflag:s19] =	ssyncadd.s32 $0xFFFFD800  }
0x3b: {  	[spmem:s11] =	stream.linear.scatter [tilespmem:s21], [sflag:$0x3], $0x2800, $0x38;
	[tilespmem:$0x1D780] =	vst v63  }
0x3c: {  	_ =	swait.ge [sflag:s19], $0x2800  }
0x3d: {  	[sflag:s19] =	ssyncset.done $0x0  }
0x3e: {  	[sflag:s19] =	ssyncadd.s32 $0xFFFFD800  }
0x3f: {  	[spmem:s12] =	stream.linear.scatter [tilespmem:s21], [sflag:$0x3], $0x2800, $0x38;
	[tilespmem:$0x1D780] =	vst v63  }
0x40: {  	_ =	swait.ge [sflag:s19], $0x2800  }
0x41: {  	[sflag:s19] =	ssyncset.done $0x0  }
0x42: {  	[sflag:s19] =	ssyncadd.s32 $0xFFFFD800  }
0x43: {  	[spmem:s13] =	stream.linear.scatter [tilespmem:s21], [sflag:$0x3], $0x2800, $0x38;
	[tilespmem:$0x1D780] =	vst v63  }
0x44: {  	_ =	swait.ge [sflag:s19], $0x2800  }
0x45: {  	[sflag:s19] =	ssyncset.done $0x0  }
0x46: {  	[sflag:s19] =	ssyncadd.s32 $0xFFFFD800  }
0x47: {  	[spmem:s14] =	stream.linear.scatter [tilespmem:s21], [sflag:$0x3], $0x2000, $0x38;
	[tilespmem:$0x1D780] =	vst v63  }
0x48: {  	_ =	swait.ge [sflag:s19], $0x2000  }
0x49: {  	[sflag:s19] =	ssyncset.done $0x0  }
0x4a: {  	s30 =	simm.s32 @!p0 $0x4F00;
	[sflag:s19] =	ssyncadd.s32 $0xFFFFE000  }
0x4b: {  	[spmem:s15] =	stream.linear.scatter @!p0 [tilespmem:s30], [sflag:$0x3], $0x800, $0x38;
	[tilespmem:$0x1D780] =	vst v63  }
0x4c: {  	s30 =	simm.s32 @!p0 $0x3  }
0x4d: {  	_ =	swait.ge @!p0 [sflag:s30], $0x800  }
0x4e: {  	[sflag:s30] =	ssyncset.done @!p0 $0x0  }
0x4f: {  	[sflag:s30] =	ssyncadd.s32 @!p0 $0xFFFFF800  }
0x50: {  	s30 =	simm.s32 $0x0;
	[bflag:$0x0] =	sbarrier.arrive $0xFFFF  }
0x51: {  	[tilespmem:s21], [sflag:$0x1] =	stream.indirect.gather [hbm4b:s1+s22], $0x80, s30, s22, $0xb8;
	[tilespmem:$0x1D780] =	vst v63  }
0x52: {  	s30 =	simm.s32 $0x50  }
0x53: {  	[tilespmem:s23], [sflag:$0x2] =	stream.indirect.gather [hbm4b:s1+s22], $0x80, s30, s22, $0xb8;
	[tilespmem:$0x1D780] =	vst v63  }
0x54: {  	_ =	swait.ge [sflag:s24], $0x2800  }
0x55: {  	[sflag:s24] =	ssyncset.done $0x0  }
0x56: {  	s30 =	simm.s32 $0x2780;
	[sflag:s24] =	ssyncadd.s32 $0xFFFFD800  }
0x57: {  	[spmem:s3] =	stream.indirect.scatter.add.f32 [tilespmem:s21], [sflag:$0x4], $0x80, s30, s22, $0xb8;
	[tilespmem:$0x1D780] =	vst v63  }
0x58: {  	_ =	swait.ge [sflag:s25], $0x2800  }
0x59: {  	[sflag:s25] =	ssyncset.done $0x0  }
0x5a: {  	s30 =	simm.s32 $0xA0;
	[sflag:s25] =	ssyncadd.s32 $0xFFFFD800  }
0x5b: {  	[tilespmem:s21], [sflag:$0x1] =	stream.indirect.gather [hbm4b:s1+s22], $0x80, s30, s22, $0xb8;
	[tilespmem:$0x1D780] =	vst v63  }
0x5c: {  	_ =	swait.ge [sflag:s26], $0x2800  }
0x5d: {  	[sflag:s26] =	ssyncset.done $0x0  }
0x5e: {  	s30 =	simm.s32 $0x27D0;
	[sflag:s26] =	ssyncadd.s32 $0xFFFFD800  }
0x5f: {  	[spmem:s3] =	stream.indirect.scatter.add.f32 [tilespmem:s23], [sflag:$0x3], $0x80, s30, s22, $0xb8;
	[tilespmem:$0x1D780] =	vst v63  }
0x60: {  	_ =	swait.ge [sflag:s19], $0x2800  }
0x61: {  	s31 =	simm.s32 $0x500;
	s30 =	simm.s32 $0xA0;
	[sflag:s19] =	ssyncset.done $0x0  }
.LBB2_4:
0x62: {  	s2 =	sadd.s32 $0x50, s30  }
0x63: {  	[sflag:s19] =	ssyncadd.s32 $0xFFFFD800;
	s0 =	smov.u32 s31;
	s20 =	sadd.s32 $0x280, s31  }
0x64: {  	[tilespmem:s23], [sflag:$0x2] =	stream.indirect.gather [hbm4b:s1+s22], $0x80, s2, s22, $0xb8;
	[tilespmem:$0x1D780] =	vst v63  }
0x65: {  	p1 =	sne.s32 s31, $0x9880;
	_ =	swait.ge [sflag:s24], $0x2800  }
0x66: {  	[sflag:s24] =	ssyncset.done $0x0  }
0x67: {  	s2 =	sadd.s32 $0x2780, s30;
	[sflag:s24] =	ssyncadd.s32 $0xFFFFD800  }
0x68: {  	[spmem:s3] =	stream.indirect.scatter.add.f32 [tilespmem:s21], [sflag:$0x4], $0x80, s2, s22, $0xb8;
	[tilespmem:$0x1D780] =	vst v63  }
0x69: {  	_ =	swait.ge [sflag:s25], $0x2800  }
0x6a: {  	[sflag:s25] =	ssyncset.done $0x0  }
0x6b: {  	s2 =	sadd.s32 $0xA0, s30;
	[sflag:s25] =	ssyncadd.s32 $0xFFFFD800  }
0x6c: {  	[tilespmem:s21], [sflag:$0x1] =	stream.indirect.gather [hbm4b:s1+s22], $0x80, s2, s22, $0xb8;
	[tilespmem:$0x1D780] =	vst v63  }
0x6d: {  	_ =	swait.ge [sflag:s26], $0x2800  }
.Ltmp1:
0x6e: {  	[sflag:s26] =	ssyncset.done $0x0;
	(pc) =	sbr.rel @p1 .LBB2_4-.Ltmp1, $4  }
0x6f: {  	s2 =	sadd.s32 $0x27D0, s30;
	[sflag:s26] =	ssyncadd.s32 $0xFFFFD800  }
0x70: {  	[spmem:s3] =	stream.indirect.scatter.add.f32 [tilespmem:s23], [sflag:$0x3], $0x80, s2, s22, $0xb8;
	[tilespmem:$0x1D780] =	vst v63  }
0x71: {  	_ =	swait.ge [sflag:s19], $0x2800  }
0x72: {  	s31 =	smov.u32 s20;
	s30 =	sshra.s32 s0, $0x2;
	[sflag:s19] =	ssyncset.done $0x0  }
0x73: {  	s0 =	sadd.s32 $0x50, s30;
	[sflag:s19] =	ssyncadd.s32 $0xFFFFD800  }
0x74: {  	[tilespmem:s23], [sflag:$0x2] =	stream.indirect.gather [hbm4b:s1+s22], $0x80, s0, s22, $0xb8;
	[tilespmem:$0x1D780] =	vst v63  }
0x75: {  	_ =	swait.ge [sflag:s24], $0x2800  }
0x76: {  	[sflag:s24] =	ssyncset.done $0x0  }
0x77: {  	s2 =	sadd.s32 $0x2780, s30;
	[sflag:s24] =	ssyncadd.s32 $0xFFFFD800  }
0x78: {  	[spmem:s3] =	stream.indirect.scatter.add.f32 [tilespmem:s21], [sflag:$0x4], $0x80, s2, s22, $0xb8;
	[tilespmem:$0x1D780] =	vst v63  }
0x79: {  	_ =	swait.ge [sflag:s25], $0x2800  }
0x7a: {  	[sflag:s25] =	ssyncset.done $0x0  }
0x7b: {  	s20 =	sadd.s32 $0xA0, s30;
	[sflag:s25] =	ssyncadd.s32 $0xFFFFD800  }
0x7c: {  	[tilespmem:s21], [sflag:$0x1] =	stream.indirect.gather [hbm4b:s1+s22], $0x80, s20, s22, $0xb8;
	[tilespmem:$0x1D780] =	vst v63  }
0x7d: {  	_ =	swait.ge [sflag:s26], $0x2800  }
0x7e: {  	[sflag:s26] =	ssyncset.done $0x0  }
0x7f: {  	s30 =	sadd.s32 $0x27D0, s30;
	[sflag:s26] =	ssyncadd.s32 $0xFFFFD800  }
0x80: {  	[spmem:s3] =	stream.indirect.scatter.add.f32 [tilespmem:s23], [sflag:$0x3], $0x80, s30, s22, $0xb8;
	[tilespmem:$0x1D780] =	vst v63  }
0x81: {  	_ =	swait.ge [sflag:s19], $0x2800  }
0x82: {  	[sflag:s19] =	ssyncset.done $0x0  }
0x83: {  	[sflag:s19] =	ssyncadd.s32 $0xFFFFD800  }
0x84: {  	_ =	swait.ge [sflag:s24], $0x2800  }
0x85: {  	[sflag:s24] =	ssyncset.done $0x0  }
0x86: {  	[sflag:s24] =	ssyncadd.s32 $0xFFFFD800  }
0x87: {  	[spmem:s3] =	stream.indirect.scatter.add.f32 [tilespmem:s21], [sflag:$0x4], $0x80, s28, s22, $0xb8;
	[tilespmem:$0x1D780] =	vst v63  }
0x88: {  	_ =	swait.ge [sflag:s25], $0x2800  }
0x89: {  	s31 =	stileid.u32;
	[sflag:s25] =	ssyncset.done $0x0  }
0x8a: {  	s0 =	sshll.u32 s31, $0x6;
	[sflag:s25] =	ssyncadd.s32 $0xFFFFD800  }
0x8b: {  	s0 =	sor.u32 $0x1C03, s0;
	s2 =	sshrl.u32 s7, $0x3;
	[bflag:$0x0] =	sbarrier.arrive $0xFFFF  }
0x8c: {  	[hbm:s16], [sflag:s0] =	dma.local [spmem:s2], $0x2700  }
0x8d: {  	_ =	swait.ge [sflag:s19], $0x2700  }
0x8e: {  	s29 =	sadd.s32 $0x1, s29;
	[sflag:s19] =	ssyncset.done $0x0  }
0x8f: {  	p1 =	sne.s32 s29, s18;
	s2 =	sshrl.u32 @!p0 s15, $0x3;
	[sflag:s19] =	ssyncadd.s32 $0xFFFFD900  }
0x90: {  	[hbm:s17], [sflag:s0] =	dma.local @!p0 [spmem:s2], $0x100  }
.Ltmp2:
0x91: {  	_ = 	snop;
	(pc) =	sbr.rel @p1 .LBB2_1-.Ltmp2, $4  }
0x92: {  	s0 =	simm.s32 @!p0 $0x3  }
0x93: {  	_ =	swait.ge @!p0 [sflag:s0], $0x100  }
0x94: {  	[sflag:s0] =	ssyncset.done @!p0 $0x0  }
0x95: {  	[sflag:s0] =	ssyncadd.s32 @!p0 $0xFFFFFF00  }
0x96: {  	_ =	sfence.sel $0x180000  }
0x97: {  	[bflag:$0x0] =	sbarrier.arrive $0xFFFF  }
0x98: {  	_ =	strace $0x9000004D  }
0x99: {  	s0 =	stileid.u32;
	[bflag:$0x2] =	sbarrier.arrive $0xFFFF  }
0x9a: {  	p0 =	sne.s32 s0, $0x0;
	s0 =	rddreg [dreg:$0x3]  }
0x9b: {  	s0 =	sadd.s32 @!p0 $0x100000, s0  }
0x9c: {  	[sflag:s0] =	ssyncadd.tile.s32 @!p0 $0x1;
	_ =	shalt  }
.Lfunc_end2:
_tile_overlayer_lowered:
.L_overlay_start_2:
0x9d: {  	(tag) =	ssettag $0x2  }
0x9e: {  	s0 =	rddreg [dreg:$0x0];
	s2 =	stileid.u32  }
0x9f: {  	s1 =	rddreg [dreg:$0x1];
	p0 =	sne.s32 s2, $0x0  }
0xa0: {  	s3 =	rddreg [dreg:$0x2];
	[bflag:$0x3] =	sbarrier.arrive $0xFFFF;
	s2 =	simm.s32 @!p0 $0x1C03  }
0xa1: {  	[timem:s3], [sflag:s2] =	dma.local @!p0 [hbm:s0], s1  }
0xa2: {  	s0 =	simm.s32 @!p0 $0x3  }
0xa3: {  	_ =	swait.ge @!p0 [sflag:s0], s1  }
0xa4: {  	s1 =	ssub.s32 @!p0 $0x0, s1;
	[sflag:s0] =	ssyncset.done @!p0 $0x0  }
0xa5: {  	[sflag:s0] =	ssyncadd.s32 @!p0 s1  }
0xa6: {  	[bflag:$0x3] =	sbarrier.arrive $0xFFFF  }
0xa7: {  	_ =	shalt  }

</sc_bundles>
